<compile_context>
chip_gen: v7x
topology: tpu7x:2x2x1
jax: 0.10.2.dev20260603
libtpu: 0.0.44.dev20260713+nightly
codegen_flags: <defaults>
</compile_context>

<pallas_src>
import functools

import jax
import jax.numpy as jnp
from jax import lax
from jax.experimental import pallas as pl
from jax.experimental.pallas import tpu as pltpu
from jax.experimental.pallas import tpu_sc as plsc


def _prim_kernel(d1_ref, d2_ref, rows1_ref, rows2_ref, md1_ref, md2_ref,
                 matched_ref):
    n, S, L = d1_ref.shape
    iota = (lax.broadcasted_iota(jnp.int32, (S, L), 0) * L
            + lax.broadcasted_iota(jnp.int32, (S, L), 1))
    INF = jnp.float32(jnp.inf)
    root = iota == 0
    sub_iota = lax.broadcasted_iota(jnp.int32, (S, 1), 0)

    def step(d_ref, masked, md, par):
        notin = masked < INF
        lane_idx = jnp.argmin(masked, axis=1).astype(jnp.int32).reshape(S, 1)
        lane_min = jnp.min(masked, axis=1).reshape(S, 1)
        lin = sub_iota * L + lane_idx
        lm = lane_min
        for sh in (4, 2, 1):
            lm_r = jnp.roll(lm, sh, axis=0)
            lin_r = jnp.roll(lin, sh, axis=0)
            take = (lm_r < lm) | ((lm_r == lm) & (lin_r < lin))
            lm = jnp.where(take, lm_r, lm)
            lin = jnp.where(take, lin_r, lin)
        v = lin[0, 0]
        row = d_ref[v]
        is_v = iota == v
        better = (row < masked) & notin
        masked_n = jnp.where(is_v, INF, jnp.where(better, row, masked))
        upd = better & jnp.logical_not(is_v)
        par_n = jnp.where(upd, v, par)
        md_n = jnp.where(upd, row, md)
        return masked_n, md_n, par_n

    def body(i, st):
        ma1, md1, par1, ma2, md2, par2 = st
        ma1, md1, par1 = step(d1_ref, ma1, md1, par1)
        ma2, md2, par2 = step(d2_ref, ma2, md2, par2)
        ma1, md1, par1 = step(d1_ref, ma1, md1, par1)
        ma2, md2, par2 = step(d2_ref, ma2, md2, par2)
        return (ma1, md1, par1, ma2, md2, par2)

    zero_i = jnp.zeros((S, L), jnp.int32)
    row0_1 = d1_ref[0]
    row0_2 = d2_ref[0]
    init = (jnp.where(root, INF, row0_1), row0_1, zero_i,
            jnp.where(root, INF, row0_2), row0_2, zero_i)
    st = lax.fori_loop(0, (n - 2) // 2, body, init)
    ma1, md1, par1, ma2, md2, par2 = st
    _, md1, par1 = step(d1_ref, ma1, md1, par1)
    _, md2, par2 = step(d2_ref, ma2, md2, par2)

    nonroot = jnp.logical_not(root)
    matched = jnp.sum(jnp.where((par1 == par2) & nonroot, 1.0, 0.0))

    rows1_ref[...] = par1 * (n // 128) + (iota >> 7)
    rows2_ref[...] = par2 * (n // 128) + (iota >> 7)
    md1_ref[...] = md1
    md2_ref[...] = md2
    matched_ref[...] = matched.reshape(1, 1)


def _finish_kernel(md1_ref, md2_ref, r12_ref, r21_ref, dist_ref, d12_ref,
                   d21_ref):
    S, L = md1_ref.shape
    n = S * L
    iota = (lax.broadcasted_iota(jnp.int32, (S, L), 0) * L
            + lax.broadcasted_iota(jnp.int32, (S, L), 1))
    sub8 = lax.broadcasted_iota(jnp.int32, (8, 128), 0)
    lane128 = lax.broadcasted_iota(jnp.int32, (8, 128), 1)
    nonroot = iota != 0

    def diag_select(r_ref):
        y = jnp.zeros((S, L), jnp.float32)
        for a in range(n // 128):
            p = jnp.zeros((8, 128), jnp.float32)
            for k in range(16):
                t = r_ref[a * 128 + 8 * k: a * 128 + 8 * k + 8, :]
                p = p + jnp.where(lane128 == 8 * k + sub8, t, 0.0)
            d = jnp.sum(p, axis=0, keepdims=True)
            y = y + jnp.where(sub8 == a, d, 0.0)
        return y

    s12 = diag_select(r12_ref)
    s21 = diag_select(r21_ref)
    e12 = jnp.where(nonroot, md1_ref[...] - s12, 0.0)
    e21 = jnp.where(nonroot, md2_ref[...] - s21, 0.0)
    d12 = jnp.sqrt(jnp.sum(e12 * e12))
    d21 = jnp.sqrt(jnp.sum(e21 * e21))
    dist_ref[...] = (d12 + d21).reshape(1, 1)
    d12_ref[...] = d12.reshape(1, 1)
    d21_ref[...] = d21.reshape(1, 1)


def _sc_info():
    try:
        info = plsc.get_sparse_core_info()
        return info.num_cores, info.num_subcores, info.num_lanes
    except Exception:
        return 2, 16, 16


def _make_sc_gather(n, nc, ns, lanes):
    nw = nc * ns
    bpw = n // nw
    halves = bpw // lanes
    mesh = plsc.VectorSubcoreMesh(
        core_axis_name="c", subcore_axis_name="s",
        num_cores=nc, num_subcores=ns)

    def body(d2f_ref, d1f_ref, rows1_ref, rows2_ref, r12_ref, r21_ref,
             idx_a, idx_b, rows_a, rows_b, sem_a, sem_b):
        wid = lax.axis_index("s") * nc + lax.axis_index("c")
        base = wid * bpw
        pltpu.sync_copy(rows1_ref.at[pl.ds(base, bpw)], idx_a)
        pltpu.sync_copy(rows2_ref.at[pl.ds(base, bpw)], idx_b)
        cp_a = pltpu.async_copy(d2f_ref.at[idx_a], rows_a, sem_a)
        cp_b = pltpu.async_copy(d1f_ref.at[idx_b], rows_b, sem_b)
        cp_a.wait()
        pltpu.sync_copy(rows_a, r12_ref.at[pl.ds(base, bpw)])
        cp_b.wait()
        pltpu.sync_copy(rows_b, r21_ref.at[pl.ds(base, bpw)])

    return pl.kernel(
        body,
        out_type=[jax.ShapeDtypeStruct((n, 128), jnp.float32)] * 2,
        mesh=mesh,
        scratch_types=[
            pltpu.VMEM((bpw,), jnp.int32),
            pltpu.VMEM((bpw,), jnp.int32),
            pltpu.VMEM((bpw, 128), jnp.float32),
            pltpu.VMEM((bpw, 128), jnp.float32),
            pltpu.SemaphoreType.DMA,
            pltpu.SemaphoreType.DMA,
        ],
    )


def kernel(distances1, distances2):
    n = distances1.shape[0]
    S = n // 128
    d1r = distances1.reshape(n, S, 128)
    d2r = distances2.reshape(n, S, 128)

    prim_out = [
        jax.ShapeDtypeStruct((S, 128), jnp.int32),
        jax.ShapeDtypeStruct((S, 128), jnp.int32),
        jax.ShapeDtypeStruct((S, 128), jnp.float32),
        jax.ShapeDtypeStruct((S, 128), jnp.float32),
        jax.ShapeDtypeStruct((1, 1), jnp.float32),
    ]
    rows1, rows2, md1, md2, matched = pl.pallas_call(
        _prim_kernel, out_shape=prim_out)(d1r, d2r)

    nc, ns, lanes = _sc_info()
    sc_gather = _make_sc_gather(n, nc, ns, lanes)
    r12, r21 = sc_gather(
        distances2.reshape(n * n // 128, 128),
        distances1.reshape(n * n // 128, 128),
        rows1.reshape(n), rows2.reshape(n))

    fin_out = [jax.ShapeDtypeStruct((1, 1), jnp.float32)] * 3
    dist, d12, d21 = pl.pallas_call(_finish_kernel, out_shape=fin_out)(
        md1, md2, r12, r21)
    return (dist[0, 0], matched[0, 0], d12[0, 0], d21[0, 0])

# --- scband reference (transcript-rebuilt; emitter-appended) ---
"""Pipeline reference for scband-topological-signature-distance-61804579389809 (READ-ONLY COPY).

The authoritative reference and input builder live on the scoring server;
editing this copy changes nothing except your own understanding.
"""

import jax, jax.numpy as jnp
import numpy as np


def mst_pairs(D, n):
    # 0-dim persistence pairs of a Vietoris-Rips filtration == MST edges (Prim's algorithm).
    INF = jnp.array(jnp.inf, dtype=D.dtype)
    min_dist = D[0]
    parent = jnp.zeros((n,), dtype=jnp.int32)
    in_tree = jnp.zeros((n,), dtype=bool).at[0].set(True)
    pairs = jnp.zeros((n - 1, 2), dtype=jnp.int32)

    def body(i, state):
        min_dist, parent, in_tree, pairs = state
        masked = jnp.where(in_tree, INF, min_dist)
        v = jnp.argmin(masked).astype(jnp.int32)
        pairs = pairs.at[i, 0].set(parent[v])
        pairs = pairs.at[i, 1].set(v)
        in_tree = in_tree.at[v].set(True)
        dv = D[v]
        upd = (dv < min_dist) & (~in_tree)
        parent = jnp.where(upd, v, parent)
        min_dist = jnp.where(upd, dv, min_dist)
        return (min_dist, parent, in_tree, pairs)

    state = jax.lax.fori_loop(0, n - 1, body, (min_dist, parent, in_tree, pairs))
    return state[3]


def sig_error(s1, s2):
    return jnp.sqrt(jnp.sum((s1 - s2) ** 2, axis=-1))


def setup_inputs(seed: int = 0) -> dict:
    key = jax.random.key(seed)
    k1, k2 = jax.random.split(key)
    n = 1024
    distances1 = jax.random.uniform(k1, (n, n), dtype=jnp.float32)
    distances2 = jax.random.uniform(k2, (n, n), dtype=jnp.float32)
    return {"distances1": distances1, "distances2": distances2}


def reference(distances1, distances2):
    n = distances1.shape[0]
    # pairings computed on detached matrices (mirrors .detach().numpy())
    pairs1 = mst_pairs(jax.lax.stop_gradient(distances1), n)
    pairs2 = mst_pairs(jax.lax.stop_gradient(distances2), n)

    sig1 = distances1[pairs1[:, 0], pairs1[:, 1]]
    sig2 = distances2[pairs2[:, 0], pairs2[:, 1]]

    # matched pairs count (set intersection of edge pairs)
    code1 = pairs1[:, 0].astype(jnp.int64) * n + pairs1[:, 1].astype(jnp.int64)
    code2 = pairs2[:, 0].astype(jnp.int64) * n + pairs2[:, 1].astype(jnp.int64)
    matched = jnp.sum(code1[:, None] == code2[None, :]).astype(jnp.float32)

    # match_edges == 'symmetric'
    sig1_2 = distances2[pairs1[:, 0], pairs1[:, 1]]
    sig2_1 = distances1[pairs2[:, 0], pairs2[:, 1]]
    distance1_2 = sig_error(sig1, sig1_2)
    distance2_1 = sig_error(sig2, sig2_1)
    distance = distance1_2 + distance2_1
    return (distance, matched, distance1_2, distance2_1)

if __name__ == "__main__":
    import jax
    _d = setup_inputs()
    print(jax.jit(kernel)(*tuple(_d.values())))

</pallas_src>

<mosaic_0001>
#map = affine_map<(d0, d1) -> (0, 0)>
#map1 = affine_map<(d0, d1) -> (0)>
module attributes {stable_mosaic.version = 14 : i64} {
  func.func @body(%arg0: i32, %arg1: i32, %arg2: memref<8192x128xf32, #tpu.memory_space<hbm>>, %arg3: memref<8192x128xf32, #tpu.memory_space<hbm>>, %arg4: memref<1024xi32, #tpu.memory_space<hbm>>, %arg5: memref<1024xi32, #tpu.memory_space<hbm>>, %arg6: memref<1024x128xf32, #tpu.memory_space<hbm>>, %arg7: memref<1024x128xf32, #tpu.memory_space<hbm>>, %arg8: memref<32xi32, #tpu.memory_space<vmem>>, %arg9: memref<32xi32, #tpu.memory_space<vmem>>, %arg10: memref<32x128xf32, #tpu.memory_space<vmem>>, %arg11: memref<32x128xf32, #tpu.memory_space<vmem>>, %arg12: memref<!tpu.dma_semaphore, #tpu.memory_space<semaphore_mem>>, %arg13: memref<!tpu.dma_semaphore, #tpu.memory_space<semaphore_mem>>) attributes {dimension_semantics = [#tpu.dimension_semantics<core_parallel>, #tpu.dimension_semantics<subcore_parallel>], iteration_bounds = array<i64: 2, 16>, scalar_prefetch = 0 : i64, scratch_operands = 6 : i64, tpu.core_type = #tpu.core_type<sc_vector_subcore>, window_params = [{transform_indices = #map}, {transform_indices = #map}, {transform_indices = #map1}, {transform_indices = #map1}, {transform_indices = #map}, {transform_indices = #map}]} {
    %mul3A = arith.constant 2 : i32
    %mul3A_0 = arith.muli %arg1, %mul3A : i32
    %add3A = arith.addi %mul3A_0, %arg0 : i32
    %mul3A_1 = arith.constant 32 : i32
    %mul3A_2 = arith.muli %add3A, %mul3A_1 : i32
    "tpu.region"() ({
      %run_scoped3A = tpu.sem_alloc : memref<!tpu.dma_semaphore, #tpu.memory_space<semaphore_mem>>
      %dma_start3A_13 = tpu.memref_slice %arg4[%mul3A_2] : memref<1024xi32, #tpu.memory_space<hbm>> -> memref<32xi32, #tpu.memory_space<hbm>>
      %dma_start3A_14 = tpu.memref_slice %arg4[%mul3A_2] : memref<1024xi32, #tpu.memory_space<hbm>> -> memref<32xi32, #tpu.memory_space<hbm>>
      tpu.enqueue_dma source(%dma_start3A_14 : memref<32xi32, #tpu.memory_space<hbm>>) target(%arg8 : memref<32xi32, #tpu.memory_space<vmem>>) target_semaphore(%run_scoped3A : memref<!tpu.dma_semaphore, #tpu.memory_space<semaphore_mem>>)
      %dma_wait3A_15 = tpu.memref_slice %arg4[%mul3A_2] : memref<1024xi32, #tpu.memory_space<hbm>> -> memref<32xi32, #tpu.memory_space<hbm>>
      %dma_wait3A_16 = tpu.memref_slice %arg4[%mul3A_2] : memref<1024xi32, #tpu.memory_space<hbm>> -> memref<32xi32, #tpu.memory_space<hbm>>
      tpu.wait_dma2 semaphore(%run_scoped3A : memref<!tpu.dma_semaphore, #tpu.memory_space<semaphore_mem>>) src(%dma_wait3A_16 : memref<32xi32, #tpu.memory_space<hbm>>) dst(%arg8 : memref<32xi32, #tpu.memory_space<vmem>>)
      tpu.yield
    }) : () -> ()
    "tpu.region"() ({
      %run_scoped3A = tpu.sem_alloc : memref<!tpu.dma_semaphore, #tpu.memory_space<semaphore_mem>>
      %dma_start3A_13 = tpu.memref_slice %arg5[%mul3A_2] : memref<1024xi32, #tpu.memory_space<hbm>> -> memref<32xi32, #tpu.memory_space<hbm>>
      %dma_start3A_14 = tpu.memref_slice %arg5[%mul3A_2] : memref<1024xi32, #tpu.memory_space<hbm>> -> memref<32xi32, #tpu.memory_space<hbm>>
      tpu.enqueue_dma source(%dma_start3A_14 : memref<32xi32, #tpu.memory_space<hbm>>) target(%arg9 : memref<32xi32, #tpu.memory_space<vmem>>) target_semaphore(%run_scoped3A : memref<!tpu.dma_semaphore, #tpu.memory_space<semaphore_mem>>)
      %dma_wait3A_15 = tpu.memref_slice %arg5[%mul3A_2] : memref<1024xi32, #tpu.memory_space<hbm>> -> memref<32xi32, #tpu.memory_space<hbm>>
      %dma_wait3A_16 = tpu.memref_slice %arg5[%mul3A_2] : memref<1024xi32, #tpu.memory_space<hbm>> -> memref<32xi32, #tpu.memory_space<hbm>>
      tpu.wait_dma2 semaphore(%run_scoped3A : memref<!tpu.dma_semaphore, #tpu.memory_space<semaphore_mem>>) src(%dma_wait3A_16 : memref<32xi32, #tpu.memory_space<hbm>>) dst(%arg9 : memref<32xi32, #tpu.memory_space<vmem>>)
      tpu.yield
    }) : () -> ()
    %dma_start3A = arith.constant 0 : i32
    %dma_start3A_3 = arith.constant 0 : i32
    %dma_start3A_4 = tpu.memref_slice %arg2[%dma_start3A, %dma_start3A_3] : memref<8192x128xf32, #tpu.memory_space<hbm>> -> memref<8192x128xf32, #tpu.memory_space<hbm>>
    tpu.enqueue_indirect_dma source(%dma_start3A_4 : memref<8192x128xf32, #tpu.memory_space<hbm>>) target(%arg10 : memref<32x128xf32, #tpu.memory_space<vmem>>) offsets(%arg8 : memref<32xi32, #tpu.memory_space<vmem>>) semaphore(%arg12 : memref<!tpu.dma_semaphore, #tpu.memory_space<semaphore_mem>>)
    %dma_start3A_5 = arith.constant 0 : i32
    %dma_start3A_6 = arith.constant 0 : i32
    %dma_start3A_7 = tpu.memref_slice %arg3[%dma_start3A_5, %dma_start3A_6] : memref<8192x128xf32, #tpu.memory_space<hbm>> -> memref<8192x128xf32, #tpu.memory_space<hbm>>
    tpu.enqueue_indirect_dma source(%dma_start3A_7 : memref<8192x128xf32, #tpu.memory_space<hbm>>) target(%arg11 : memref<32x128xf32, #tpu.memory_space<vmem>>) offsets(%arg9 : memref<32xi32, #tpu.memory_space<vmem>>) semaphore(%arg13 : memref<!tpu.dma_semaphore, #tpu.memory_space<semaphore_mem>>)
    %dma_wait3A = arith.constant 0 : i32
    %dma_wait3A_8 = arith.constant 0 : i32
    %dma_wait3A_9 = tpu.memref_slice %arg2[%dma_wait3A, %dma_wait3A_8] : memref<8192x128xf32, #tpu.memory_space<hbm>> -> memref<8192x128xf32, #tpu.memory_space<hbm>>
    tpu.wait_indirect_dma semaphore(%arg12 : memref<!tpu.dma_semaphore, #tpu.memory_space<semaphore_mem>>) src(%dma_wait3A_9 : memref<8192x128xf32, #tpu.memory_space<hbm>>) dst(%arg10 : memref<32x128xf32, #tpu.memory_space<vmem>>)
    "tpu.region"() ({
      %run_scoped3A = tpu.sem_alloc : memref<!tpu.dma_semaphore, #tpu.memory_space<semaphore_mem>>
      %dma_start3A_13 = arith.constant 0 : i32
      %dma_start3A_14 = tpu.memref_slice %arg6[%mul3A_2, %dma_start3A_13] : memref<1024x128xf32, #tpu.memory_space<hbm>> -> memref<32x128xf32, #tpu.memory_space<hbm>>
      %dma_start3A_15 = arith.constant 0 : i32
      %dma_start3A_16 = tpu.memref_slice %arg6[%mul3A_2, %dma_start3A_15] : memref<1024x128xf32, #tpu.memory_space<hbm>> -> memref<32x128xf32, #tpu.memory_space<hbm>>
      tpu.enqueue_dma source(%arg10 : memref<32x128xf32, #tpu.memory_space<vmem>>) target(%dma_start3A_16 : memref<32x128xf32, #tpu.memory_space<hbm>>) target_semaphore(%run_scoped3A : memref<!tpu.dma_semaphore, #tpu.memory_space<semaphore_mem>>)
      %dma_wait3A_17 = arith.constant 0 : i32
      %dma_wait3A_18 = tpu.memref_slice %arg6[%mul3A_2, %dma_wait3A_17] : memref<1024x128xf32, #tpu.memory_space<hbm>> -> memref<32x128xf32, #tpu.memory_space<hbm>>
      %dma_wait3A_19 = arith.constant 0 : i32
      %dma_wait3A_20 = tpu.memref_slice %arg6[%mul3A_2, %dma_wait3A_19] : memref<1024x128xf32, #tpu.memory_space<hbm>> -> memref<32x128xf32, #tpu.memory_space<hbm>>
      tpu.wait_dma2 semaphore(%run_scoped3A : memref<!tpu.dma_semaphore, #tpu.memory_space<semaphore_mem>>) src(%arg10 : memref<32x128xf32, #tpu.memory_space<vmem>>) dst(%dma_wait3A_20 : memref<32x128xf32, #tpu.memory_space<hbm>>)
      tpu.yield
    }) : () -> ()
    %dma_wait3A_10 = arith.constant 0 : i32
    %dma_wait3A_11 = arith.constant 0 : i32
    %dma_wait3A_12 = tpu.memref_slice %arg3[%dma_wait3A_10, %dma_wait3A_11] : memref<8192x128xf32, #tpu.memory_space<hbm>> -> memref<8192x128xf32, #tpu.memory_space<hbm>>
    tpu.wait_indirect_dma semaphore(%arg13 : memref<!tpu.dma_semaphore, #tpu.memory_space<semaphore_mem>>) src(%dma_wait3A_12 : memref<8192x128xf32, #tpu.memory_space<hbm>>) dst(%arg11 : memref<32x128xf32, #tpu.memory_space<vmem>>)
    "tpu.region"() ({
      %run_scoped3A = tpu.sem_alloc : memref<!tpu.dma_semaphore, #tpu.memory_space<semaphore_mem>>
      %dma_start3A_13 = arith.constant 0 : i32
      %dma_start3A_14 = tpu.memref_slice %arg7[%mul3A_2, %dma_start3A_13] : memref<1024x128xf32, #tpu.memory_space<hbm>> -> memref<32x128xf32, #tpu.memory_space<hbm>>
      %dma_start3A_15 = arith.constant 0 : i32
      %dma_start3A_16 = tpu.memref_slice %arg7[%mul3A_2, %dma_start3A_15] : memref<1024x128xf32, #tpu.memory_space<hbm>> -> memref<32x128xf32, #tpu.memory_space<hbm>>
      tpu.enqueue_dma source(%arg11 : memref<32x128xf32, #tpu.memory_space<vmem>>) target(%dma_start3A_16 : memref<32x128xf32, #tpu.memory_space<hbm>>) target_semaphore(%run_scoped3A : memref<!tpu.dma_semaphore, #tpu.memory_space<semaphore_mem>>)
      %dma_wait3A_17 = arith.constant 0 : i32
      %dma_wait3A_18 = tpu.memref_slice %arg7[%mul3A_2, %dma_wait3A_17] : memref<1024x128xf32, #tpu.memory_space<hbm>> -> memref<32x128xf32, #tpu.memory_space<hbm>>
      %dma_wait3A_19 = arith.constant 0 : i32
      %dma_wait3A_20 = tpu.memref_slice %arg7[%mul3A_2, %dma_wait3A_19] : memref<1024x128xf32, #tpu.memory_space<hbm>> -> memref<32x128xf32, #tpu.memory_space<hbm>>
      tpu.wait_dma2 semaphore(%run_scoped3A : memref<!tpu.dma_semaphore, #tpu.memory_space<semaphore_mem>>) src(%arg11 : memref<32x128xf32, #tpu.memory_space<vmem>>) dst(%dma_wait3A_20 : memref<32x128xf32, #tpu.memory_space<hbm>>)
      tpu.yield
    }) : () -> ()
    return
  }
}

module attributes {stable_mosaic.version = 14 : i64} {
  func.func @_finish_kernel(%arg0: memref<8x128xf32, #tpu.memory_space<vmem>>, %arg1: memref<8x128xf32, #tpu.memory_space<vmem>>, %arg2: memref<1024x128xf32, #tpu.memory_space<vmem>>, %arg3: memref<1024x128xf32, #tpu.memory_space<vmem>>, %arg4: memref<1x1xf32, #tpu.memory_space<vmem>>, %arg5: memref<1x1xf32, #tpu.memory_space<vmem>>, %arg6: memref<1x1xf32, #tpu.memory_space<vmem>>) attributes {dimension_semantics = [], scalar_prefetch = 0 : i64, scratch_operands = 0 : i64, tpu.core_type = #tpu.core_type<tc>} {
    %iota3A = tpu.iota {dimensions = array<i32: 0>} : vector<8x128xi32>
    %mul3A = arith.constant 128 : i32
    %mul3A_0 = vector.broadcast %mul3A : i32 to vector<8x128xi32>
    %mul3A_1 = arith.muli %iota3A, %mul3A_0 : vector<8x128xi32>
    %iota3A_2 = tpu.iota {dimensions = array<i32: 1>} : vector<8x128xi32>
    %add3A = arith.addi %mul3A_1, %iota3A_2 : vector<8x128xi32>
    %iota3A_3 = tpu.iota {dimensions = array<i32: 0>} : vector<8x128xi32>
    %iota3A_4 = tpu.iota {dimensions = array<i32: 1>} : vector<8x128xi32>
    %ne3A = arith.constant 0 : i32
    %ne3A_5 = vector.broadcast %ne3A : i32 to vector<8x128xi32>
    %ne3A_6 = arith.cmpi ne, %add3A, %ne3A_5 : vector<8x128xi32>
    %broadcast_in_dim3A = arith.constant 0.000000e+00 : f32
    %broadcast_in_dim3A_7 = vector.broadcast %broadcast_in_dim3A : f32 to vector<8x128xf32>
    %broadcast_in_dim3A_8 = arith.constant 0.000000e+00 : f32
    %broadcast_in_dim3A_9 = vector.broadcast %broadcast_in_dim3A_8 : f32 to vector<8x128xf32>
    %get3A = arith.constant 0 : index
    %get3A_10 = arith.constant 0 : index
    %get3A_11 = vector.load %arg2[%get3A, %get3A_10] : memref<1024x128xf32, #tpu.memory_space<vmem>>, vector<8x128xf32>
    %add3A_12 = arith.constant 0 : i32
    %add3A_13 = vector.broadcast %add3A_12 : i32 to vector<8x128xi32>
    %add3A_14 = arith.addi %add3A_13, %iota3A_3 : vector<8x128xi32>
    %eq3A = arith.cmpi eq, %iota3A_4, %add3A_14 : vector<8x128xi32>
    %jit3A = arith.constant 0.000000e+00 : f32
    %broadcast_in_dim3A_15 = vector.broadcast %jit3A : f32 to vector<8x128xf32>
    %select_n3A = arith.select %eq3A, %get3A_11, %broadcast_in_dim3A_15 : vector<8x128xi1>, vector<8x128xf32>
    %add3A_16 = arith.addf %broadcast_in_dim3A_9, %select_n3A : vector<8x128xf32>
    %get3A_17 = arith.constant 8 : index
    %get3A_18 = arith.constant 0 : index
    %get3A_19 = vector.load %arg2[%get3A_17, %get3A_18] : memref<1024x128xf32, #tpu.memory_space<vmem>>, vector<8x128xf32>
    %add3A_20 = arith.constant 8 : i32
    %add3A_21 = vector.broadcast %add3A_20 : i32 to vector<8x128xi32>
    %add3A_22 = arith.addi %add3A_21, %iota3A_3 : vector<8x128xi32>
    %eq3A_23 = arith.cmpi eq, %iota3A_4, %add3A_22 : vector<8x128xi32>
    %jit3A_24 = arith.constant 0.000000e+00 : f32
    %broadcast_in_dim3A_25 = vector.broadcast %jit3A_24 : f32 to vector<8x128xf32>
    %select_n3A_26 = arith.select %eq3A_23, %get3A_19, %broadcast_in_dim3A_25 : vector<8x128xi1>, vector<8x128xf32>
    %add3A_27 = arith.addf %add3A_16, %select_n3A_26 : vector<8x128xf32>
    %get3A_28 = arith.constant 16 : index
    %get3A_29 = arith.constant 0 : index
    %get3A_30 = vector.load %arg2[%get3A_28, %get3A_29] : memref<1024x128xf32, #tpu.memory_space<vmem>>, vector<8x128xf32>
    %add3A_31 = arith.constant 16 : i32
    %add3A_32 = vector.broadcast %add3A_31 : i32 to vector<8x128xi32>
    %add3A_33 = arith.addi %add3A_32, %iota3A_3 : vector<8x128xi32>
    %eq3A_34 = arith.cmpi eq, %iota3A_4, %add3A_33 : vector<8x128xi32>
    %jit3A_35 = arith.constant 0.000000e+00 : f32
    %broadcast_in_dim3A_36 = vector.broadcast %jit3A_35 : f32 to vector<8x128xf32>
    %select_n3A_37 = arith.select %eq3A_34, %get3A_30, %broadcast_in_dim3A_36 : vector<8x128xi1>, vector<8x128xf32>
    %add3A_38 = arith.addf %add3A_27, %select_n3A_37 : vector<8x128xf32>
    %get3A_39 = arith.constant 24 : index
    %get3A_40 = arith.constant 0 : index
    %get3A_41 = vector.load %arg2[%get3A_39, %get3A_40] : memref<1024x128xf32, #tpu.memory_space<vmem>>, vector<8x128xf32>
    %add3A_42 = arith.constant 24 : i32
    %add3A_43 = vector.broadcast %add3A_42 : i32 to vector<8x128xi32>
    %add3A_44 = arith.addi %add3A_43, %iota3A_3 : vector<8x128xi32>
    %eq3A_45 = arith.cmpi eq, %iota3A_4, %add3A_44 : vector<8x128xi32>
    %jit3A_46 = arith.constant 0.000000e+00 : f32
    %broadcast_in_dim3A_47 = vector.broadcast %jit3A_46 : f32 to vector<8x128xf32>
    %select_n3A_48 = arith.select %eq3A_45, %get3A_41, %broadcast_in_dim3A_47 : vector<8x128xi1>, vector<8x128xf32>
    %add3A_49 = arith.addf %add3A_38, %select_n3A_48 : vector<8x128xf32>
    %get3A_50 = arith.constant 32 : index
    %get3A_51 = arith.constant 0 : index
    %get3A_52 = vector.load %arg2[%get3A_50, %get3A_51] : memref<1024x128xf32, #tpu.memory_space<vmem>>, vector<8x128xf32>
    %add3A_53 = arith.constant 32 : i32
    %add3A_54 = vector.broadcast %add3A_53 : i32 to vector<8x128xi32>
    %add3A_55 = arith.addi %add3A_54, %iota3A_3 : vector<8x128xi32>
    %eq3A_56 = arith.cmpi eq, %iota3A_4, %add3A_55 : vector<8x128xi32>
    %jit3A_57 = arith.constant 0.000000e+00 : f32
    %broadcast_in_dim3A_58 = vector.broadcast %jit3A_57 : f32 to vector<8x128xf32>
    %select_n3A_59 = arith.select %eq3A_56, %get3A_52, %broadcast_in_dim3A_58 : vector<8x128xi1>, vector<8x128xf32>
    %add3A_60 = arith.addf %add3A_49, %select_n3A_59 : vector<8x128xf32>
    %get3A_61 = arith.constant 40 : index
    %get3A_62 = arith.constant 0 : index
    %get3A_63 = vector.load %arg2[%get3A_61, %get3A_62] : memref<1024x128xf32, #tpu.memory_space<vmem>>, vector<8x128xf32>
    %add3A_64 = arith.constant 40 : i32
    %add3A_65 = vector.broadcast %add3A_64 : i32 to vector<8x128xi32>
    %add3A_66 = arith.addi %add3A_65, %iota3A_3 : vector<8x128xi32>
    %eq3A_67 = arith.cmpi eq, %iota3A_4, %add3A_66 : vector<8x128xi32>
    %jit3A_68 = arith.constant 0.000000e+00 : f32
    %broadcast_in_dim3A_69 = vector.broadcast %jit3A_68 : f32 to vector<8x128xf32>
    %select_n3A_70 = arith.select %eq3A_67, %get3A_63, %broadcast_in_dim3A_69 : vector<8x128xi1>, vector<8x128xf32>
    %add3A_71 = arith.addf %add3A_60, %select_n3A_70 : vector<8x128xf32>
    %get3A_72 = arith.constant 48 : index
    %get3A_73 = arith.constant 0 : index
    %get3A_74 = vector.load %arg2[%get3A_72, %get3A_73] : memref<1024x128xf32, #tpu.memory_space<vmem>>, vector<8x128xf32>
    %add3A_75 = arith.constant 48 : i32
    %add3A_76 = vector.broadcast %add3A_75 : i32 to vector<8x128xi32>
    %add3A_77 = arith.addi %add3A_76, %iota3A_3 : vector<8x128xi32>
    %eq3A_78 = arith.cmpi eq, %iota3A_4, %add3A_77 : vector<8x128xi32>
    %jit3A_79 = arith.constant 0.000000e+00 : f32
    %broadcast_in_dim3A_80 = vector.broadcast %jit3A_79 : f32 to vector<8x128xf32>
    %select_n3A_81 = arith.select %eq3A_78, %get3A_74, %broadcast_in_dim3A_80 : vector<8x128xi1>, vector<8x128xf32>
    %add3A_82 = arith.addf %add3A_71, %select_n3A_81 : vector<8x128xf32>
    %get3A_83 = arith.constant 56 : index
    %get3A_84 = arith.constant 0 : index
    %get3A_85 = vector.load %arg2[%get3A_83, %get3A_84] : memref<1024x128xf32, #tpu.memory_space<vmem>>, vector<8x128xf32>
    %add3A_86 = arith.constant 56 : i32
    %add3A_87 = vector.broadcast %add3A_86 : i32 to vector<8x128xi32>
    %add3A_88 = arith.addi %add3A_87, %iota3A_3 : vector<8x128xi32>
    %eq3A_89 = arith.cmpi eq, %iota3A_4, %add3A_88 : vector<8x128xi32>
    %jit3A_90 = arith.constant 0.000000e+00 : f32
    %broadcast_in_dim3A_91 = vector.broadcast %jit3A_90 : f32 to vector<8x128xf32>
    %select_n3A_92 = arith.select %eq3A_89, %get3A_85, %broadcast_in_dim3A_91 : vector<8x128xi1>, vector<8x128xf32>
    %add3A_93 = arith.addf %add3A_82, %select_n3A_92 : vector<8x128xf32>
    %get3A_94 = arith.constant 64 : index
    %get3A_95 = arith.constant 0 : index
    %get3A_96 = vector.load %arg2[%get3A_94, %get3A_95] : memref<1024x128xf32, #tpu.memory_space<vmem>>, vector<8x128xf32>
    %add3A_97 = arith.constant 64 : i32
    %add3A_98 = vector.broadcast %add3A_97 : i32 to vector<8x128xi32>
    %add3A_99 = arith.addi %add3A_98, %iota3A_3 : vector<8x128xi32>
    %eq3A_100 = arith.cmpi eq, %iota3A_4, %add3A_99 : vector<8x128xi32>
    %jit3A_101 = arith.constant 0.000000e+00 : f32
    %broadcast_in_dim3A_102 = vector.broadcast %jit3A_101 : f32 to vector<8x128xf32>
    %select_n3A_103 = arith.select %eq3A_100, %get3A_96, %broadcast_in_dim3A_102 : vector<8x128xi1>, vector<8x128xf32>
    %add3A_104 = arith.addf %add3A_93, %select_n3A_103 : vector<8x128xf32>
    %get3A_105 = arith.constant 72 : index
    %get3A_106 = arith.constant 0 : index
    %get3A_107 = vector.load %arg2[%get3A_105, %get3A_106] : memref<1024x128xf32, #tpu.memory_space<vmem>>, vector<8x128xf32>
    %add3A_108 = arith.constant 72 : i32
    %add3A_109 = vector.broadcast %add3A_108 : i32 to vector<8x128xi32>
    %add3A_110 = arith.addi %add3A_109, %iota3A_3 : vector<8x128xi32>
    %eq3A_111 = arith.cmpi eq, %iota3A_4, %add3A_110 : vector<8x128xi32>
    %jit3A_112 = arith.constant 0.000000e+00 : f32
    %broadcast_in_dim3A_113 = vector.broadcast %jit3A_112 : f32 to vector<8x128xf32>
    %select_n3A_114 = arith.select %eq3A_111, %get3A_107, %broadcast_in_dim3A_113 : vector<8x128xi1>, vector<8x128xf32>
    %add3A_115 = arith.addf %add3A_104, %select_n3A_114 : vector<8x128xf32>
    %get3A_116 = arith.constant 80 : index
    %get3A_117 = arith.constant 0 : index
    %get3A_118 = vector.load %arg2[%get3A_116, %get3A_117] : memref<1024x128xf32, #tpu.memory_space<vmem>>, vector<8x128xf32>
    %add3A_119 = arith.constant 80 : i32
    %add3A_120 = vector.broadcast %add3A_119 : i32 to vector<8x128xi32>
    %add3A_121 = arith.addi %add3A_120, %iota3A_3 : vector<8x128xi32>
    %eq3A_122 = arith.cmpi eq, %iota3A_4, %add3A_121 : vector<8x128xi32>
    %jit3A_123 = arith.constant 0.000000e+00 : f32
    %broadcast_in_dim3A_124 = vector.broadcast %jit3A_123 : f32 to vector<8x128xf32>
    %select_n3A_125 = arith.select %eq3A_122, %get3A_118, %broadcast_in_dim3A_124 : vector<8x128xi1>, vector<8x128xf32>
    %add3A_126 = arith.addf %add3A_115, %select_n3A_125 : vector<8x128xf32>
    %get3A_127 = arith.constant 88 : index
    %get3A_128 = arith.constant 0 : index
    %get3A_129 = vector.load %arg2[%get3A_127, %get3A_128] : memref<1024x128xf32, #tpu.memory_space<vmem>>, vector<8x128xf32>
    %add3A_130 = arith.constant 88 : i32
    %add3A_131 = vector.broadcast %add3A_130 : i32 to vector<8x128xi32>
    %add3A_132 = arith.addi %add3A_131, %iota3A_3 : vector<8x128xi32>
    %eq3A_133 = arith.cmpi eq, %iota3A_4, %add3A_132 : vector<8x128xi32>
    %jit3A_134 = arith.constant 0.000000e+00 : f32
    %broadcast_in_dim3A_135 = vector.broadcast %jit3A_134 : f32 to vector<8x128xf32>
    %select_n3A_136 = arith.select %eq3A_133, %get3A_129, %broadcast_in_dim3A_135 : vector<8x128xi1>, vector<8x128xf32>
    %add3A_137 = arith.addf %add3A_126, %select_n3A_136 : vector<8x128xf32>
    %get3A_138 = arith.constant 96 : index
    %get3A_139 = arith.constant 0 : index
    %get3A_140 = vector.load %arg2[%get3A_138, %get3A_139] : memref<1024x128xf32, #tpu.memory_space<vmem>>, vector<8x128xf32>
    %add3A_141 = arith.constant 96 : i32
    %add3A_142 = vector.broadcast %add3A_141 : i32 to vector<8x128xi32>
    %add3A_143 = arith.addi %add3A_142, %iota3A_3 : vector<8x128xi32>
    %eq3A_144 = arith.cmpi eq, %iota3A_4, %add3A_143 : vector<8x128xi32>
    %jit3A_145 = arith.constant 0.000000e+00 : f32
    %broadcast_in_dim3A_146 = vector.broadcast %jit3A_145 : f32 to vector<8x128xf32>
    %select_n3A_147 = arith.select %eq3A_144, %get3A_140, %broadcast_in_dim3A_146 : vector<8x128xi1>, vector<8x128xf32>
    %add3A_148 = arith.addf %add3A_137, %select_n3A_147 : vector<8x128xf32>
    %get3A_149 = arith.constant 104 : index
    %get3A_150 = arith.constant 0 : index
    %get3A_151 = vector.load %arg2[%get3A_149, %get3A_150] : memref<1024x128xf32, #tpu.memory_space<vmem>>, vector<8x128xf32>
    %add3A_152 = arith.constant 104 : i32
    %add3A_153 = vector.broadcast %add3A_152 : i32 to vector<8x128xi32>
    %add3A_154 = arith.addi %add3A_153, %iota3A_3 : vector<8x128xi32>
    %eq3A_155 = arith.cmpi eq, %iota3A_4, %add3A_154 : vector<8x128xi32>
    %jit3A_156 = arith.constant 0.000000e+00 : f32
    %broadcast_in_dim3A_157 = vector.broadcast %jit3A_156 : f32 to vector<8x128xf32>
    %select_n3A_158 = arith.select %eq3A_155, %get3A_151, %broadcast_in_dim3A_157 : vector<8x128xi1>, vector<8x128xf32>
    %add3A_159 = arith.addf %add3A_148, %select_n3A_158 : vector<8x128xf32>
    %get3A_160 = arith.constant 112 : index
    %get3A_161 = arith.constant 0 : index
    %get3A_162 = vector.load %arg2[%get3A_160, %get3A_161] : memref<1024x128xf32, #tpu.memory_space<vmem>>, vector<8x128xf32>
    %add3A_163 = arith.constant 112 : i32
    %add3A_164 = vector.broadcast %add3A_163 : i32 to vector<8x128xi32>
    %add3A_165 = arith.addi %add3A_164, %iota3A_3 : vector<8x128xi32>
    %eq3A_166 = arith.cmpi eq, %iota3A_4, %add3A_165 : vector<8x128xi32>
    %jit3A_167 = arith.constant 0.000000e+00 : f32
    %broadcast_in_dim3A_168 = vector.broadcast %jit3A_167 : f32 to vector<8x128xf32>
    %select_n3A_169 = arith.select %eq3A_166, %get3A_162, %broadcast_in_dim3A_168 : vector<8x128xi1>, vector<8x128xf32>
    %add3A_170 = arith.addf %add3A_159, %select_n3A_169 : vector<8x128xf32>
    %get3A_171 = arith.constant 120 : index
    %get3A_172 = arith.constant 0 : index
    %get3A_173 = vector.load %arg2[%get3A_171, %get3A_172] : memref<1024x128xf32, #tpu.memory_space<vmem>>, vector<8x128xf32>
    %add3A_174 = arith.constant 120 : i32
    %add3A_175 = vector.broadcast %add3A_174 : i32 to vector<8x128xi32>
    %add3A_176 = arith.addi %add3A_175, %iota3A_3 : vector<8x128xi32>
    %eq3A_177 = arith.cmpi eq, %iota3A_4, %add3A_176 : vector<8x128xi32>
    %jit3A_178 = arith.constant 0.000000e+00 : f32
    %broadcast_in_dim3A_179 = vector.broadcast %jit3A_178 : f32 to vector<8x128xf32>
    %select_n3A_180 = arith.select %eq3A_177, %get3A_173, %broadcast_in_dim3A_179 : vector<8x128xi1>, vector<8x128xf32>
    %add3A_181 = arith.addf %add3A_170, %select_n3A_180 : vector<8x128xf32>
    %reduce_sum3A = arith.constant dense<0.000000e+00> : vector<128xf32>
    %reduce_sum3A_182 = vector.multi_reduction <add>, %add3A_181, %reduce_sum3A [0] : vector<8x128xf32> to vector<128xf32>
    %broadcast_in_dim3A_183 = vector.shape_cast %reduce_sum3A_182 : vector<128xf32> to vector<1x128xf32>
    %eq3A_184 = arith.constant 0 : i32
    %eq3A_185 = vector.broadcast %eq3A_184 : i32 to vector<8x128xi32>
    %eq3A_186 = arith.cmpi eq, %iota3A_3, %eq3A_185 : vector<8x128xi32>
    %jit3A_187 = arith.constant 0.000000e+00 : f32
    %broadcast_in_dim3A_188 = vector.shape_cast %broadcast_in_dim3A_183 : vector<1x128xf32> to vector<1x128xf32>
    %broadcast_in_dim3A_189 = vector.broadcast %broadcast_in_dim3A_188 : vector<1x128xf32> to vector<8x128xf32>
    %broadcast_in_dim3A_190 = vector.broadcast %jit3A_187 : f32 to vector<8x128xf32>
    %select_n3A_191 = arith.select %eq3A_186, %broadcast_in_dim3A_189, %broadcast_in_dim3A_190 : vector<8x128xi1>, vector<8x128xf32>
    %add3A_192 = arith.addf %broadcast_in_dim3A_7, %select_n3A_191 : vector<8x128xf32>
    %broadcast_in_dim3A_193 = arith.constant 0.000000e+00 : f32
    %broadcast_in_dim3A_194 = vector.broadcast %broadcast_in_dim3A_193 : f32 to vector<8x128xf32>
    %get3A_195 = arith.constant 128 : index
    %get3A_196 = arith.constant 0 : index
    %get3A_197 = vector.load %arg2[%get3A_195, %get3A_196] : memref<1024x128xf32, #tpu.memory_space<vmem>>, vector<8x128xf32>
    %add3A_198 = arith.constant 0 : i32
    %add3A_199 = vector.broadcast %add3A_198 : i32 to vector<8x128xi32>
    %add3A_200 = arith.addi %add3A_199, %iota3A_3 : vector<8x128xi32>
    %eq3A_201 = arith.cmpi eq, %iota3A_4, %add3A_200 : vector<8x128xi32>
    %jit3A_202 = arith.constant 0.000000e+00 : f32
    %broadcast_in_dim3A_203 = vector.broadcast %jit3A_202 : f32 to vector<8x128xf32>
    %select_n3A_204 = arith.select %eq3A_201, %get3A_197, %broadcast_in_dim3A_203 : vector<8x128xi1>, vector<8x128xf32>
    %add3A_205 = arith.addf %broadcast_in_dim3A_194, %select_n3A_204 : vector<8x128xf32>
    %get3A_206 = arith.constant 136 : index
    %get3A_207 = arith.constant 0 : index
    %get3A_208 = vector.load %arg2[%get3A_206, %get3A_207] : memref<1024x128xf32, #tpu.memory_space<vmem>>, vector<8x128xf32>
    %add3A_209 = arith.constant 8 : i32
    %add3A_210 = vector.broadcast %add3A_209 : i32 to vector<8x128xi32>
    %add3A_211 = arith.addi %add3A_210, %iota3A_3 : vector<8x128xi32>
    %eq3A_212 = arith.cmpi eq, %iota3A_4, %add3A_211 : vector<8x128xi32>
    %jit3A_213 = arith.constant 0.000000e+00 : f32
    %broadcast_in_dim3A_214 = vector.broadcast %jit3A_213 : f32 to vector<8x128xf32>
    %select_n3A_215 = arith.select %eq3A_212, %get3A_208, %broadcast_in_dim3A_214 : vector<8x128xi1>, vector<8x128xf32>
    %add3A_216 = arith.addf %add3A_205, %select_n3A_215 : vector<8x128xf32>
    %get3A_217 = arith.constant 144 : index
    %get3A_218 = arith.constant 0 : index
    %get3A_219 = vector.load %arg2[%get3A_217, %get3A_218] : memref<1024x128xf32, #tpu.memory_space<vmem>>, vector<8x128xf32>
    %add3A_220 = arith.constant 16 : i32
    %add3A_221 = vector.broadcast %add3A_220 : i32 to vector<8x128xi32>
    %add3A_222 = arith.addi %add3A_221, %iota3A_3 : vector<8x128xi32>
    %eq3A_223 = arith.cmpi eq, %iota3A_4, %add3A_222 : vector<8x128xi32>
    %jit3A_224 = arith.constant 0.000000e+00 : f32
    %broadcast_in_dim3A_225 = vector.broadcast %jit3A_224 : f32 to vector<8x128xf32>
    %select_n3A_226 = arith.select %eq3A_223, %get3A_219, %broadcast_in_dim3A_225 : vector<8x128xi1>, vector<8x128xf32>
    %add3A_227 = arith.addf %add3A_216, %select_n3A_226 : vector<8x128xf32>
    %get3A_228 = arith.constant 152 : index
    %get3A_229 = arith.constant 0 : index
    %get3A_230 = vector.load %arg2[%get3A_228, %get3A_229] : memref<1024x128xf32, #tpu.memory_space<vmem>>, vector<8x128xf32>
    %add3A_231 = arith.constant 24 : i32
    %add3A_232 = vector.broadcast %add3A_231 : i32 to vector<8x128xi32>
    %add3A_233 = arith.addi %add3A_232, %iota3A_3 : vector<8x128xi32>
    %eq3A_234 = arith.cmpi eq, %iota3A_4, %add3A_233 : vector<8x128xi32>
    %jit3A_235 = arith.constant 0.000000e+00 : f32
    %broadcast_in_dim3A_236 = vector.broadcast %jit3A_235 : f32 to vector<8x128xf32>
    %select_n3A_237 = arith.select %eq3A_234, %get3A_230, %broadcast_in_dim3A_236 : vector<8x128xi1>, vector<8x128xf32>
    %add3A_238 = arith.addf %add3A_227, %select_n3A_237 : vector<8x128xf32>
    %get3A_239 = arith.constant 160 : index
    %get3A_240 = arith.constant 0 : index
    %get3A_241 = vector.load %arg2[%get3A_239, %get3A_240] : memref<1024x128xf32, #tpu.memory_space<vmem>>, vector<8x128xf32>
    %add3A_242 = arith.constant 32 : i32
    %add3A_243 = vector.broadcast %add3A_242 : i32 to vector<8x128xi32>
    %add3A_244 = arith.addi %add3A_243, %iota3A_3 : vector<8x128xi32>
    %eq3A_245 = arith.cmpi eq, %iota3A_4, %add3A_244 : vector<8x128xi32>
    %jit3A_246 = arith.constant 0.000000e+00 : f32
    %broadcast_in_dim3A_247 = vector.broadcast %jit3A_246 : f32 to vector<8x128xf32>
    %select_n3A_248 = arith.select %eq3A_245, %get3A_241, %broadcast_in_dim3A_247 : vector<8x128xi1>, vector<8x128xf32>
    %add3A_249 = arith.addf %add3A_238, %select_n3A_248 : vector<8x128xf32>
    %get3A_250 = arith.constant 168 : index
    %get3A_251 = arith.constant 0 : index
    %get3A_252 = vector.load %arg2[%get3A_250, %get3A_251] : memref<1024x128xf32, #tpu.memory_space<vmem>>, vector<8x128xf32>
    %add3A_253 = arith.constant 40 : i32
    %add3A_254 = vector.broadcast %add3A_253 : i32 to vector<8x128xi32>
    %add3A_255 = arith.addi %add3A_254, %iota3A_3 : vector<8x128xi32>
    %eq3A_256 = arith.cmpi eq, %iota3A_4, %add3A_255 : vector<8x128xi32>
    %jit3A_257 = arith.constant 0.000000e+00 : f32
    %broadcast_in_dim3A_258 = vector.broadcast %jit3A_257 : f32 to vector<8x128xf32>
    %select_n3A_259 = arith.select %eq3A_256, %get3A_252, %broadcast_in_dim3A_258 : vector<8x128xi1>, vector<8x128xf32>
    %add3A_260 = arith.addf %add3A_249, %select_n3A_259 : vector<8x128xf32>
    %get3A_261 = arith.constant 176 : index
    %get3A_262 = arith.constant 0 : index
    %get3A_263 = vector.load %arg2[%get3A_261, %get3A_262] : memref<1024x128xf32, #tpu.memory_space<vmem>>, vector<8x128xf32>
    %add3A_264 = arith.constant 48 : i32
    %add3A_265 = vector.broadcast %add3A_264 : i32 to vector<8x128xi32>
    %add3A_266 = arith.addi %add3A_265, %iota3A_3 : vector<8x128xi32>
    %eq3A_267 = arith.cmpi eq, %iota3A_4, %add3A_266 : vector<8x128xi32>
    %jit3A_268 = arith.constant 0.000000e+00 : f32
    %broadcast_in_dim3A_269 = vector.broadcast %jit3A_268 : f32 to vector<8x128xf32>
    %select_n3A_270 = arith.select %eq3A_267, %get3A_263, %broadcast_in_dim3A_269 : vector<8x128xi1>, vector<8x128xf32>
    %add3A_271 = arith.addf %add3A_260, %select_n3A_270 : vector<8x128xf32>
    %get3A_272 = arith.constant 184 : index
    %get3A_273 = arith.constant 0 : index
    %get3A_274 = vector.load %arg2[%get3A_272, %get3A_273] : memref<1024x128xf32, #tpu.memory_space<vmem>>, vector<8x128xf32>
    %add3A_275 = arith.constant 56 : i32
    %add3A_276 = vector.broadcast %add3A_275 : i32 to vector<8x128xi32>
    %add3A_277 = arith.addi %add3A_276, %iota3A_3 : vector<8x128xi32>
    %eq3A_278 = arith.cmpi eq, %iota3A_4, %add3A_277 : vector<8x128xi32>
    %jit3A_279 = arith.constant 0.000000e+00 : f32
    %broadcast_in_dim3A_280 = vector.broadcast %jit3A_279 : f32 to vector<8x128xf32>
    %select_n3A_281 = arith.select %eq3A_278, %get3A_274, %broadcast_in_dim3A_280 : vector<8x128xi1>, vector<8x128xf32>
    %add3A_282 = arith.addf %add3A_271, %select_n3A_281 : vector<8x128xf32>
    %get3A_283 = arith.constant 192 : index
    %get3A_284 = arith.constant 0 : index
    %get3A_285 = vector.load %arg2[%get3A_283, %get3A_284] : memref<1024x128xf32, #tpu.memory_space<vmem>>, vector<8x128xf32>
    %add3A_286 = arith.constant 64 : i32
    %add3A_287 = vector.broadcast %add3A_286 : i32 to vector<8x128xi32>
    %add3A_288 = arith.addi %add3A_287, %iota3A_3 : vector<8x128xi32>
    %eq3A_289 = arith.cmpi eq, %iota3A_4, %add3A_288 : vector<8x128xi32>
    %jit3A_290 = arith.constant 0.000000e+00 : f32
    %broadcast_in_dim3A_291 = vector.broadcast %jit3A_290 : f32 to vector<8x128xf32>
    %select_n3A_292 = arith.select %eq3A_289, %get3A_285, %broadcast_in_dim3A_291 : vector<8x128xi1>, vector<8x128xf32>
    %add3A_293 = arith.addf %add3A_282, %select_n3A_292 : vector<8x128xf32>
    %get3A_294 = arith.constant 200 : index
    %get3A_295 = arith.constant 0 : index
    %get3A_296 = vector.load %arg2[%get3A_294, %get3A_295] : memref<1024x128xf32, #tpu.memory_space<vmem>>, vector<8x128xf32>
    %add3A_297 = arith.constant 72 : i32
    %add3A_298 = vector.broadcast %add3A_297 : i32 to vector<8x128xi32>
    %add3A_299 = arith.addi %add3A_298, %iota3A_3 : vector<8x128xi32>
    %eq3A_300 = arith.cmpi eq, %iota3A_4, %add3A_299 : vector<8x128xi32>
    %jit3A_301 = arith.constant 0.000000e+00 : f32
    %broadcast_in_dim3A_302 = vector.broadcast %jit3A_301 : f32 to vector<8x128xf32>
    %select_n3A_303 = arith.select %eq3A_300, %get3A_296, %broadcast_in_dim3A_302 : vector<8x128xi1>, vector<8x128xf32>
    %add3A_304 = arith.addf %add3A_293, %select_n3A_303 : vector<8x128xf32>
    %get3A_305 = arith.constant 208 : index
    %get3A_306 = arith.constant 0 : index
    %get3A_307 = vector.load %arg2[%get3A_305, %get3A_306] : memref<1024x128xf32, #tpu.memory_space<vmem>>, vector<8x128xf32>
    %add3A_308 = arith.constant 80 : i32
    %add3A_309 = vector.broadcast %add3A_308 : i32 to vector<8x128xi32>
    %add3A_310 = arith.addi %add3A_309, %iota3A_3 : vector<8x128xi32>
    %eq3A_311 = arith.cmpi eq, %iota3A_4, %add3A_310 : vector<8x128xi32>
    %jit3A_312 = arith.constant 0.000000e+00 : f32
    %broadcast_in_dim3A_313 = vector.broadcast %jit3A_312 : f32 to vector<8x128xf32>
    %select_n3A_314 = arith.select %eq3A_311, %get3A_307, %broadcast_in_dim3A_313 : vector<8x128xi1>, vector<8x128xf32>
    %add3A_315 = arith.addf %add3A_304, %select_n3A_314 : vector<8x128xf32>
    %get3A_316 = arith.constant 216 : index
    %get3A_317 = arith.constant 0 : index
    %get3A_318 = vector.load %arg2[%get3A_316, %get3A_317] : memref<1024x128xf32, #tpu.memory_space<vmem>>, vector<8x128xf32>
    %add3A_319 = arith.constant 88 : i32
    %add3A_320 = vector.broadcast %add3A_319 : i32 to vector<8x128xi32>
    %add3A_321 = arith.addi %add3A_320, %iota3A_3 : vector<8x128xi32>
    %eq3A_322 = arith.cmpi eq, %iota3A_4, %add3A_321 : vector<8x128xi32>
    %jit3A_323 = arith.constant 0.000000e+00 : f32
    %broadcast_in_dim3A_324 = vector.broadcast %jit3A_323 : f32 to vector<8x128xf32>
    %select_n3A_325 = arith.select %eq3A_322, %get3A_318, %broadcast_in_dim3A_324 : vector<8x128xi1>, vector<8x128xf32>
    %add3A_326 = arith.addf %add3A_315, %select_n3A_325 : vector<8x128xf32>
    %get3A_327 = arith.constant 224 : index
    %get3A_328 = arith.constant 0 : index
    %get3A_329 = vector.load %arg2[%get3A_327, %get3A_328] : memref<1024x128xf32, #tpu.memory_space<vmem>>, vector<8x128xf32>
    %add3A_330 = arith.constant 96 : i32
    %add3A_331 = vector.broadcast %add3A_330 : i32 to vector<8x128xi32>
    %add3A_332 = arith.addi %add3A_331, %iota3A_3 : vector<8x128xi32>
    %eq3A_333 = arith.cmpi eq, %iota3A_4, %add3A_332 : vector<8x128xi32>
    %jit3A_334 = arith.constant 0.000000e+00 : f32
    %broadcast_in_dim3A_335 = vector.broadcast %jit3A_334 : f32 to vector<8x128xf32>
    %select_n3A_336 = arith.select %eq3A_333, %get3A_329, %broadcast_in_dim3A_335 : vector<8x128xi1>, vector<8x128xf32>
    %add3A_337 = arith.addf %add3A_326, %select_n3A_336 : vector<8x128xf32>
    %get3A_338 = arith.constant 232 : index
    %get3A_339 = arith.constant 0 : index
    %get3A_340 = vector.load %arg2[%get3A_338, %get3A_339] : memref<1024x128xf32, #tpu.memory_space<vmem>>, vector<8x128xf32>
    %add3A_341 = arith.constant 104 : i32
    %add3A_342 = vector.broadcast %add3A_341 : i32 to vector<8x128xi32>
    %add3A_343 = arith.addi %add3A_342, %iota3A_3 : vector<8x128xi32>
    %eq3A_344 = arith.cmpi eq, %iota3A_4, %add3A_343 : vector<8x128xi32>
    %jit3A_345 = arith.constant 0.000000e+00 : f32
    %broadcast_in_dim3A_346 = vector.broadcast %jit3A_345 : f32 to vector<8x128xf32>
    %select_n3A_347 = arith.select %eq3A_344, %get3A_340, %broadcast_in_dim3A_346 : vector<8x128xi1>, vector<8x128xf32>
    %add3A_348 = arith.addf %add3A_337, %select_n3A_347 : vector<8x128xf32>
    %get3A_349 = arith.constant 240 : index
    %get3A_350 = arith.constant 0 : index
    %get3A_351 = vector.load %arg2[%get3A_349, %get3A_350] : memref<1024x128xf32, #tpu.memory_space<vmem>>, vector<8x128xf32>
    %add3A_352 = arith.constant 112 : i32
    %add3A_353 = vector.broadcast %add3A_352 : i32 to vector<8x128xi32>
    %add3A_354 = arith.addi %add3A_353, %iota3A_3 : vector<8x128xi32>
    %eq3A_355 = arith.cmpi eq, %iota3A_4, %add3A_354 : vector<8x128xi32>
    %jit3A_356 = arith.constant 0.000000e+00 : f32
    %broadcast_in_dim3A_357 = vector.broadcast %jit3A_356 : f32 to vector<8x128xf32>
    %select_n3A_358 = arith.select %eq3A_355, %get3A_351, %broadcast_in_dim3A_357 : vector<8x128xi1>, vector<8x128xf32>
    %add3A_359 = arith.addf %add3A_348, %select_n3A_358 : vector<8x128xf32>
    %get3A_360 = arith.constant 248 : index
    %get3A_361 = arith.constant 0 : index
    %get3A_362 = vector.load %arg2[%get3A_360, %get3A_361] : memref<1024x128xf32, #tpu.memory_space<vmem>>, vector<8x128xf32>
    %add3A_363 = arith.constant 120 : i32
    %add3A_364 = vector.broadcast %add3A_363 : i32 to vector<8x128xi32>
    %add3A_365 = arith.addi %add3A_364, %iota3A_3 : vector<8x128xi32>
    %eq3A_366 = arith.cmpi eq, %iota3A_4, %add3A_365 : vector<8x128xi32>
    %jit3A_367 = arith.constant 0.000000e+00 : f32
    %broadcast_in_dim3A_368 = vector.broadcast %jit3A_367 : f32 to vector<8x128xf32>
    %select_n3A_369 = arith.select %eq3A_366, %get3A_362, %broadcast_in_dim3A_368 : vector<8x128xi1>, vector<8x128xf32>
    %add3A_370 = arith.addf %add3A_359, %select_n3A_369 : vector<8x128xf32>
    %reduce_sum3A_371 = arith.constant dense<0.000000e+00> : vector<128xf32>
    %reduce_sum3A_372 = vector.multi_reduction <add>, %add3A_370, %reduce_sum3A_371 [0] : vector<8x128xf32> to vector<128xf32>
    %broadcast_in_dim3A_373 = vector.shape_cast %reduce_sum3A_372 : vector<128xf32> to vector<1x128xf32>
    %eq3A_374 = arith.constant 1 : i32
    %eq3A_375 = vector.broadcast %eq3A_374 : i32 to vector<8x128xi32>
    %eq3A_376 = arith.cmpi eq, %iota3A_3, %eq3A_375 : vector<8x128xi32>
    %jit3A_377 = arith.constant 0.000000e+00 : f32
    %broadcast_in_dim3A_378 = vector.shape_cast %broadcast_in_dim3A_373 : vector<1x128xf32> to vector<1x128xf32>
    %broadcast_in_dim3A_379 = vector.broadcast %broadcast_in_dim3A_378 : vector<1x128xf32> to vector<8x128xf32>
    %broadcast_in_dim3A_380 = vector.broadcast %jit3A_377 : f32 to vector<8x128xf32>
    %select_n3A_381 = arith.select %eq3A_376, %broadcast_in_dim3A_379, %broadcast_in_dim3A_380 : vector<8x128xi1>, vector<8x128xf32>
    %add3A_382 = arith.addf %add3A_192, %select_n3A_381 : vector<8x128xf32>
    %broadcast_in_dim3A_383 = arith.constant 0.000000e+00 : f32
    %broadcast_in_dim3A_384 = vector.broadcast %broadcast_in_dim3A_383 : f32 to vector<8x128xf32>
    %get3A_385 = arith.constant 256 : index
    %get3A_386 = arith.constant 0 : index
    %get3A_387 = vector.load %arg2[%get3A_385, %get3A_386] : memref<1024x128xf32, #tpu.memory_space<vmem>>, vector<8x128xf32>
    %add3A_388 = arith.constant 0 : i32
    %add3A_389 = vector.broadcast %add3A_388 : i32 to vector<8x128xi32>
    %add3A_390 = arith.addi %add3A_389, %iota3A_3 : vector<8x128xi32>
    %eq3A_391 = arith.cmpi eq, %iota3A_4, %add3A_390 : vector<8x128xi32>
    %jit3A_392 = arith.constant 0.000000e+00 : f32
    %broadcast_in_dim3A_393 = vector.broadcast %jit3A_392 : f32 to vector<8x128xf32>
    %select_n3A_394 = arith.select %eq3A_391, %get3A_387, %broadcast_in_dim3A_393 : vector<8x128xi1>, vector<8x128xf32>
    %add3A_395 = arith.addf %broadcast_in_dim3A_384, %select_n3A_394 : vector<8x128xf32>
    %get3A_396 = arith.constant 264 : index
    %get3A_397 = arith.constant 0 : index
    %get3A_398 = vector.load %arg2[%get3A_396, %get3A_397] : memref<1024x128xf32, #tpu.memory_space<vmem>>, vector<8x128xf32>
    %add3A_399 = arith.constant 8 : i32
    %add3A_400 = vector.broadcast %add3A_399 : i32 to vector<8x128xi32>
    %add3A_401 = arith.addi %add3A_400, %iota3A_3 : vector<8x128xi32>
    %eq3A_402 = arith.cmpi eq, %iota3A_4, %add3A_401 : vector<8x128xi32>
    %jit3A_403 = arith.constant 0.000000e+00 : f32
    %broadcast_in_dim3A_404 = vector.broadcast %jit3A_403 : f32 to vector<8x128xf32>
    %select_n3A_405 = arith.select %eq3A_402, %get3A_398, %broadcast_in_dim3A_404 : vector<8x128xi1>, vector<8x128xf32>
    %add3A_406 = arith.addf %add3A_395, %select_n3A_405 : vector<8x128xf32>
    %get3A_407 = arith.constant 272 : index
    %get3A_408 = arith.constant 0 : index
    %get3A_409 = vector.load %arg2[%get3A_407, %get3A_408] : memref<1024x128xf32, #tpu.memory_space<vmem>>, vector<8x128xf32>
    %add3A_410 = arith.constant 16 : i32
    %add3A_411 = vector.broadcast %add3A_410 : i32 to vector<8x128xi32>
    %add3A_412 = arith.addi %add3A_411, %iota3A_3 : vector<8x128xi32>
    %eq3A_413 = arith.cmpi eq, %iota3A_4, %add3A_412 : vector<8x128xi32>
    %jit3A_414 = arith.constant 0.000000e+00 : f32
    %broadcast_in_dim3A_415 = vector.broadcast %jit3A_414 : f32 to vector<8x128xf32>
    %select_n3A_416 = arith.select %eq3A_413, %get3A_409, %broadcast_in_dim3A_415 : vector<8x128xi1>, vector<8x128xf32>
    %add3A_417 = arith.addf %add3A_406, %select_n3A_416 : vector<8x128xf32>
    %get3A_418 = arith.constant 280 : index
    %get3A_419 = arith.constant 0 : index
    %get3A_420 = vector.load %arg2[%get3A_418, %get3A_419] : memref<1024x128xf32, #tpu.memory_space<vmem>>, vector<8x128xf32>
    %add3A_421 = arith.constant 24 : i32
    %add3A_422 = vector.broadcast %add3A_421 : i32 to vector<8x128xi32>
    %add3A_423 = arith.addi %add3A_422, %iota3A_3 : vector<8x128xi32>
    %eq3A_424 = arith.cmpi eq, %iota3A_4, %add3A_423 : vector<8x128xi32>
    %jit3A_425 = arith.constant 0.000000e+00 : f32
    %broadcast_in_dim3A_426 = vector.broadcast %jit3A_425 : f32 to vector<8x128xf32>
    %select_n3A_427 = arith.select %eq3A_424, %get3A_420, %broadcast_in_dim3A_426 : vector<8x128xi1>, vector<8x128xf32>
    %add3A_428 = arith.addf %add3A_417, %select_n3A_427 : vector<8x128xf32>
    %get3A_429 = arith.constant 288 : index
    %get3A_430 = arith.constant 0 : index
    %get3A_431 = vector.load %arg2[%get3A_429, %get3A_430] : memref<1024x128xf32, #tpu.memory_space<vmem>>, vector<8x128xf32>
    %add3A_432 = arith.constant 32 : i32
    %add3A_433 = vector.broadcast %add3A_432 : i32 to vector<8x128xi32>
    %add3A_434 = arith.addi %add3A_433, %iota3A_3 : vector<8x128xi32>
    %eq3A_435 = arith.cmpi eq, %iota3A_4, %add3A_434 : vector<8x128xi32>
    %jit3A_436 = arith.constant 0.000000e+00 : f32
    %broadcast_in_dim3A_437 = vector.broadcast %jit3A_436 : f32 to vector<8x128xf32>
    %select_n3A_438 = arith.select %eq3A_435, %get3A_431, %broadcast_in_dim3A_437 : vector<8x128xi1>, vector<8x128xf32>
    %add3A_439 = arith.addf %add3A_428, %select_n3A_438 : vector<8x128xf32>
    %get3A_440 = arith.constant 296 : index
    %get3A_441 = arith.constant 0 : index
    %get3A_442 = vector.load %arg2[%get3A_440, %get3A_441] : memref<1024x128xf32, #tpu.memory_space<vmem>>, vector<8x128xf32>
    %add3A_443 = arith.constant 40 : i32
    %add3A_444 = vector.broadcast %add3A_443 : i32 to vector<8x128xi32>
    %add3A_445 = arith.addi %add3A_444, %iota3A_3 : vector<8x128xi32>
    %eq3A_446 = arith.cmpi eq, %iota3A_4, %add3A_445 : vector<8x128xi32>
    %jit3A_447 = arith.constant 0.000000e+00 : f32
    %broadcast_in_dim3A_448 = vector.broadcast %jit3A_447 : f32 to vector<8x128xf32>
    %select_n3A_449 = arith.select %eq3A_446, %get3A_442, %broadcast_in_dim3A_448 : vector<8x128xi1>, vector<8x128xf32>
    %add3A_450 = arith.addf %add3A_439, %select_n3A_449 : vector<8x128xf32>
    %get3A_451 = arith.constant 304 : index
    %get3A_452 = arith.constant 0 : index
    %get3A_453 = vector.load %arg2[%get3A_451, %get3A_452] : memref<1024x128xf32, #tpu.memory_space<vmem>>, vector<8x128xf32>
    %add3A_454 = arith.constant 48 : i32
    %add3A_455 = vector.broadcast %add3A_454 : i32 to vector<8x128xi32>
    %add3A_456 = arith.addi %add3A_455, %iota3A_3 : vector<8x128xi32>
    %eq3A_457 = arith.cmpi eq, %iota3A_4, %add3A_456 : vector<8x128xi32>
    %jit3A_458 = arith.constant 0.000000e+00 : f32
    %broadcast_in_dim3A_459 = vector.broadcast %jit3A_458 : f32 to vector<8x128xf32>
    %select_n3A_460 = arith.select %eq3A_457, %get3A_453, %broadcast_in_dim3A_459 : vector<8x128xi1>, vector<8x128xf32>
    %add3A_461 = arith.addf %add3A_450, %select_n3A_460 : vector<8x128xf32>
    %get3A_462 = arith.constant 312 : index
    %get3A_463 = arith.constant 0 : index
    %get3A_464 = vector.load %arg2[%get3A_462, %get3A_463] : memref<1024x128xf32, #tpu.memory_space<vmem>>, vector<8x128xf32>
    %add3A_465 = arith.constant 56 : i32
    %add3A_466 = vector.broadcast %add3A_465 : i32 to vector<8x128xi32>
    %add3A_467 = arith.addi %add3A_466, %iota3A_3 : vector<8x128xi32>
    %eq3A_468 = arith.cmpi eq, %iota3A_4, %add3A_467 : vector<8x128xi32>
    %jit3A_469 = arith.constant 0.000000e+00 : f32
    %broadcast_in_dim3A_470 = vector.broadcast %jit3A_469 : f32 to vector<8x128xf32>
    %select_n3A_471 = arith.select %eq3A_468, %get3A_464, %broadcast_in_dim3A_470 : vector<8x128xi1>, vector<8x128xf32>
    %add3A_472 = arith.addf %add3A_461, %select_n3A_471 : vector<8x128xf32>
    %get3A_473 = arith.constant 320 : index
    %get3A_474 = arith.constant 0 : index
    %get3A_475 = vector.load %arg2[%get3A_473, %get3A_474] : memref<1024x128xf32, #tpu.memory_space<vmem>>, vector<8x128xf32>
    %add3A_476 = arith.constant 64 : i32
    %add3A_477 = vector.broadcast %add3A_476 : i32 to vector<8x128xi32>
    %add3A_478 = arith.addi %add3A_477, %iota3A_3 : vector<8x128xi32>
    %eq3A_479 = arith.cmpi eq, %iota3A_4, %add3A_478 : vector<8x128xi32>
    %jit3A_480 = arith.constant 0.000000e+00 : f32
    %broadcast_in_dim3A_481 = vector.broadcast %jit3A_480 : f32 to vector<8x128xf32>
    %select_n3A_482 = arith.select %eq3A_479, %get3A_475, %broadcast_in_dim3A_481 : vector<8x128xi1>, vector<8x128xf32>
    %add3A_483 = arith.addf %add3A_472, %select_n3A_482 : vector<8x128xf32>
    %get3A_484 = arith.constant 328 : index
    %get3A_485 = arith.constant 0 : index
    %get3A_486 = vector.load %arg2[%get3A_484, %get3A_485] : memref<1024x128xf32, #tpu.memory_space<vmem>>, vector<8x128xf32>
    %add3A_487 = arith.constant 72 : i32
    %add3A_488 = vector.broadcast %add3A_487 : i32 to vector<8x128xi32>
    %add3A_489 = arith.addi %add3A_488, %iota3A_3 : vector<8x128xi32>
    %eq3A_490 = arith.cmpi eq, %iota3A_4, %add3A_489 : vector<8x128xi32>
    %jit3A_491 = arith.constant 0.000000e+00 : f32
    %broadcast_in_dim3A_492 = vector.broadcast %jit3A_491 : f32 to vector<8x128xf32>
    %select_n3A_493 = arith.select %eq3A_490, %get3A_486, %broadcast_in_dim3A_492 : vector<8x128xi1>, vector<8x128xf32>
    %add3A_494 = arith.addf %add3A_483, %select_n3A_493 : vector<8x128xf32>
    %get3A_495 = arith.constant 336 : index
    %get3A_496 = arith.constant 0 : index
    %get3A_497 = vector.load %arg2[%get3A_495, %get3A_496] : memref<1024x128xf32, #tpu.memory_space<vmem>>, vector<8x128xf32>
    %add3A_498 = arith.constant 80 : i32
    %add3A_499 = vector.broadcast %add3A_498 : i32 to vector<8x128xi32>
    %add3A_500 = arith.addi %add3A_499, %iota3A_3 : vector<8x128xi32>
    %eq3A_501 = arith.cmpi eq, %iota3A_4, %add3A_500 : vector<8x128xi32>
    %jit3A_502 = arith.constant 0.000000e+00 : f32
    %broadcast_in_dim3A_503 = vector.broadcast %jit3A_502 : f32 to vector<8x128xf32>
    %select_n3A_504 = arith.select %eq3A_501, %get3A_497, %broadcast_in_dim3A_503 : vector<8x128xi1>, vector<8x128xf32>
    %add3A_505 = arith.addf %add3A_494, %select_n3A_504 : vector<8x128xf32>
    %get3A_506 = arith.constant 344 : index
    %get3A_507 = arith.constant 0 : index
    %get3A_508 = vector.load %arg2[%get3A_506, %get3A_507] : memref<1024x128xf32, #tpu.memory_space<vmem>>, vector<8x128xf32>
    %add3A_509 = arith.constant 88 : i32
    %add3A_510 = vector.broadcast %add3A_509 : i32 to vector<8x128xi32>
    %add3A_511 = arith.addi %add3A_510, %iota3A_3 : vector<8x128xi32>
    %eq3A_512 = arith.cmpi eq, %iota3A_4, %add3A_511 : vector<8x128xi32>
    %jit3A_513 = arith.constant 0.000000e+00 : f32
    %broadcast_in_dim3A_514 = vector.broadcast %jit3A_513 : f32 to vector<8x128xf32>
    %select_n3A_515 = arith.select %eq3A_512, %get3A_508, %broadcast_in_dim3A_514 : vector<8x128xi1>, vector<8x128xf32>
    %add3A_516 = arith.addf %add3A_505, %select_n3A_515 : vector<8x128xf32>
    %get3A_517 = arith.constant 352 : index
    %get3A_518 = arith.constant 0 : index
    %get3A_519 = vector.load %arg2[%get3A_517, %get3A_518] : memref<1024x128xf32, #tpu.memory_space<vmem>>, vector<8x128xf32>
    %add3A_520 = arith.constant 96 : i32
    %add3A_521 = vector.broadcast %add3A_520 : i32 to vector<8x128xi32>
    %add3A_522 = arith.addi %add3A_521, %iota3A_3 : vector<8x128xi32>
    %eq3A_523 = arith.cmpi eq, %iota3A_4, %add3A_522 : vector<8x128xi32>
    %jit3A_524 = arith.constant 0.000000e+00 : f32
    %broadcast_in_dim3A_525 = vector.broadcast %jit3A_524 : f32 to vector<8x128xf32>
    %select_n3A_526 = arith.select %eq3A_523, %get3A_519, %broadcast_in_dim3A_525 : vector<8x128xi1>, vector<8x128xf32>
    %add3A_527 = arith.addf %add3A_516, %select_n3A_526 : vector<8x128xf32>
    %get3A_528 = arith.constant 360 : index
    %get3A_529 = arith.constant 0 : index
    %get3A_530 = vector.load %arg2[%get3A_528, %get3A_529] : memref<1024x128xf32, #tpu.memory_space<vmem>>, vector<8x128xf32>
    %add3A_531 = arith.constant 104 : i32
    %add3A_532 = vector.broadcast %add3A_531 : i32 to vector<8x128xi32>
    %add3A_533 = arith.addi %add3A_532, %iota3A_3 : vector<8x128xi32>
    %eq3A_534 = arith.cmpi eq, %iota3A_4, %add3A_533 : vector<8x128xi32>
    %jit3A_535 = arith.constant 0.000000e+00 : f32
    %broadcast_in_dim3A_536 = vector.broadcast %jit3A_535 : f32 to vector<8x128xf32>
    %select_n3A_537 = arith.select %eq3A_534, %get3A_530, %broadcast_in_dim3A_536 : vector<8x128xi1>, vector<8x128xf32>
    %add3A_538 = arith.addf %add3A_527, %select_n3A_537 : vector<8x128xf32>
    %get3A_539 = arith.constant 368 : index
    %get3A_540 = arith.constant 0 : index
    %get3A_541 = vector.load %arg2[%get3A_539, %get3A_540] : memref<1024x128xf32, #tpu.memory_space<vmem>>, vector<8x128xf32>
    %add3A_542 = arith.constant 112 : i32
    %add3A_543 = vector.broadcast %add3A_542 : i32 to vector<8x128xi32>
    %add3A_544 = arith.addi %add3A_543, %iota3A_3 : vector<8x128xi32>
    %eq3A_545 = arith.cmpi eq, %iota3A_4, %add3A_544 : vector<8x128xi32>
    %jit3A_546 = arith.constant 0.000000e+00 : f32
    %broadcast_in_dim3A_547 = vector.broadcast %jit3A_546 : f32 to vector<8x128xf32>
    %select_n3A_548 = arith.select %eq3A_545, %get3A_541, %broadcast_in_dim3A_547 : vector<8x128xi1>, vector<8x128xf32>
    %add3A_549 = arith.addf %add3A_538, %select_n3A_548 : vector<8x128xf32>
    %get3A_550 = arith.constant 376 : index
    %get3A_551 = arith.constant 0 : index
    %get3A_552 = vector.load %arg2[%get3A_550, %get3A_551] : memref<1024x128xf32, #tpu.memory_space<vmem>>, vector<8x128xf32>
    %add3A_553 = arith.constant 120 : i32
    %add3A_554 = vector.broadcast %add3A_553 : i32 to vector<8x128xi32>
    %add3A_555 = arith.addi %add3A_554, %iota3A_3 : vector<8x128xi32>
    %eq3A_556 = arith.cmpi eq, %iota3A_4, %add3A_555 : vector<8x128xi32>
    %jit3A_557 = arith.constant 0.000000e+00 : f32
    %broadcast_in_dim3A_558 = vector.broadcast %jit3A_557 : f32 to vector<8x128xf32>
    %select_n3A_559 = arith.select %eq3A_556, %get3A_552, %broadcast_in_dim3A_558 : vector<8x128xi1>, vector<8x128xf32>
    %add3A_560 = arith.addf %add3A_549, %select_n3A_559 : vector<8x128xf32>
    %reduce_sum3A_561 = arith.constant dense<0.000000e+00> : vector<128xf32>
    %reduce_sum3A_562 = vector.multi_reduction <add>, %add3A_560, %reduce_sum3A_561 [0] : vector<8x128xf32> to vector<128xf32>
    %broadcast_in_dim3A_563 = vector.shape_cast %reduce_sum3A_562 : vector<128xf32> to vector<1x128xf32>
    %eq3A_564 = arith.constant 2 : i32
    %eq3A_565 = vector.broadcast %eq3A_564 : i32 to vector<8x128xi32>
    %eq3A_566 = arith.cmpi eq, %iota3A_3, %eq3A_565 : vector<8x128xi32>
    %jit3A_567 = arith.constant 0.000000e+00 : f32
    %broadcast_in_dim3A_568 = vector.shape_cast %broadcast_in_dim3A_563 : vector<1x128xf32> to vector<1x128xf32>
    %broadcast_in_dim3A_569 = vector.broadcast %broadcast_in_dim3A_568 : vector<1x128xf32> to vector<8x128xf32>
    %broadcast_in_dim3A_570 = vector.broadcast %jit3A_567 : f32 to vector<8x128xf32>
    %select_n3A_571 = arith.select %eq3A_566, %broadcast_in_dim3A_569, %broadcast_in_dim3A_570 : vector<8x128xi1>, vector<8x128xf32>
    %add3A_572 = arith.addf %add3A_382, %select_n3A_571 : vector<8x128xf32>
    %broadcast_in_dim3A_573 = arith.constant 0.000000e+00 : f32
    %broadcast_in_dim3A_574 = vector.broadcast %broadcast_in_dim3A_573 : f32 to vector<8x128xf32>
    %get3A_575 = arith.constant 384 : index
    %get3A_576 = arith.constant 0 : index
    %get3A_577 = vector.load %arg2[%get3A_575, %get3A_576] : memref<1024x128xf32, #tpu.memory_space<vmem>>, vector<8x128xf32>
    %add3A_578 = arith.constant 0 : i32
    %add3A_579 = vector.broadcast %add3A_578 : i32 to vector<8x128xi32>
    %add3A_580 = arith.addi %add3A_579, %iota3A_3 : vector<8x128xi32>
    %eq3A_581 = arith.cmpi eq, %iota3A_4, %add3A_580 : vector<8x128xi32>
    %jit3A_582 = arith.constant 0.000000e+00 : f32
    %broadcast_in_dim3A_583 = vector.broadcast %jit3A_582 : f32 to vector<8x128xf32>
    %select_n3A_584 = arith.select %eq3A_581, %get3A_577, %broadcast_in_dim3A_583 : vector<8x128xi1>, vector<8x128xf32>
    %add3A_585 = arith.addf %broadcast_in_dim3A_574, %select_n3A_584 : vector<8x128xf32>
    %get3A_586 = arith.constant 392 : index
    %get3A_587 = arith.constant 0 : index
    %get3A_588 = vector.load %arg2[%get3A_586, %get3A_587] : memref<1024x128xf32, #tpu.memory_space<vmem>>, vector<8x128xf32>
    %add3A_589 = arith.constant 8 : i32
    %add3A_590 = vector.broadcast %add3A_589 : i32 to vector<8x128xi32>
    %add3A_591 = arith.addi %add3A_590, %iota3A_3 : vector<8x128xi32>
    %eq3A_592 = arith.cmpi eq, %iota3A_4, %add3A_591 : vector<8x128xi32>
    %jit3A_593 = arith.constant 0.000000e+00 : f32
    %broadcast_in_dim3A_594 = vector.broadcast %jit3A_593 : f32 to vector<8x128xf32>
    %select_n3A_595 = arith.select %eq3A_592, %get3A_588, %broadcast_in_dim3A_594 : vector<8x128xi1>, vector<8x128xf32>
    %add3A_596 = arith.addf %add3A_585, %select_n3A_595 : vector<8x128xf32>
    %get3A_597 = arith.constant 400 : index
    %get3A_598 = arith.constant 0 : index
    %get3A_599 = vector.load %arg2[%get3A_597, %get3A_598] : memref<1024x128xf32, #tpu.memory_space<vmem>>, vector<8x128xf32>
    %add3A_600 = arith.constant 16 : i32
    %add3A_601 = vector.broadcast %add3A_600 : i32 to vector<8x128xi32>
    %add3A_602 = arith.addi %add3A_601, %iota3A_3 : vector<8x128xi32>
    %eq3A_603 = arith.cmpi eq, %iota3A_4, %add3A_602 : vector<8x128xi32>
    %jit3A_604 = arith.constant 0.000000e+00 : f32
    %broadcast_in_dim3A_605 = vector.broadcast %jit3A_604 : f32 to vector<8x128xf32>
    %select_n3A_606 = arith.select %eq3A_603, %get3A_599, %broadcast_in_dim3A_605 : vector<8x128xi1>, vector<8x128xf32>
    %add3A_607 = arith.addf %add3A_596, %select_n3A_606 : vector<8x128xf32>
    %get3A_608 = arith.constant 408 : index
    %get3A_609 = arith.constant 0 : index
    %get3A_610 = vector.load %arg2[%get3A_608, %get3A_609] : memref<1024x128xf32, #tpu.memory_space<vmem>>, vector<8x128xf32>
    %add3A_611 = arith.constant 24 : i32
    %add3A_612 = vector.broadcast %add3A_611 : i32 to vector<8x128xi32>
    %add3A_613 = arith.addi %add3A_612, %iota3A_3 : vector<8x128xi32>
    %eq3A_614 = arith.cmpi eq, %iota3A_4, %add3A_613 : vector<8x128xi32>
    %jit3A_615 = arith.constant 0.000000e+00 : f32
    %broadcast_in_dim3A_616 = vector.broadcast %jit3A_615 : f32 to vector<8x128xf32>
    %select_n3A_617 = arith.select %eq3A_614, %get3A_610, %broadcast_in_dim3A_616 : vector<8x128xi1>, vector<8x128xf32>
    %add3A_618 = arith.addf %add3A_607, %select_n3A_617 : vector<8x128xf32>
    %get3A_619 = arith.constant 416 : index
    %get3A_620 = arith.constant 0 : index
    %get3A_621 = vector.load %arg2[%get3A_619, %get3A_620] : memref<1024x128xf32, #tpu.memory_space<vmem>>, vector<8x128xf32>
    %add3A_622 = arith.constant 32 : i32
    %add3A_623 = vector.broadcast %add3A_622 : i32 to vector<8x128xi32>
    %add3A_624 = arith.addi %add3A_623, %iota3A_3 : vector<8x128xi32>
    %eq3A_625 = arith.cmpi eq, %iota3A_4, %add3A_624 : vector<8x128xi32>
    %jit3A_626 = arith.constant 0.000000e+00 : f32
    %broadcast_in_dim3A_627 = vector.broadcast %jit3A_626 : f32 to vector<8x128xf32>
    %select_n3A_628 = arith.select %eq3A_625, %get3A_621, %broadcast_in_dim3A_627 : vector<8x128xi1>, vector<8x128xf32>
    %add3A_629 = arith.addf %add3A_618, %select_n3A_628 : vector<8x128xf32>
    %get3A_630 = arith.constant 424 : index
    %get3A_631 = arith.constant 0 : index
    %get3A_632 = vector.load %arg2[%get3A_630, %get3A_631] : memref<1024x128xf32, #tpu.memory_space<vmem>>, vector<8x128xf32>
    %add3A_633 = arith.constant 40 : i32
    %add3A_634 = vector.broadcast %add3A_633 : i32 to vector<8x128xi32>
    %add3A_635 = arith.addi %add3A_634, %iota3A_3 : vector<8x128xi32>
    %eq3A_636 = arith.cmpi eq, %iota3A_4, %add3A_635 : vector<8x128xi32>
    %jit3A_637 = arith.constant 0.000000e+00 : f32
    %broadcast_in_dim3A_638 = vector.broadcast %jit3A_637 : f32 to vector<8x128xf32>
    %select_n3A_639 = arith.select %eq3A_636, %get3A_632, %broadcast_in_dim3A_638 : vector<8x128xi1>, vector<8x128xf32>
    %add3A_640 = arith.addf %add3A_629, %select_n3A_639 : vector<8x128xf32>
    %get3A_641 = arith.constant 432 : index
    %get3A_642 = arith.constant 0 : index
    %get3A_643 = vector.load %arg2[%get3A_641, %get3A_642] : memref<1024x128xf32, #tpu.memory_space<vmem>>, vector<8x128xf32>
    %add3A_644 = arith.constant 48 : i32
    %add3A_645 = vector.broadcast %add3A_644 : i32 to vector<8x128xi32>
    %add3A_646 = arith.addi %add3A_645, %iota3A_3 : vector<8x128xi32>
    %eq3A_647 = arith.cmpi eq, %iota3A_4, %add3A_646 : vector<8x128xi32>
    %jit3A_648 = arith.constant 0.000000e+00 : f32
    %broadcast_in_dim3A_649 = vector.broadcast %jit3A_648 : f32 to vector<8x128xf32>
    %select_n3A_650 = arith.select %eq3A_647, %get3A_643, %broadcast_in_dim3A_649 : vector<8x128xi1>, vector<8x128xf32>
    %add3A_651 = arith.addf %add3A_640, %select_n3A_650 : vector<8x128xf32>
    %get3A_652 = arith.constant 440 : index
    %get3A_653 = arith.constant 0 : index
    %get3A_654 = vector.load %arg2[%get3A_652, %get3A_653] : memref<1024x128xf32, #tpu.memory_space<vmem>>, vector<8x128xf32>
    %add3A_655 = arith.constant 56 : i32
    %add3A_656 = vector.broadcast %add3A_655 : i32 to vector<8x128xi32>
    %add3A_657 = arith.addi %add3A_656, %iota3A_3 : vector<8x128xi32>
    %eq3A_658 = arith.cmpi eq, %iota3A_4, %add3A_657 : vector<8x128xi32>
    %jit3A_659 = arith.constant 0.000000e+00 : f32
    %broadcast_in_dim3A_660 = vector.broadcast %jit3A_659 : f32 to vector<8x128xf32>
    %select_n3A_661 = arith.select %eq3A_658, %get3A_654, %broadcast_in_dim3A_660 : vector<8x128xi1>, vector<8x128xf32>
    %add3A_662 = arith.addf %add3A_651, %select_n3A_661 : vector<8x128xf32>
    %get3A_663 = arith.constant 448 : index
    %get3A_664 = arith.constant 0 : index
    %get3A_665 = vector.load %arg2[%get3A_663, %get3A_664] : memref<1024x128xf32, #tpu.memory_space<vmem>>, vector<8x128xf32>
    %add3A_666 = arith.constant 64 : i32
    %add3A_667 = vector.broadcast %add3A_666 : i32 to vector<8x128xi32>
    %add3A_668 = arith.addi %add3A_667, %iota3A_3 : vector<8x128xi32>
    %eq3A_669 = arith.cmpi eq, %iota3A_4, %add3A_668 : vector<8x128xi32>
    %jit3A_670 = arith.constant 0.000000e+00 : f32
    %broadcast_in_dim3A_671 = vector.broadcast %jit3A_670 : f32 to vector<8x128xf32>
    %select_n3A_672 = arith.select %eq3A_669, %get3A_665, %broadcast_in_dim3A_671 : vector<8x128xi1>, vector<8x128xf32>
    %add3A_673 = arith.addf %add3A_662, %select_n3A_672 : vector<8x128xf32>
    %get3A_674 = arith.constant 456 : index
    %get3A_675 = arith.constant 0 : index
    %get3A_676 = vector.load %arg2[%get3A_674, %get3A_675] : memref<1024x128xf32, #tpu.memory_space<vmem>>, vector<8x128xf32>
    %add3A_677 = arith.constant 72 : i32
    %add3A_678 = vector.broadcast %add3A_677 : i32 to vector<8x128xi32>
    %add3A_679 = arith.addi %add3A_678, %iota3A_3 : vector<8x128xi32>
    %eq3A_680 = arith.cmpi eq, %iota3A_4, %add3A_679 : vector<8x128xi32>
    %jit3A_681 = arith.constant 0.000000e+00 : f32
    %broadcast_in_dim3A_682 = vector.broadcast %jit3A_681 : f32 to vector<8x128xf32>
    %select_n3A_683 = arith.select %eq3A_680, %get3A_676, %broadcast_in_dim3A_682 : vector<8x128xi1>, vector<8x128xf32>
    %add3A_684 = arith.addf %add3A_673, %select_n3A_683 : vector<8x128xf32>
    %get3A_685 = arith.constant 464 : index
    %get3A_686 = arith.constant 0 : index
    %get3A_687 = vector.load %arg2[%get3A_685, %get3A_686] : memref<1024x128xf32, #tpu.memory_space<vmem>>, vector<8x128xf32>
    %add3A_688 = arith.constant 80 : i32
    %add3A_689 = vector.broadcast %add3A_688 : i32 to vector<8x128xi32>
    %add3A_690 = arith.addi %add3A_689, %iota3A_3 : vector<8x128xi32>
    %eq3A_691 = arith.cmpi eq, %iota3A_4, %add3A_690 : vector<8x128xi32>
    %jit3A_692 = arith.constant 0.000000e+00 : f32
    %broadcast_in_dim3A_693 = vector.broadcast %jit3A_692 : f32 to vector<8x128xf32>
    %select_n3A_694 = arith.select %eq3A_691, %get3A_687, %broadcast_in_dim3A_693 : vector<8x128xi1>, vector<8x128xf32>
    %add3A_695 = arith.addf %add3A_684, %select_n3A_694 : vector<8x128xf32>
    %get3A_696 = arith.constant 472 : index
    %get3A_697 = arith.constant 0 : index
    %get3A_698 = vector.load %arg2[%get3A_696, %get3A_697] : memref<1024x128xf32, #tpu.memory_space<vmem>>, vector<8x128xf32>
    %add3A_699 = arith.constant 88 : i32
    %add3A_700 = vector.broadcast %add3A_699 : i32 to vector<8x128xi32>
    %add3A_701 = arith.addi %add3A_700, %iota3A_3 : vector<8x128xi32>
    %eq3A_702 = arith.cmpi eq, %iota3A_4, %add3A_701 : vector<8x128xi32>
    %jit3A_703 = arith.constant 0.000000e+00 : f32
    %broadcast_in_dim3A_704 = vector.broadcast %jit3A_703 : f32 to vector<8x128xf32>
    %select_n3A_705 = arith.select %eq3A_702, %get3A_698, %broadcast_in_dim3A_704 : vector<8x128xi1>, vector<8x128xf32>
    %add3A_706 = arith.addf %add3A_695, %select_n3A_705 : vector<8x128xf32>
    %get3A_707 = arith.constant 480 : index
    %get3A_708 = arith.constant 0 : index
    %get3A_709 = vector.load %arg2[%get3A_707, %get3A_708] : memref<1024x128xf32, #tpu.memory_space<vmem>>, vector<8x128xf32>
    %add3A_710 = arith.constant 96 : i32
    %add3A_711 = vector.broadcast %add3A_710 : i32 to vector<8x128xi32>
    %add3A_712 = arith.addi %add3A_711, %iota3A_3 : vector<8x128xi32>
    %eq3A_713 = arith.cmpi eq, %iota3A_4, %add3A_712 : vector<8x128xi32>
    %jit3A_714 = arith.constant 0.000000e+00 : f32
    %broadcast_in_dim3A_715 = vector.broadcast %jit3A_714 : f32 to vector<8x128xf32>
    %select_n3A_716 = arith.select %eq3A_713, %get3A_709, %broadcast_in_dim3A_715 : vector<8x128xi1>, vector<8x128xf32>
    %add3A_717 = arith.addf %add3A_706, %select_n3A_716 : vector<8x128xf32>
    %get3A_718 = arith.constant 488 : index
    %get3A_719 = arith.constant 0 : index
    %get3A_720 = vector.load %arg2[%get3A_718, %get3A_719] : memref<1024x128xf32, #tpu.memory_space<vmem>>, vector<8x128xf32>
    %add3A_721 = arith.constant 104 : i32
    %add3A_722 = vector.broadcast %add3A_721 : i32 to vector<8x128xi32>
    %add3A_723 = arith.addi %add3A_722, %iota3A_3 : vector<8x128xi32>
    %eq3A_724 = arith.cmpi eq, %iota3A_4, %add3A_723 : vector<8x128xi32>
    %jit3A_725 = arith.constant 0.000000e+00 : f32
    %broadcast_in_dim3A_726 = vector.broadcast %jit3A_725 : f32 to vector<8x128xf32>
    %select_n3A_727 = arith.select %eq3A_724, %get3A_720, %broadcast_in_dim3A_726 : vector<8x128xi1>, vector<8x128xf32>
    %add3A_728 = arith.addf %add3A_717, %select_n3A_727 : vector<8x128xf32>
    %get3A_729 = arith.constant 496 : index
    %get3A_730 = arith.constant 0 : index
    %get3A_731 = vector.load %arg2[%get3A_729, %get3A_730] : memref<1024x128xf32, #tpu.memory_space<vmem>>, vector<8x128xf32>
    %add3A_732 = arith.constant 112 : i32
    %add3A_733 = vector.broadcast %add3A_732 : i32 to vector<8x128xi32>
    %add3A_734 = arith.addi %add3A_733, %iota3A_3 : vector<8x128xi32>
    %eq3A_735 = arith.cmpi eq, %iota3A_4, %add3A_734 : vector<8x128xi32>
    %jit3A_736 = arith.constant 0.000000e+00 : f32
    %broadcast_in_dim3A_737 = vector.broadcast %jit3A_736 : f32 to vector<8x128xf32>
    %select_n3A_738 = arith.select %eq3A_735, %get3A_731, %broadcast_in_dim3A_737 : vector<8x128xi1>, vector<8x128xf32>
    %add3A_739 = arith.addf %add3A_728, %select_n3A_738 : vector<8x128xf32>
    %get3A_740 = arith.constant 504 : index
    %get3A_741 = arith.constant 0 : index
    %get3A_742 = vector.load %arg2[%get3A_740, %get3A_741] : memref<1024x128xf32, #tpu.memory_space<vmem>>, vector<8x128xf32>
    %add3A_743 = arith.constant 120 : i32
    %add3A_744 = vector.broadcast %add3A_743 : i32 to vector<8x128xi32>
    %add3A_745 = arith.addi %add3A_744, %iota3A_3 : vector<8x128xi32>
    %eq3A_746 = arith.cmpi eq, %iota3A_4, %add3A_745 : vector<8x128xi32>
    %jit3A_747 = arith.constant 0.000000e+00 : f32
    %broadcast_in_dim3A_748 = vector.broadcast %jit3A_747 : f32 to vector<8x128xf32>
    %select_n3A_749 = arith.select %eq3A_746, %get3A_742, %broadcast_in_dim3A_748 : vector<8x128xi1>, vector<8x128xf32>
    %add3A_750 = arith.addf %add3A_739, %select_n3A_749 : vector<8x128xf32>
    %reduce_sum3A_751 = arith.constant dense<0.000000e+00> : vector<128xf32>
    %reduce_sum3A_752 = vector.multi_reduction <add>, %add3A_750, %reduce_sum3A_751 [0] : vector<8x128xf32> to vector<128xf32>
    %broadcast_in_dim3A_753 = vector.shape_cast %reduce_sum3A_752 : vector<128xf32> to vector<1x128xf32>
    %eq3A_754 = arith.constant 3 : i32
    %eq3A_755 = vector.broadcast %eq3A_754 : i32 to vector<8x128xi32>
    %eq3A_756 = arith.cmpi eq, %iota3A_3, %eq3A_755 : vector<8x128xi32>
    %jit3A_757 = arith.constant 0.000000e+00 : f32
    %broadcast_in_dim3A_758 = vector.shape_cast %broadcast_in_dim3A_753 : vector<1x128xf32> to vector<1x128xf32>
    %broadcast_in_dim3A_759 = vector.broadcast %broadcast_in_dim3A_758 : vector<1x128xf32> to vector<8x128xf32>
    %broadcast_in_dim3A_760 = vector.broadcast %jit3A_757 : f32 to vector<8x128xf32>
    %select_n3A_761 = arith.select %eq3A_756, %broadcast_in_dim3A_759, %broadcast_in_dim3A_760 : vector<8x128xi1>, vector<8x128xf32>
    %add3A_762 = arith.addf %add3A_572, %select_n3A_761 : vector<8x128xf32>
    %broadcast_in_dim3A_763 = arith.constant 0.000000e+00 : f32
    %broadcast_in_dim3A_764 = vector.broadcast %broadcast_in_dim3A_763 : f32 to vector<8x128xf32>
    %get3A_765 = arith.constant 512 : index
    %get3A_766 = arith.constant 0 : index
    %get3A_767 = vector.load %arg2[%get3A_765, %get3A_766] : memref<1024x128xf32, #tpu.memory_space<vmem>>, vector<8x128xf32>
    %add3A_768 = arith.constant 0 : i32
    %add3A_769 = vector.broadcast %add3A_768 : i32 to vector<8x128xi32>
    %add3A_770 = arith.addi %add3A_769, %iota3A_3 : vector<8x128xi32>
    %eq3A_771 = arith.cmpi eq, %iota3A_4, %add3A_770 : vector<8x128xi32>
    %jit3A_772 = arith.constant 0.000000e+00 : f32
    %broadcast_in_dim3A_773 = vector.broadcast %jit3A_772 : f32 to vector<8x128xf32>
    %select_n3A_774 = arith.select %eq3A_771, %get3A_767, %broadcast_in_dim3A_773 : vector<8x128xi1>, vector<8x128xf32>
    %add3A_775 = arith.addf %broadcast_in_dim3A_764, %select_n3A_774 : vector<8x128xf32>
    %get3A_776 = arith.constant 520 : index
    %get3A_777 = arith.constant 0 : index
    %get3A_778 = vector.load %arg2[%get3A_776, %get3A_777] : memref<1024x128xf32, #tpu.memory_space<vmem>>, vector<8x128xf32>
    %add3A_779 = arith.constant 8 : i32
    %add3A_780 = vector.broadcast %add3A_779 : i32 to vector<8x128xi32>
    %add3A_781 = arith.addi %add3A_780, %iota3A_3 : vector<8x128xi32>
    %eq3A_782 = arith.cmpi eq, %iota3A_4, %add3A_781 : vector<8x128xi32>
    %jit3A_783 = arith.constant 0.000000e+00 : f32
    %broadcast_in_dim3A_784 = vector.broadcast %jit3A_783 : f32 to vector<8x128xf32>
    %select_n3A_785 = arith.select %eq3A_782, %get3A_778, %broadcast_in_dim3A_784 : vector<8x128xi1>, vector<8x128xf32>
    %add3A_786 = arith.addf %add3A_775, %select_n3A_785 : vector<8x128xf32>
    %get3A_787 = arith.constant 528 : index
    %get3A_788 = arith.constant 0 : index
    %get3A_789 = vector.load %arg2[%get3A_787, %get3A_788] : memref<1024x128xf32, #tpu.memory_space<vmem>>, vector<8x128xf32>
    %add3A_790 = arith.constant 16 : i32
    %add3A_791 = vector.broadcast %add3A_790 : i32 to vector<8x128xi32>
    %add3A_792 = arith.addi %add3A_791, %iota3A_3 : vector<8x128xi32>
    %eq3A_793 = arith.cmpi eq, %iota3A_4, %add3A_792 : vector<8x128xi32>
    %jit3A_794 = arith.constant 0.000000e+00 : f32
    %broadcast_in_dim3A_795 = vector.broadcast %jit3A_794 : f32 to vector<8x128xf32>
    %select_n3A_796 = arith.select %eq3A_793, %get3A_789, %broadcast_in_dim3A_795 : vector<8x128xi1>, vector<8x128xf32>
    %add3A_797 = arith.addf %add3A_786, %select_n3A_796 : vector<8x128xf32>
    %get3A_798 = arith.constant 536 : index
    %get3A_799 = arith.constant 0 : index
    %get3A_800 = vector.load %arg2[%get3A_798, %get3A_799] : memref<1024x128xf32, #tpu.memory_space<vmem>>, vector<8x128xf32>
    %add3A_801 = arith.constant 24 : i32
    %add3A_802 = vector.broadcast %add3A_801 : i32 to vector<8x128xi32>
    %add3A_803 = arith.addi %add3A_802, %iota3A_3 : vector<8x128xi32>
    %eq3A_804 = arith.cmpi eq, %iota3A_4, %add3A_803 : vector<8x128xi32>
    %jit3A_805 = arith.constant 0.000000e+00 : f32
    %broadcast_in_dim3A_806 = vector.broadcast %jit3A_805 : f32 to vector<8x128xf32>
    %select_n3A_807 = arith.select %eq3A_804, %get3A_800, %broadcast_in_dim3A_806 : vector<8x128xi1>, vector<8x128xf32>
    %add3A_808 = arith.addf %add3A_797, %select_n3A_807 : vector<8x128xf32>
    %get3A_809 = arith.constant 544 : index
    %get3A_810 = arith.constant 0 : index
    %get3A_811 = vector.load %arg2[%get3A_809, %get3A_810] : memref<1024x128xf32, #tpu.memory_space<vmem>>, vector<8x128xf32>
    %add3A_812 = arith.constant 32 : i32
    %add3A_813 = vector.broadcast %add3A_812 : i32 to vector<8x128xi32>
    %add3A_814 = arith.addi %add3A_813, %iota3A_3 : vector<8x128xi32>
    %eq3A_815 = arith.cmpi eq, %iota3A_4, %add3A_814 : vector<8x128xi32>
    %jit3A_816 = arith.constant 0.000000e+00 : f32
    %broadcast_in_dim3A_817 = vector.broadcast %jit3A_816 : f32 to vector<8x128xf32>
    %select_n3A_818 = arith.select %eq3A_815, %get3A_811, %broadcast_in_dim3A_817 : vector<8x128xi1>, vector<8x128xf32>
    %add3A_819 = arith.addf %add3A_808, %select_n3A_818 : vector<8x128xf32>
    %get3A_820 = arith.constant 552 : index
    %get3A_821 = arith.constant 0 : index
    %get3A_822 = vector.load %arg2[%get3A_820, %get3A_821] : memref<1024x128xf32, #tpu.memory_space<vmem>>, vector<8x128xf32>
    %add3A_823 = arith.constant 40 : i32
    %add3A_824 = vector.broadcast %add3A_823 : i32 to vector<8x128xi32>
    %add3A_825 = arith.addi %add3A_824, %iota3A_3 : vector<8x128xi32>
    %eq3A_826 = arith.cmpi eq, %iota3A_4, %add3A_825 : vector<8x128xi32>
    %jit3A_827 = arith.constant 0.000000e+00 : f32
    %broadcast_in_dim3A_828 = vector.broadcast %jit3A_827 : f32 to vector<8x128xf32>
    %select_n3A_829 = arith.select %eq3A_826, %get3A_822, %broadcast_in_dim3A_828 : vector<8x128xi1>, vector<8x128xf32>
    %add3A_830 = arith.addf %add3A_819, %select_n3A_829 : vector<8x128xf32>
    %get3A_831 = arith.constant 560 : index
    %get3A_832 = arith.constant 0 : index
    %get3A_833 = vector.load %arg2[%get3A_831, %get3A_832] : memref<1024x128xf32, #tpu.memory_space<vmem>>, vector<8x128xf32>
    %add3A_834 = arith.constant 48 : i32
    %add3A_835 = vector.broadcast %add3A_834 : i32 to vector<8x128xi32>
    %add3A_836 = arith.addi %add3A_835, %iota3A_3 : vector<8x128xi32>
    %eq3A_837 = arith.cmpi eq, %iota3A_4, %add3A_836 : vector<8x128xi32>
    %jit3A_838 = arith.constant 0.000000e+00 : f32
    %broadcast_in_dim3A_839 = vector.broadcast %jit3A_838 : f32 to vector<8x128xf32>
    %select_n3A_840 = arith.select %eq3A_837, %get3A_833, %broadcast_in_dim3A_839 : vector<8x128xi1>, vector<8x128xf32>
    %add3A_841 = arith.addf %add3A_830, %select_n3A_840 : vector<8x128xf32>
    %get3A_842 = arith.constant 568 : index
    %get3A_843 = arith.constant 0 : index
    %get3A_844 = vector.load %arg2[%get3A_842, %get3A_843] : memref<1024x128xf32, #tpu.memory_space<vmem>>, vector<8x128xf32>
    %add3A_845 = arith.constant 56 : i32
    %add3A_846 = vector.broadcast %add3A_845 : i32 to vector<8x128xi32>
    %add3A_847 = arith.addi %add3A_846, %iota3A_3 : vector<8x128xi32>
    %eq3A_848 = arith.cmpi eq, %iota3A_4, %add3A_847 : vector<8x128xi32>
    %jit3A_849 = arith.constant 0.000000e+00 : f32
    %broadcast_in_dim3A_850 = vector.broadcast %jit3A_849 : f32 to vector<8x128xf32>
    %select_n3A_851 = arith.select %eq3A_848, %get3A_844, %broadcast_in_dim3A_850 : vector<8x128xi1>, vector<8x128xf32>
    %add3A_852 = arith.addf %add3A_841, %select_n3A_851 : vector<8x128xf32>
    %get3A_853 = arith.constant 576 : index
    %get3A_854 = arith.constant 0 : index
    %get3A_855 = vector.load %arg2[%get3A_853, %get3A_854] : memref<1024x128xf32, #tpu.memory_space<vmem>>, vector<8x128xf32>
    %add3A_856 = arith.constant 64 : i32
    %add3A_857 = vector.broadcast %add3A_856 : i32 to vector<8x128xi32>
    %add3A_858 = arith.addi %add3A_857, %iota3A_3 : vector<8x128xi32>
    %eq3A_859 = arith.cmpi eq, %iota3A_4, %add3A_858 : vector<8x128xi32>
    %jit3A_860 = arith.constant 0.000000e+00 : f32
    %broadcast_in_dim3A_861 = vector.broadcast %jit3A_860 : f32 to vector<8x128xf32>
    %select_n3A_862 = arith.select %eq3A_859, %get3A_855, %broadcast_in_dim3A_861 : vector<8x128xi1>, vector<8x128xf32>
    %add3A_863 = arith.addf %add3A_852, %select_n3A_862 : vector<8x128xf32>
    %get3A_864 = arith.constant 584 : index
    %get3A_865 = arith.constant 0 : index
    %get3A_866 = vector.load %arg2[%get3A_864, %get3A_865] : memref<1024x128xf32, #tpu.memory_space<vmem>>, vector<8x128xf32>
    %add3A_867 = arith.constant 72 : i32
    %add3A_868 = vector.broadcast %add3A_867 : i32 to vector<8x128xi32>
    %add3A_869 = arith.addi %add3A_868, %iota3A_3 : vector<8x128xi32>
    %eq3A_870 = arith.cmpi eq, %iota3A_4, %add3A_869 : vector<8x128xi32>
    %jit3A_871 = arith.constant 0.000000e+00 : f32
    %broadcast_in_dim3A_872 = vector.broadcast %jit3A_871 : f32 to vector<8x128xf32>
    %select_n3A_873 = arith.select %eq3A_870, %get3A_866, %broadcast_in_dim3A_872 : vector<8x128xi1>, vector<8x128xf32>
    %add3A_874 = arith.addf %add3A_863, %select_n3A_873 : vector<8x128xf32>
    %get3A_875 = arith.constant 592 : index
    %get3A_876 = arith.constant 0 : index
    %get3A_877 = vector.load %arg2[%get3A_875, %get3A_876] : memref<1024x128xf32, #tpu.memory_space<vmem>>, vector<8x128xf32>
    %add3A_878 = arith.constant 80 : i32
    %add3A_879 = vector.broadcast %add3A_878 : i32 to vector<8x128xi32>
    %add3A_880 = arith.addi %add3A_879, %iota3A_3 : vector<8x128xi32>
    %eq3A_881 = arith.cmpi eq, %iota3A_4, %add3A_880 : vector<8x128xi32>
    %jit3A_882 = arith.constant 0.000000e+00 : f32
    %broadcast_in_dim3A_883 = vector.broadcast %jit3A_882 : f32 to vector<8x128xf32>
    %select_n3A_884 = arith.select %eq3A_881, %get3A_877, %broadcast_in_dim3A_883 : vector<8x128xi1>, vector<8x128xf32>
    %add3A_885 = arith.addf %add3A_874, %select_n3A_884 : vector<8x128xf32>
    %get3A_886 = arith.constant 600 : index
    %get3A_887 = arith.constant 0 : index
    %get3A_888 = vector.load %arg2[%get3A_886, %get3A_887] : memref<1024x128xf32, #tpu.memory_space<vmem>>, vector<8x128xf32>
    %add3A_889 = arith.constant 88 : i32
    %add3A_890 = vector.broadcast %add3A_889 : i32 to vector<8x128xi32>
    %add3A_891 = arith.addi %add3A_890, %iota3A_3 : vector<8x128xi32>
    %eq3A_892 = arith.cmpi eq, %iota3A_4, %add3A_891 : vector<8x128xi32>
    %jit3A_893 = arith.constant 0.000000e+00 : f32
    %broadcast_in_dim3A_894 = vector.broadcast %jit3A_893 : f32 to vector<8x128xf32>
    %select_n3A_895 = arith.select %eq3A_892, %get3A_888, %broadcast_in_dim3A_894 : vector<8x128xi1>, vector<8x128xf32>
    %add3A_896 = arith.addf %add3A_885, %select_n3A_895 : vector<8x128xf32>
    %get3A_897 = arith.constant 608 : index
    %get3A_898 = arith.constant 0 : index
    %get3A_899 = vector.load %arg2[%get3A_897, %get3A_898] : memref<1024x128xf32, #tpu.memory_space<vmem>>, vector<8x128xf32>
    %add3A_900 = arith.constant 96 : i32
    %add3A_901 = vector.broadcast %add3A_900 : i32 to vector<8x128xi32>
    %add3A_902 = arith.addi %add3A_901, %iota3A_3 : vector<8x128xi32>
    %eq3A_903 = arith.cmpi eq, %iota3A_4, %add3A_902 : vector<8x128xi32>
    %jit3A_904 = arith.constant 0.000000e+00 : f32
    %broadcast_in_dim3A_905 = vector.broadcast %jit3A_904 : f32 to vector<8x128xf32>
    %select_n3A_906 = arith.select %eq3A_903, %get3A_899, %broadcast_in_dim3A_905 : vector<8x128xi1>, vector<8x128xf32>
    %add3A_907 = arith.addf %add3A_896, %select_n3A_906 : vector<8x128xf32>
    %get3A_908 = arith.constant 616 : index
    %get3A_909 = arith.constant 0 : index
    %get3A_910 = vector.load %arg2[%get3A_908, %get3A_909] : memref<1024x128xf32, #tpu.memory_space<vmem>>, vector<8x128xf32>
    %add3A_911 = arith.constant 104 : i32
    %add3A_912 = vector.broadcast %add3A_911 : i32 to vector<8x128xi32>
    %add3A_913 = arith.addi %add3A_912, %iota3A_3 : vector<8x128xi32>
    %eq3A_914 = arith.cmpi eq, %iota3A_4, %add3A_913 : vector<8x128xi32>
    %jit3A_915 = arith.constant 0.000000e+00 : f32
    %broadcast_in_dim3A_916 = vector.broadcast %jit3A_915 : f32 to vector<8x128xf32>
    %select_n3A_917 = arith.select %eq3A_914, %get3A_910, %broadcast_in_dim3A_916 : vector<8x128xi1>, vector<8x128xf32>
    %add3A_918 = arith.addf %add3A_907, %select_n3A_917 : vector<8x128xf32>
    %get3A_919 = arith.constant 624 : index
    %get3A_920 = arith.constant 0 : index
    %get3A_921 = vector.load %arg2[%get3A_919, %get3A_920] : memref<1024x128xf32, #tpu.memory_space<vmem>>, vector<8x128xf32>
    %add3A_922 = arith.constant 112 : i32
    %add3A_923 = vector.broadcast %add3A_922 : i32 to vector<8x128xi32>
    %add3A_924 = arith.addi %add3A_923, %iota3A_3 : vector<8x128xi32>
    %eq3A_925 = arith.cmpi eq, %iota3A_4, %add3A_924 : vector<8x128xi32>
    %jit3A_926 = arith.constant 0.000000e+00 : f32
    %broadcast_in_dim3A_927 = vector.broadcast %jit3A_926 : f32 to vector<8x128xf32>
    %select_n3A_928 = arith.select %eq3A_925, %get3A_921, %broadcast_in_dim3A_927 : vector<8x128xi1>, vector<8x128xf32>
    %add3A_929 = arith.addf %add3A_918, %select_n3A_928 : vector<8x128xf32>
    %get3A_930 = arith.constant 632 : index
    %get3A_931 = arith.constant 0 : index
    %get3A_932 = vector.load %arg2[%get3A_930, %get3A_931] : memref<1024x128xf32, #tpu.memory_space<vmem>>, vector<8x128xf32>
    %add3A_933 = arith.constant 120 : i32
    %add3A_934 = vector.broadcast %add3A_933 : i32 to vector<8x128xi32>
    %add3A_935 = arith.addi %add3A_934, %iota3A_3 : vector<8x128xi32>
    %eq3A_936 = arith.cmpi eq, %iota3A_4, %add3A_935 : vector<8x128xi32>
    %jit3A_937 = arith.constant 0.000000e+00 : f32
    %broadcast_in_dim3A_938 = vector.broadcast %jit3A_937 : f32 to vector<8x128xf32>
    %select_n3A_939 = arith.select %eq3A_936, %get3A_932, %broadcast_in_dim3A_938 : vector<8x128xi1>, vector<8x128xf32>
    %add3A_940 = arith.addf %add3A_929, %select_n3A_939 : vector<8x128xf32>
    %reduce_sum3A_941 = arith.constant dense<0.000000e+00> : vector<128xf32>
    %reduce_sum3A_942 = vector.multi_reduction <add>, %add3A_940, %reduce_sum3A_941 [0] : vector<8x128xf32> to vector<128xf32>
    %broadcast_in_dim3A_943 = vector.shape_cast %reduce_sum3A_942 : vector<128xf32> to vector<1x128xf32>
    %eq3A_944 = arith.constant 4 : i32
    %eq3A_945 = vector.broadcast %eq3A_944 : i32 to vector<8x128xi32>
    %eq3A_946 = arith.cmpi eq, %iota3A_3, %eq3A_945 : vector<8x128xi32>
    %jit3A_947 = arith.constant 0.000000e+00 : f32
    %broadcast_in_dim3A_948 = vector.shape_cast %broadcast_in_dim3A_943 : vector<1x128xf32> to vector<1x128xf32>
    %broadcast_in_dim3A_949 = vector.broadcast %broadcast_in_dim3A_948 : vector<1x128xf32> to vector<8x128xf32>
    %broadcast_in_dim3A_950 = vector.broadcast %jit3A_947 : f32 to vector<8x128xf32>
    %select_n3A_951 = arith.select %eq3A_946, %broadcast_in_dim3A_949, %broadcast_in_dim3A_950 : vector<8x128xi1>, vector<8x128xf32>
    %add3A_952 = arith.addf %add3A_762, %select_n3A_951 : vector<8x128xf32>
    %broadcast_in_dim3A_953 = arith.constant 0.000000e+00 : f32
    %broadcast_in_dim3A_954 = vector.broadcast %broadcast_in_dim3A_953 : f32 to vector<8x128xf32>
    %get3A_955 = arith.constant 640 : index
    %get3A_956 = arith.constant 0 : index
    %get3A_957 = vector.load %arg2[%get3A_955, %get3A_956] : memref<1024x128xf32, #tpu.memory_space<vmem>>, vector<8x128xf32>
    %add3A_958 = arith.constant 0 : i32
    %add3A_959 = vector.broadcast %add3A_958 : i32 to vector<8x128xi32>
    %add3A_960 = arith.addi %add3A_959, %iota3A_3 : vector<8x128xi32>
    %eq3A_961 = arith.cmpi eq, %iota3A_4, %add3A_960 : vector<8x128xi32>
    %jit3A_962 = arith.constant 0.000000e+00 : f32
    %broadcast_in_dim3A_963 = vector.broadcast %jit3A_962 : f32 to vector<8x128xf32>
    %select_n3A_964 = arith.select %eq3A_961, %get3A_957, %broadcast_in_dim3A_963 : vector<8x128xi1>, vector<8x128xf32>
    %add3A_965 = arith.addf %broadcast_in_dim3A_954, %select_n3A_964 : vector<8x128xf32>
    %get3A_966 = arith.constant 648 : index
    %get3A_967 = arith.constant 0 : index
    %get3A_968 = vector.load %arg2[%get3A_966, %get3A_967] : memref<1024x128xf32, #tpu.memory_space<vmem>>, vector<8x128xf32>
    %add3A_969 = arith.constant 8 : i32
    %add3A_970 = vector.broadcast %add3A_969 : i32 to vector<8x128xi32>
    %add3A_971 = arith.addi %add3A_970, %iota3A_3 : vector<8x128xi32>
    %eq3A_972 = arith.cmpi eq, %iota3A_4, %add3A_971 : vector<8x128xi32>
    %jit3A_973 = arith.constant 0.000000e+00 : f32
    %broadcast_in_dim3A_974 = vector.broadcast %jit3A_973 : f32 to vector<8x128xf32>
    %select_n3A_975 = arith.select %eq3A_972, %get3A_968, %broadcast_in_dim3A_974 : vector<8x128xi1>, vector<8x128xf32>
    %add3A_976 = arith.addf %add3A_965, %select_n3A_975 : vector<8x128xf32>
    %get3A_977 = arith.constant 656 : index
    %get3A_978 = arith.constant 0 : index
    %get3A_979 = vector.load %arg2[%get3A_977, %get3A_978] : memref<1024x128xf32, #tpu.memory_space<vmem>>, vector<8x128xf32>
    %add3A_980 = arith.constant 16 : i32
    %add3A_981 = vector.broadcast %add3A_980 : i32 to vector<8x128xi32>
    %add3A_982 = arith.addi %add3A_981, %iota3A_3 : vector<8x128xi32>
    %eq3A_983 = arith.cmpi eq, %iota3A_4, %add3A_982 : vector<8x128xi32>
    %jit3A_984 = arith.constant 0.000000e+00 : f32
    %broadcast_in_dim3A_985 = vector.broadcast %jit3A_984 : f32 to vector<8x128xf32>
    %select_n3A_986 = arith.select %eq3A_983, %get3A_979, %broadcast_in_dim3A_985 : vector<8x128xi1>, vector<8x128xf32>
    %add3A_987 = arith.addf %add3A_976, %select_n3A_986 : vector<8x128xf32>
    %get3A_988 = arith.constant 664 : index
    %get3A_989 = arith.constant 0 : index
    %get3A_990 = vector.load %arg2[%get3A_988, %get3A_989] : memref<1024x128xf32, #tpu.memory_space<vmem>>, vector<8x128xf32>
    %add3A_991 = arith.constant 24 : i32
    %add3A_992 = vector.broadcast %add3A_991 : i32 to vector<8x128xi32>
    %add3A_993 = arith.addi %add3A_992, %iota3A_3 : vector<8x128xi32>
    %eq3A_994 = arith.cmpi eq, %iota3A_4, %add3A_993 : vector<8x128xi32>
    %jit3A_995 = arith.constant 0.000000e+00 : f32
    %broadcast_in_dim3A_996 = vector.broadcast %jit3A_995 : f32 to vector<8x128xf32>
    %select_n3A_997 = arith.select %eq3A_994, %get3A_990, %broadcast_in_dim3A_996 : vector<8x128xi1>, vector<8x128xf32>
    %add3A_998 = arith.addf %add3A_987, %select_n3A_997 : vector<8x128xf32>
    %get3A_999 = arith.constant 672 : index
    %get3A_1000 = arith.constant 0 : index
    %get3A_1001 = vector.load %arg2[%get3A_999, %get3A_1000] : memref<1024x128xf32, #tpu.memory_space<vmem>>, vector<8x128xf32>
    %add3A_1002 = arith.constant 32 : i32
    %add3A_1003 = vector.broadcast %add3A_1002 : i32 to vector<8x128xi32>
    %add3A_1004 = arith.addi %add3A_1003, %iota3A_3 : vector<8x128xi32>
    %eq3A_1005 = arith.cmpi eq, %iota3A_4, %add3A_1004 : vector<8x128xi32>
    %jit3A_1006 = arith.constant 0.000000e+00 : f32
    %broadcast_in_dim3A_1007 = vector.broadcast %jit3A_1006 : f32 to vector<8x128xf32>
    %select_n3A_1008 = arith.select %eq3A_1005, %get3A_1001, %broadcast_in_dim3A_1007 : vector<8x128xi1>, vector<8x128xf32>
    %add3A_1009 = arith.addf %add3A_998, %select_n3A_1008 : vector<8x128xf32>
    %get3A_1010 = arith.constant 680 : index
    %get3A_1011 = arith.constant 0 : index
    %get3A_1012 = vector.load %arg2[%get3A_1010, %get3A_1011] : memref<1024x128xf32, #tpu.memory_space<vmem>>, vector<8x128xf32>
    %add3A_1013 = arith.constant 40 : i32
    %add3A_1014 = vector.broadcast %add3A_1013 : i32 to vector<8x128xi32>
    %add3A_1015 = arith.addi %add3A_1014, %iota3A_3 : vector<8x128xi32>
    %eq3A_1016 = arith.cmpi eq, %iota3A_4, %add3A_1015 : vector<8x128xi32>
    %jit3A_1017 = arith.constant 0.000000e+00 : f32
    %broadcast_in_dim3A_1018 = vector.broadcast %jit3A_1017 : f32 to vector<8x128xf32>
    %select_n3A_1019 = arith.select %eq3A_1016, %get3A_1012, %broadcast_in_dim3A_1018 : vector<8x128xi1>, vector<8x128xf32>
    %add3A_1020 = arith.addf %add3A_1009, %select_n3A_1019 : vector<8x128xf32>
    %get3A_1021 = arith.constant 688 : index
    %get3A_1022 = arith.constant 0 : index
    %get3A_1023 = vector.load %arg2[%get3A_1021, %get3A_1022] : memref<1024x128xf32, #tpu.memory_space<vmem>>, vector<8x128xf32>
    %add3A_1024 = arith.constant 48 : i32
    %add3A_1025 = vector.broadcast %add3A_1024 : i32 to vector<8x128xi32>
    %add3A_1026 = arith.addi %add3A_1025, %iota3A_3 : vector<8x128xi32>
    %eq3A_1027 = arith.cmpi eq, %iota3A_4, %add3A_1026 : vector<8x128xi32>
    %jit3A_1028 = arith.constant 0.000000e+00 : f32
    %broadcast_in_dim3A_1029 = vector.broadcast %jit3A_1028 : f32 to vector<8x128xf32>
    %select_n3A_1030 = arith.select %eq3A_1027, %get3A_1023, %broadcast_in_dim3A_1029 : vector<8x128xi1>, vector<8x128xf32>
    %add3A_1031 = arith.addf %add3A_1020, %select_n3A_1030 : vector<8x128xf32>
    %get3A_1032 = arith.constant 696 : index
    %get3A_1033 = arith.constant 0 : index
    %get3A_1034 = vector.load %arg2[%get3A_1032, %get3A_1033] : memref<1024x128xf32, #tpu.memory_space<vmem>>, vector<8x128xf32>
    %add3A_1035 = arith.constant 56 : i32
    %add3A_1036 = vector.broadcast %add3A_1035 : i32 to vector<8x128xi32>
    %add3A_1037 = arith.addi %add3A_1036, %iota3A_3 : vector<8x128xi32>
    %eq3A_1038 = arith.cmpi eq, %iota3A_4, %add3A_1037 : vector<8x128xi32>
    %jit3A_1039 = arith.constant 0.000000e+00 : f32
    %broadcast_in_dim3A_1040 = vector.broadcast %jit3A_1039 : f32 to vector<8x128xf32>
    %select_n3A_1041 = arith.select %eq3A_1038, %get3A_1034, %broadcast_in_dim3A_1040 : vector<8x128xi1>, vector<8x128xf32>
    %add3A_1042 = arith.addf %add3A_1031, %select_n3A_1041 : vector<8x128xf32>
    %get3A_1043 = arith.constant 704 : index
    %get3A_1044 = arith.constant 0 : index
    %get3A_1045 = vector.load %arg2[%get3A_1043, %get3A_1044] : memref<1024x128xf32, #tpu.memory_space<vmem>>, vector<8x128xf32>
    %add3A_1046 = arith.constant 64 : i32
    %add3A_1047 = vector.broadcast %add3A_1046 : i32 to vector<8x128xi32>
    %add3A_1048 = arith.addi %add3A_1047, %iota3A_3 : vector<8x128xi32>
    %eq3A_1049 = arith.cmpi eq, %iota3A_4, %add3A_1048 : vector<8x128xi32>
    %jit3A_1050 = arith.constant 0.000000e+00 : f32
    %broadcast_in_dim3A_1051 = vector.broadcast %jit3A_1050 : f32 to vector<8x128xf32>
    %select_n3A_1052 = arith.select %eq3A_1049, %get3A_1045, %broadcast_in_dim3A_1051 : vector<8x128xi1>, vector<8x128xf32>
    %add3A_1053 = arith.addf %add3A_1042, %select_n3A_1052 : vector<8x128xf32>
    %get3A_1054 = arith.constant 712 : index
    %get3A_1055 = arith.constant 0 : index
    %get3A_1056 = vector.load %arg2[%get3A_1054, %get3A_1055] : memref<1024x128xf32, #tpu.memory_space<vmem>>, vector<8x128xf32>
    %add3A_1057 = arith.constant 72 : i32
    %add3A_1058 = vector.broadcast %add3A_1057 : i32 to vector<8x128xi32>
    %add3A_1059 = arith.addi %add3A_1058, %iota3A_3 : vector<8x128xi32>
    %eq3A_1060 = arith.cmpi eq, %iota3A_4, %add3A_1059 : vector<8x128xi32>
    %jit3A_1061 = arith.constant 0.000000e+00 : f32
    %broadcast_in_dim3A_1062 = vector.broadcast %jit3A_1061 : f32 to vector<8x128xf32>
    %select_n3A_1063 = arith.select %eq3A_1060, %get3A_1056, %broadcast_in_dim3A_1062 : vector<8x128xi1>, vector<8x128xf32>
    %add3A_1064 = arith.addf %add3A_1053, %select_n3A_1063 : vector<8x128xf32>
    %get3A_1065 = arith.constant 720 : index
    %get3A_1066 = arith.constant 0 : index
    %get3A_1067 = vector.load %arg2[%get3A_1065, %get3A_1066] : memref<1024x128xf32, #tpu.memory_space<vmem>>, vector<8x128xf32>
    %add3A_1068 = arith.constant 80 : i32
    %add3A_1069 = vector.broadcast %add3A_1068 : i32 to vector<8x128xi32>
    %add3A_1070 = arith.addi %add3A_1069, %iota3A_3 : vector<8x128xi32>
    %eq3A_1071 = arith.cmpi eq, %iota3A_4, %add3A_1070 : vector<8x128xi32>
    %jit3A_1072 = arith.constant 0.000000e+00 : f32
    %broadcast_in_dim3A_1073 = vector.broadcast %jit3A_1072 : f32 to vector<8x128xf32>
    %select_n3A_1074 = arith.select %eq3A_1071, %get3A_1067, %broadcast_in_dim3A_1073 : vector<8x128xi1>, vector<8x128xf32>
    %add3A_1075 = arith.addf %add3A_1064, %select_n3A_1074 : vector<8x128xf32>
    %get3A_1076 = arith.constant 728 : index
    %get3A_1077 = arith.constant 0 : index
    %get3A_1078 = vector.load %arg2[%get3A_1076, %get3A_1077] : memref<1024x128xf32, #tpu.memory_space<vmem>>, vector<8x128xf32>
    %add3A_1079 = arith.constant 88 : i32
    %add3A_1080 = vector.broadcast %add3A_1079 : i32 to vector<8x128xi32>
    %add3A_1081 = arith.addi %add3A_1080, %iota3A_3 : vector<8x128xi32>
    %eq3A_1082 = arith.cmpi eq, %iota3A_4, %add3A_1081 : vector<8x128xi32>
    %jit3A_1083 = arith.constant 0.000000e+00 : f32
    %broadcast_in_dim3A_1084 = vector.broadcast %jit3A_1083 : f32 to vector<8x128xf32>
    %select_n3A_1085 = arith.select %eq3A_1082, %get3A_1078, %broadcast_in_dim3A_1084 : vector<8x128xi1>, vector<8x128xf32>
    %add3A_1086 = arith.addf %add3A_1075, %select_n3A_1085 : vector<8x128xf32>
    %get3A_1087 = arith.constant 736 : index
    %get3A_1088 = arith.constant 0 : index
    %get3A_1089 = vector.load %arg2[%get3A_1087, %get3A_1088] : memref<1024x128xf32, #tpu.memory_space<vmem>>, vector<8x128xf32>
    %add3A_1090 = arith.constant 96 : i32
    %add3A_1091 = vector.broadcast %add3A_1090 : i32 to vector<8x128xi32>
    %add3A_1092 = arith.addi %add3A_1091, %iota3A_3 : vector<8x128xi32>
    %eq3A_1093 = arith.cmpi eq, %iota3A_4, %add3A_1092 : vector<8x128xi32>
    %jit3A_1094 = arith.constant 0.000000e+00 : f32
    %broadcast_in_dim3A_1095 = vector.broadcast %jit3A_1094 : f32 to vector<8x128xf32>
    %select_n3A_1096 = arith.select %eq3A_1093, %get3A_1089, %broadcast_in_dim3A_1095 : vector<8x128xi1>, vector<8x128xf32>
    %add3A_1097 = arith.addf %add3A_1086, %select_n3A_1096 : vector<8x128xf32>
    %get3A_1098 = arith.constant 744 : index
    %get3A_1099 = arith.constant 0 : index
    %get3A_1100 = vector.load %arg2[%get3A_1098, %get3A_1099] : memref<1024x128xf32, #tpu.memory_space<vmem>>, vector<8x128xf32>
    %add3A_1101 = arith.constant 104 : i32
    %add3A_1102 = vector.broadcast %add3A_1101 : i32 to vector<8x128xi32>
    %add3A_1103 = arith.addi %add3A_1102, %iota3A_3 : vector<8x128xi32>
    %eq3A_1104 = arith.cmpi eq, %iota3A_4, %add3A_1103 : vector<8x128xi32>
    %jit3A_1105 = arith.constant 0.000000e+00 : f32
    %broadcast_in_dim3A_1106 = vector.broadcast %jit3A_1105 : f32 to vector<8x128xf32>
    %select_n3A_1107 = arith.select %eq3A_1104, %get3A_1100, %broadcast_in_dim3A_1106 : vector<8x128xi1>, vector<8x128xf32>
    %add3A_1108 = arith.addf %add3A_1097, %select_n3A_1107 : vector<8x128xf32>
    %get3A_1109 = arith.constant 752 : index
    %get3A_1110 = arith.constant 0 : index
    %get3A_1111 = vector.load %arg2[%get3A_1109, %get3A_1110] : memref<1024x128xf32, #tpu.memory_space<vmem>>, vector<8x128xf32>
    %add3A_1112 = arith.constant 112 : i32
    %add3A_1113 = vector.broadcast %add3A_1112 : i32 to vector<8x128xi32>
    %add3A_1114 = arith.addi %add3A_1113, %iota3A_3 : vector<8x128xi32>
    %eq3A_1115 = arith.cmpi eq, %iota3A_4, %add3A_1114 : vector<8x128xi32>
    %jit3A_1116 = arith.constant 0.000000e+00 : f32
    %broadcast_in_dim3A_1117 = vector.broadcast %jit3A_1116 : f32 to vector<8x128xf32>
    %select_n3A_1118 = arith.select %eq3A_1115, %get3A_1111, %broadcast_in_dim3A_1117 : vector<8x128xi1>, vector<8x128xf32>
    %add3A_1119 = arith.addf %add3A_1108, %select_n3A_1118 : vector<8x128xf32>
    %get3A_1120 = arith.constant 760 : index
    %get3A_1121 = arith.constant 0 : index
    %get3A_1122 = vector.load %arg2[%get3A_1120, %get3A_1121] : memref<1024x128xf32, #tpu.memory_space<vmem>>, vector<8x128xf32>
    %add3A_1123 = arith.constant 120 : i32
    %add3A_1124 = vector.broadcast %add3A_1123 : i32 to vector<8x128xi32>
    %add3A_1125 = arith.addi %add3A_1124, %iota3A_3 : vector<8x128xi32>
    %eq3A_1126 = arith.cmpi eq, %iota3A_4, %add3A_1125 : vector<8x128xi32>
    %jit3A_1127 = arith.constant 0.000000e+00 : f32
    %broadcast_in_dim3A_1128 = vector.broadcast %jit3A_1127 : f32 to vector<8x128xf32>
    %select_n3A_1129 = arith.select %eq3A_1126, %get3A_1122, %broadcast_in_dim3A_1128 : vector<8x128xi1>, vector<8x128xf32>
    %add3A_1130 = arith.addf %add3A_1119, %select_n3A_1129 : vector<8x128xf32>
    %reduce_sum3A_1131 = arith.constant dense<0.000000e+00> : vector<128xf32>
    %reduce_sum3A_1132 = vector.multi_reduction <add>, %add3A_1130, %reduce_sum3A_1131 [0] : vector<8x128xf32> to vector<128xf32>
    %broadcast_in_dim3A_1133 = vector.shape_cast %reduce_sum3A_1132 : vector<128xf32> to vector<1x128xf32>
    %eq3A_1134 = arith.constant 5 : i32
    %eq3A_1135 = vector.broadcast %eq3A_1134 : i32 to vector<8x128xi32>
    %eq3A_1136 = arith.cmpi eq, %iota3A_3, %eq3A_1135 : vector<8x128xi32>
    %jit3A_1137 = arith.constant 0.000000e+00 : f32
    %broadcast_in_dim3A_1138 = vector.shape_cast %broadcast_in_dim3A_1133 : vector<1x128xf32> to vector<1x128xf32>
    %broadcast_in_dim3A_1139 = vector.broadcast %broadcast_in_dim3A_1138 : vector<1x128xf32> to vector<8x128xf32>
    %broadcast_in_dim3A_1140 = vector.broadcast %jit3A_1137 : f32 to vector<8x128xf32>
    %select_n3A_1141 = arith.select %eq3A_1136, %broadcast_in_dim3A_1139, %broadcast_in_dim3A_1140 : vector<8x128xi1>, vector<8x128xf32>
    %add3A_1142 = arith.addf %add3A_952, %select_n3A_1141 : vector<8x128xf32>
    %broadcast_in_dim3A_1143 = arith.constant 0.000000e+00 : f32
    %broadcast_in_dim3A_1144 = vector.broadcast %broadcast_in_dim3A_1143 : f32 to vector<8x128xf32>
    %get3A_1145 = arith.constant 768 : index
    %get3A_1146 = arith.constant 0 : index
    %get3A_1147 = vector.load %arg2[%get3A_1145, %get3A_1146] : memref<1024x128xf32, #tpu.memory_space<vmem>>, vector<8x128xf32>
    %add3A_1148 = arith.constant 0 : i32
    %add3A_1149 = vector.broadcast %add3A_1148 : i32 to vector<8x128xi32>
    %add3A_1150 = arith.addi %add3A_1149, %iota3A_3 : vector<8x128xi32>
    %eq3A_1151 = arith.cmpi eq, %iota3A_4, %add3A_1150 : vector<8x128xi32>
    %jit3A_1152 = arith.constant 0.000000e+00 : f32
    %broadcast_in_dim3A_1153 = vector.broadcast %jit3A_1152 : f32 to vector<8x128xf32>
    %select_n3A_1154 = arith.select %eq3A_1151, %get3A_1147, %broadcast_in_dim3A_1153 : vector<8x128xi1>, vector<8x128xf32>
    %add3A_1155 = arith.addf %broadcast_in_dim3A_1144, %select_n3A_1154 : vector<8x128xf32>
    %get3A_1156 = arith.constant 776 : index
    %get3A_1157 = arith.constant 0 : index
    %get3A_1158 = vector.load %arg2[%get3A_1156, %get3A_1157] : memref<1024x128xf32, #tpu.memory_space<vmem>>, vector<8x128xf32>
    %add3A_1159 = arith.constant 8 : i32
    %add3A_1160 = vector.broadcast %add3A_1159 : i32 to vector<8x128xi32>
    %add3A_1161 = arith.addi %add3A_1160, %iota3A_3 : vector<8x128xi32>
    %eq3A_1162 = arith.cmpi eq, %iota3A_4, %add3A_1161 : vector<8x128xi32>
    %jit3A_1163 = arith.constant 0.000000e+00 : f32
    %broadcast_in_dim3A_1164 = vector.broadcast %jit3A_1163 : f32 to vector<8x128xf32>
    %select_n3A_1165 = arith.select %eq3A_1162, %get3A_1158, %broadcast_in_dim3A_1164 : vector<8x128xi1>, vector<8x128xf32>
    %add3A_1166 = arith.addf %add3A_1155, %select_n3A_1165 : vector<8x128xf32>
    %get3A_1167 = arith.constant 784 : index
    %get3A_1168 = arith.constant 0 : index
    %get3A_1169 = vector.load %arg2[%get3A_1167, %get3A_1168] : memref<1024x128xf32, #tpu.memory_space<vmem>>, vector<8x128xf32>
    %add3A_1170 = arith.constant 16 : i32
    %add3A_1171 = vector.broadcast %add3A_1170 : i32 to vector<8x128xi32>
    %add3A_1172 = arith.addi %add3A_1171, %iota3A_3 : vector<8x128xi32>
    %eq3A_1173 = arith.cmpi eq, %iota3A_4, %add3A_1172 : vector<8x128xi32>
    %jit3A_1174 = arith.constant 0.000000e+00 : f32
    %broadcast_in_dim3A_1175 = vector.broadcast %jit3A_1174 : f32 to vector<8x128xf32>
    %select_n3A_1176 = arith.select %eq3A_1173, %get3A_1169, %broadcast_in_dim3A_1175 : vector<8x128xi1>, vector<8x128xf32>
    %add3A_1177 = arith.addf %add3A_1166, %select_n3A_1176 : vector<8x128xf32>
    %get3A_1178 = arith.constant 792 : index
    %get3A_1179 = arith.constant 0 : index
    %get3A_1180 = vector.load %arg2[%get3A_1178, %get3A_1179] : memref<1024x128xf32, #tpu.memory_space<vmem>>, vector<8x128xf32>
    %add3A_1181 = arith.constant 24 : i32
    %add3A_1182 = vector.broadcast %add3A_1181 : i32 to vector<8x128xi32>
    %add3A_1183 = arith.addi %add3A_1182, %iota3A_3 : vector<8x128xi32>
    %eq3A_1184 = arith.cmpi eq, %iota3A_4, %add3A_1183 : vector<8x128xi32>
    %jit3A_1185 = arith.constant 0.000000e+00 : f32
    %broadcast_in_dim3A_1186 = vector.broadcast %jit3A_1185 : f32 to vector<8x128xf32>
    %select_n3A_1187 = arith.select %eq3A_1184, %get3A_1180, %broadcast_in_dim3A_1186 : vector<8x128xi1>, vector<8x128xf32>
    %add3A_1188 = arith.addf %add3A_1177, %select_n3A_1187 : vector<8x128xf32>
    %get3A_1189 = arith.constant 800 : index
    %get3A_1190 = arith.constant 0 : index
    %get3A_1191 = vector.load %arg2[%get3A_1189, %get3A_1190] : memref<1024x128xf32, #tpu.memory_space<vmem>>, vector<8x128xf32>
    %add3A_1192 = arith.constant 32 : i32
    %add3A_1193 = vector.broadcast %add3A_1192 : i32 to vector<8x128xi32>
    %add3A_1194 = arith.addi %add3A_1193, %iota3A_3 : vector<8x128xi32>
    %eq3A_1195 = arith.cmpi eq, %iota3A_4, %add3A_1194 : vector<8x128xi32>
    %jit3A_1196 = arith.constant 0.000000e+00 : f32
    %broadcast_in_dim3A_1197 = vector.broadcast %jit3A_1196 : f32 to vector<8x128xf32>
    %select_n3A_1198 = arith.select %eq3A_1195, %get3A_1191, %broadcast_in_dim3A_1197 : vector<8x128xi1>, vector<8x128xf32>
    %add3A_1199 = arith.addf %add3A_1188, %select_n3A_1198 : vector<8x128xf32>
    %get3A_1200 = arith.constant 808 : index
    %get3A_1201 = arith.constant 0 : index
    %get3A_1202 = vector.load %arg2[%get3A_1200, %get3A_1201] : memref<1024x128xf32, #tpu.memory_space<vmem>>, vector<8x128xf32>
    %add3A_1203 = arith.constant 40 : i32
    %add3A_1204 = vector.broadcast %add3A_1203 : i32 to vector<8x128xi32>
    %add3A_1205 = arith.addi %add3A_1204, %iota3A_3 : vector<8x128xi32>
    %eq3A_1206 = arith.cmpi eq, %iota3A_4, %add3A_1205 : vector<8x128xi32>
    %jit3A_1207 = arith.constant 0.000000e+00 : f32
    %broadcast_in_dim3A_1208 = vector.broadcast %jit3A_1207 : f32 to vector<8x128xf32>
    %select_n3A_1209 = arith.select %eq3A_1206, %get3A_1202, %broadcast_in_dim3A_1208 : vector<8x128xi1>, vector<8x128xf32>
    %add3A_1210 = arith.addf %add3A_1199, %select_n3A_1209 : vector<8x128xf32>
    %get3A_1211 = arith.constant 816 : index
    %get3A_1212 = arith.constant 0 : index
    %get3A_1213 = vector.load %arg2[%get3A_1211, %get3A_1212] : memref<1024x128xf32, #tpu.memory_space<vmem>>, vector<8x128xf32>
    %add3A_1214 = arith.constant 48 : i32
    %add3A_1215 = vector.broadcast %add3A_1214 : i32 to vector<8x128xi32>
    %add3A_1216 = arith.addi %add3A_1215, %iota3A_3 : vector<8x128xi32>
    %eq3A_1217 = arith.cmpi eq, %iota3A_4, %add3A_1216 : vector<8x128xi32>
    %jit3A_1218 = arith.constant 0.000000e+00 : f32
    %broadcast_in_dim3A_1219 = vector.broadcast %jit3A_1218 : f32 to vector<8x128xf32>
    %select_n3A_1220 = arith.select %eq3A_1217, %get3A_1213, %broadcast_in_dim3A_1219 : vector<8x128xi1>, vector<8x128xf32>
    %add3A_1221 = arith.addf %add3A_1210, %select_n3A_1220 : vector<8x128xf32>
    %get3A_1222 = arith.constant 824 : index
    %get3A_1223 = arith.constant 0 : index
    %get3A_1224 = vector.load %arg2[%get3A_1222, %get3A_1223] : memref<1024x128xf32, #tpu.memory_space<vmem>>, vector<8x128xf32>
    %add3A_1225 = arith.constant 56 : i32
    %add3A_1226 = vector.broadcast %add3A_1225 : i32 to vector<8x128xi32>
    %add3A_1227 = arith.addi %add3A_1226, %iota3A_3 : vector<8x128xi32>
    %eq3A_1228 = arith.cmpi eq, %iota3A_4, %add3A_1227 : vector<8x128xi32>
    %jit3A_1229 = arith.constant 0.000000e+00 : f32
    %broadcast_in_dim3A_1230 = vector.broadcast %jit3A_1229 : f32 to vector<8x128xf32>
    %select_n3A_1231 = arith.select %eq3A_1228, %get3A_1224, %broadcast_in_dim3A_1230 : vector<8x128xi1>, vector<8x128xf32>
    %add3A_1232 = arith.addf %add3A_1221, %select_n3A_1231 : vector<8x128xf32>
    %get3A_1233 = arith.constant 832 : index
    %get3A_1234 = arith.constant 0 : index
    %get3A_1235 = vector.load %arg2[%get3A_1233, %get3A_1234] : memref<1024x128xf32, #tpu.memory_space<vmem>>, vector<8x128xf32>
    %add3A_1236 = arith.constant 64 : i32
    %add3A_1237 = vector.broadcast %add3A_1236 : i32 to vector<8x128xi32>
    %add3A_1238 = arith.addi %add3A_1237, %iota3A_3 : vector<8x128xi32>
    %eq3A_1239 = arith.cmpi eq, %iota3A_4, %add3A_1238 : vector<8x128xi32>
    %jit3A_1240 = arith.constant 0.000000e+00 : f32
    %broadcast_in_dim3A_1241 = vector.broadcast %jit3A_1240 : f32 to vector<8x128xf32>
    %select_n3A_1242 = arith.select %eq3A_1239, %get3A_1235, %broadcast_in_dim3A_1241 : vector<8x128xi1>, vector<8x128xf32>
    %add3A_1243 = arith.addf %add3A_1232, %select_n3A_1242 : vector<8x128xf32>
    %get3A_1244 = arith.constant 840 : index
    %get3A_1245 = arith.constant 0 : index
    %get3A_1246 = vector.load %arg2[%get3A_1244, %get3A_1245] : memref<1024x128xf32, #tpu.memory_space<vmem>>, vector<8x128xf32>
    %add3A_1247 = arith.constant 72 : i32
    %add3A_1248 = vector.broadcast %add3A_1247 : i32 to vector<8x128xi32>
    %add3A_1249 = arith.addi %add3A_1248, %iota3A_3 : vector<8x128xi32>
    %eq3A_1250 = arith.cmpi eq, %iota3A_4, %add3A_1249 : vector<8x128xi32>
    %jit3A_1251 = arith.constant 0.000000e+00 : f32
    %broadcast_in_dim3A_1252 = vector.broadcast %jit3A_1251 : f32 to vector<8x128xf32>
    %select_n3A_1253 = arith.select %eq3A_1250, %get3A_1246, %broadcast_in_dim3A_1252 : vector<8x128xi1>, vector<8x128xf32>
    %add3A_1254 = arith.addf %add3A_1243, %select_n3A_1253 : vector<8x128xf32>
    %get3A_1255 = arith.constant 848 : index
    %get3A_1256 = arith.constant 0 : index
    %get3A_1257 = vector.load %arg2[%get3A_1255, %get3A_1256] : memref<1024x128xf32, #tpu.memory_space<vmem>>, vector<8x128xf32>
    %add3A_1258 = arith.constant 80 : i32
    %add3A_1259 = vector.broadcast %add3A_1258 : i32 to vector<8x128xi32>
    %add3A_1260 = arith.addi %add3A_1259, %iota3A_3 : vector<8x128xi32>
    %eq3A_1261 = arith.cmpi eq, %iota3A_4, %add3A_1260 : vector<8x128xi32>
    %jit3A_1262 = arith.constant 0.000000e+00 : f32
    %broadcast_in_dim3A_1263 = vector.broadcast %jit3A_1262 : f32 to vector<8x128xf32>
    %select_n3A_1264 = arith.select %eq3A_1261, %get3A_1257, %broadcast_in_dim3A_1263 : vector<8x128xi1>, vector<8x128xf32>
    %add3A_1265 = arith.addf %add3A_1254, %select_n3A_1264 : vector<8x128xf32>
    %get3A_1266 = arith.constant 856 : index
    %get3A_1267 = arith.constant 0 : index
    %get3A_1268 = vector.load %arg2[%get3A_1266, %get3A_1267] : memref<1024x128xf32, #tpu.memory_space<vmem>>, vector<8x128xf32>
    %add3A_1269 = arith.constant 88 : i32
    %add3A_1270 = vector.broadcast %add3A_1269 : i32 to vector<8x128xi32>
    %add3A_1271 = arith.addi %add3A_1270, %iota3A_3 : vector<8x128xi32>
    %eq3A_1272 = arith.cmpi eq, %iota3A_4, %add3A_1271 : vector<8x128xi32>
    %jit3A_1273 = arith.constant 0.000000e+00 : f32
    %broadcast_in_dim3A_1274 = vector.broadcast %jit3A_1273 : f32 to vector<8x128xf32>
    %select_n3A_1275 = arith.select %eq3A_1272, %get3A_1268, %broadcast_in_dim3A_1274 : vector<8x128xi1>, vector<8x128xf32>
    %add3A_1276 = arith.addf %add3A_1265, %select_n3A_1275 : vector<8x128xf32>
    %get3A_1277 = arith.constant 864 : index
    %get3A_1278 = arith.constant 0 : index
    %get3A_1279 = vector.load %arg2[%get3A_1277, %get3A_1278] : memref<1024x128xf32, #tpu.memory_space<vmem>>, vector<8x128xf32>
    %add3A_1280 = arith.constant 96 : i32
    %add3A_1281 = vector.broadcast %add3A_1280 : i32 to vector<8x128xi32>
    %add3A_1282 = arith.addi %add3A_1281, %iota3A_3 : vector<8x128xi32>
    %eq3A_1283 = arith.cmpi eq, %iota3A_4, %add3A_1282 : vector<8x128xi32>
    %jit3A_1284 = arith.constant 0.000000e+00 : f32
    %broadcast_in_dim3A_1285 = vector.broadcast %jit3A_1284 : f32 to vector<8x128xf32>
    %select_n3A_1286 = arith.select %eq3A_1283, %get3A_1279, %broadcast_in_dim3A_1285 : vector<8x128xi1>, vector<8x128xf32>
    %add3A_1287 = arith.addf %add3A_1276, %select_n3A_1286 : vector<8x128xf32>
    %get3A_1288 = arith.constant 872 : index
    %get3A_1289 = arith.constant 0 : index
    %get3A_1290 = vector.load %arg2[%get3A_1288, %get3A_1289] : memref<1024x128xf32, #tpu.memory_space<vmem>>, vector<8x128xf32>
    %add3A_1291 = arith.constant 104 : i32
    %add3A_1292 = vector.broadcast %add3A_1291 : i32 to vector<8x128xi32>
    %add3A_1293 = arith.addi %add3A_1292, %iota3A_3 : vector<8x128xi32>
    %eq3A_1294 = arith.cmpi eq, %iota3A_4, %add3A_1293 : vector<8x128xi32>
    %jit3A_1295 = arith.constant 0.000000e+00 : f32
    %broadcast_in_dim3A_1296 = vector.broadcast %jit3A_1295 : f32 to vector<8x128xf32>
    %select_n3A_1297 = arith.select %eq3A_1294, %get3A_1290, %broadcast_in_dim3A_1296 : vector<8x128xi1>, vector<8x128xf32>
    %add3A_1298 = arith.addf %add3A_1287, %select_n3A_1297 : vector<8x128xf32>
    %get3A_1299 = arith.constant 880 : index
    %get3A_1300 = arith.constant 0 : index
    %get3A_1301 = vector.load %arg2[%get3A_1299, %get3A_1300] : memref<1024x128xf32, #tpu.memory_space<vmem>>, vector<8x128xf32>
    %add3A_1302 = arith.constant 112 : i32
    %add3A_1303 = vector.broadcast %add3A_1302 : i32 to vector<8x128xi32>
    %add3A_1304 = arith.addi %add3A_1303, %iota3A_3 : vector<8x128xi32>
    %eq3A_1305 = arith.cmpi eq, %iota3A_4, %add3A_1304 : vector<8x128xi32>
    %jit3A_1306 = arith.constant 0.000000e+00 : f32
    %broadcast_in_dim3A_1307 = vector.broadcast %jit3A_1306 : f32 to vector<8x128xf32>
    %select_n3A_1308 = arith.select %eq3A_1305, %get3A_1301, %broadcast_in_dim3A_1307 : vector<8x128xi1>, vector<8x128xf32>
    %add3A_1309 = arith.addf %add3A_1298, %select_n3A_1308 : vector<8x128xf32>
    %get3A_1310 = arith.constant 888 : index
    %get3A_1311 = arith.constant 0 : index
    %get3A_1312 = vector.load %arg2[%get3A_1310, %get3A_1311] : memref<1024x128xf32, #tpu.memory_space<vmem>>, vector<8x128xf32>
    %add3A_1313 = arith.constant 120 : i32
    %add3A_1314 = vector.broadcast %add3A_1313 : i32 to vector<8x128xi32>
    %add3A_1315 = arith.addi %add3A_1314, %iota3A_3 : vector<8x128xi32>
    %eq3A_1316 = arith.cmpi eq, %iota3A_4, %add3A_1315 : vector<8x128xi32>
    %jit3A_1317 = arith.constant 0.000000e+00 : f32
    %broadcast_in_dim3A_1318 = vector.broadcast %jit3A_1317 : f32 to vector<8x128xf32>
    %select_n3A_1319 = arith.select %eq3A_1316, %get3A_1312, %broadcast_in_dim3A_1318 : vector<8x128xi1>, vector<8x128xf32>
    %add3A_1320 = arith.addf %add3A_1309, %select_n3A_1319 : vector<8x128xf32>
    %reduce_sum3A_1321 = arith.constant dense<0.000000e+00> : vector<128xf32>
    %reduce_sum3A_1322 = vector.multi_reduction <add>, %add3A_1320, %reduce_sum3A_1321 [0] : vector<8x128xf32> to vector<128xf32>
    %broadcast_in_dim3A_1323 = vector.shape_cast %reduce_sum3A_1322 : vector<128xf32> to vector<1x128xf32>
    %eq3A_1324 = arith.constant 6 : i32
    %eq3A_1325 = vector.broadcast %eq3A_1324 : i32 to vector<8x128xi32>
    %eq3A_1326 = arith.cmpi eq, %iota3A_3, %eq3A_1325 : vector<8x128xi32>
    %jit3A_1327 = arith.constant 0.000000e+00 : f32
    %broadcast_in_dim3A_1328 = vector.shape_cast %broadcast_in_dim3A_1323 : vector<1x128xf32> to vector<1x128xf32>
    %broadcast_in_dim3A_1329 = vector.broadcast %broadcast_in_dim3A_1328 : vector<1x128xf32> to vector<8x128xf32>
    %broadcast_in_dim3A_1330 = vector.broadcast %jit3A_1327 : f32 to vector<8x128xf32>
    %select_n3A_1331 = arith.select %eq3A_1326, %broadcast_in_dim3A_1329, %broadcast_in_dim3A_1330 : vector<8x128xi1>, vector<8x128xf32>
    %add3A_1332 = arith.addf %add3A_1142, %select_n3A_1331 : vector<8x128xf32>
    %broadcast_in_dim3A_1333 = arith.constant 0.000000e+00 : f32
    %broadcast_in_dim3A_1334 = vector.broadcast %broadcast_in_dim3A_1333 : f32 to vector<8x128xf32>
    %get3A_1335 = arith.constant 896 : index
    %get3A_1336 = arith.constant 0 : index
    %get3A_1337 = vector.load %arg2[%get3A_1335, %get3A_1336] : memref<1024x128xf32, #tpu.memory_space<vmem>>, vector<8x128xf32>
    %add3A_1338 = arith.constant 0 : i32
    %add3A_1339 = vector.broadcast %add3A_1338 : i32 to vector<8x128xi32>
    %add3A_1340 = arith.addi %add3A_1339, %iota3A_3 : vector<8x128xi32>
    %eq3A_1341 = arith.cmpi eq, %iota3A_4, %add3A_1340 : vector<8x128xi32>
    %jit3A_1342 = arith.constant 0.000000e+00 : f32
    %broadcast_in_dim3A_1343 = vector.broadcast %jit3A_1342 : f32 to vector<8x128xf32>
    %select_n3A_1344 = arith.select %eq3A_1341, %get3A_1337, %broadcast_in_dim3A_1343 : vector<8x128xi1>, vector<8x128xf32>
    %add3A_1345 = arith.addf %broadcast_in_dim3A_1334, %select_n3A_1344 : vector<8x128xf32>
    %get3A_1346 = arith.constant 904 : index
    %get3A_1347 = arith.constant 0 : index
    %get3A_1348 = vector.load %arg2[%get3A_1346, %get3A_1347] : memref<1024x128xf32, #tpu.memory_space<vmem>>, vector<8x128xf32>
    %add3A_1349 = arith.constant 8 : i32
    %add3A_1350 = vector.broadcast %add3A_1349 : i32 to vector<8x128xi32>
    %add3A_1351 = arith.addi %add3A_1350, %iota3A_3 : vector<8x128xi32>
    %eq3A_1352 = arith.cmpi eq, %iota3A_4, %add3A_1351 : vector<8x128xi32>
    %jit3A_1353 = arith.constant 0.000000e+00 : f32
    %broadcast_in_dim3A_1354 = vector.broadcast %jit3A_1353 : f32 to vector<8x128xf32>
    %select_n3A_1355 = arith.select %eq3A_1352, %get3A_1348, %broadcast_in_dim3A_1354 : vector<8x128xi1>, vector<8x128xf32>
    %add3A_1356 = arith.addf %add3A_1345, %select_n3A_1355 : vector<8x128xf32>
    %get3A_1357 = arith.constant 912 : index
    %get3A_1358 = arith.constant 0 : index
    %get3A_1359 = vector.load %arg2[%get3A_1357, %get3A_1358] : memref<1024x128xf32, #tpu.memory_space<vmem>>, vector<8x128xf32>
    %add3A_1360 = arith.constant 16 : i32
    %add3A_1361 = vector.broadcast %add3A_1360 : i32 to vector<8x128xi32>
    %add3A_1362 = arith.addi %add3A_1361, %iota3A_3 : vector<8x128xi32>
    %eq3A_1363 = arith.cmpi eq, %iota3A_4, %add3A_1362 : vector<8x128xi32>
    %jit3A_1364 = arith.constant 0.000000e+00 : f32
    %broadcast_in_dim3A_1365 = vector.broadcast %jit3A_1364 : f32 to vector<8x128xf32>
    %select_n3A_1366 = arith.select %eq3A_1363, %get3A_1359, %broadcast_in_dim3A_1365 : vector<8x128xi1>, vector<8x128xf32>
    %add3A_1367 = arith.addf %add3A_1356, %select_n3A_1366 : vector<8x128xf32>
    %get3A_1368 = arith.constant 920 : index
    %get3A_1369 = arith.constant 0 : index
    %get3A_1370 = vector.load %arg2[%get3A_1368, %get3A_1369] : memref<1024x128xf32, #tpu.memory_space<vmem>>, vector<8x128xf32>
    %add3A_1371 = arith.constant 24 : i32
    %add3A_1372 = vector.broadcast %add3A_1371 : i32 to vector<8x128xi32>
    %add3A_1373 = arith.addi %add3A_1372, %iota3A_3 : vector<8x128xi32>
    %eq3A_1374 = arith.cmpi eq, %iota3A_4, %add3A_1373 : vector<8x128xi32>
    %jit3A_1375 = arith.constant 0.000000e+00 : f32
    %broadcast_in_dim3A_1376 = vector.broadcast %jit3A_1375 : f32 to vector<8x128xf32>
    %select_n3A_1377 = arith.select %eq3A_1374, %get3A_1370, %broadcast_in_dim3A_1376 : vector<8x128xi1>, vector<8x128xf32>
    %add3A_1378 = arith.addf %add3A_1367, %select_n3A_1377 : vector<8x128xf32>
    %get3A_1379 = arith.constant 928 : index
    %get3A_1380 = arith.constant 0 : index
    %get3A_1381 = vector.load %arg2[%get3A_1379, %get3A_1380] : memref<1024x128xf32, #tpu.memory_space<vmem>>, vector<8x128xf32>
    %add3A_1382 = arith.constant 32 : i32
    %add3A_1383 = vector.broadcast %add3A_1382 : i32 to vector<8x128xi32>
    %add3A_1384 = arith.addi %add3A_1383, %iota3A_3 : vector<8x128xi32>
    %eq3A_1385 = arith.cmpi eq, %iota3A_4, %add3A_1384 : vector<8x128xi32>
    %jit3A_1386 = arith.constant 0.000000e+00 : f32
    %broadcast_in_dim3A_1387 = vector.broadcast %jit3A_1386 : f32 to vector<8x128xf32>
    %select_n3A_1388 = arith.select %eq3A_1385, %get3A_1381, %broadcast_in_dim3A_1387 : vector<8x128xi1>, vector<8x128xf32>
    %add3A_1389 = arith.addf %add3A_1378, %select_n3A_1388 : vector<8x128xf32>
    %get3A_1390 = arith.constant 936 : index
    %get3A_1391 = arith.constant 0 : index
    %get3A_1392 = vector.load %arg2[%get3A_1390, %get3A_1391] : memref<1024x128xf32, #tpu.memory_space<vmem>>, vector<8x128xf32>
    %add3A_1393 = arith.constant 40 : i32
    %add3A_1394 = vector.broadcast %add3A_1393 : i32 to vector<8x128xi32>
    %add3A_1395 = arith.addi %add3A_1394, %iota3A_3 : vector<8x128xi32>
    %eq3A_1396 = arith.cmpi eq, %iota3A_4, %add3A_1395 : vector<8x128xi32>
    %jit3A_1397 = arith.constant 0.000000e+00 : f32
    %broadcast_in_dim3A_1398 = vector.broadcast %jit3A_1397 : f32 to vector<8x128xf32>
    %select_n3A_1399 = arith.select %eq3A_1396, %get3A_1392, %broadcast_in_dim3A_1398 : vector<8x128xi1>, vector<8x128xf32>
    %add3A_1400 = arith.addf %add3A_1389, %select_n3A_1399 : vector<8x128xf32>
    %get3A_1401 = arith.constant 944 : index
    %get3A_1402 = arith.constant 0 : index
    %get3A_1403 = vector.load %arg2[%get3A_1401, %get3A_1402] : memref<1024x128xf32, #tpu.memory_space<vmem>>, vector<8x128xf32>
    %add3A_1404 = arith.constant 48 : i32
    %add3A_1405 = vector.broadcast %add3A_1404 : i32 to vector<8x128xi32>
    %add3A_1406 = arith.addi %add3A_1405, %iota3A_3 : vector<8x128xi32>
    %eq3A_1407 = arith.cmpi eq, %iota3A_4, %add3A_1406 : vector<8x128xi32>
    %jit3A_1408 = arith.constant 0.000000e+00 : f32
    %broadcast_in_dim3A_1409 = vector.broadcast %jit3A_1408 : f32 to vector<8x128xf32>
    %select_n3A_1410 = arith.select %eq3A_1407, %get3A_1403, %broadcast_in_dim3A_1409 : vector<8x128xi1>, vector<8x128xf32>
    %add3A_1411 = arith.addf %add3A_1400, %select_n3A_1410 : vector<8x128xf32>
    %get3A_1412 = arith.constant 952 : index
    %get3A_1413 = arith.constant 0 : index
    %get3A_1414 = vector.load %arg2[%get3A_1412, %get3A_1413] : memref<1024x128xf32, #tpu.memory_space<vmem>>, vector<8x128xf32>
    %add3A_1415 = arith.constant 56 : i32
    %add3A_1416 = vector.broadcast %add3A_1415 : i32 to vector<8x128xi32>
    %add3A_1417 = arith.addi %add3A_1416, %iota3A_3 : vector<8x128xi32>
    %eq3A_1418 = arith.cmpi eq, %iota3A_4, %add3A_1417 : vector<8x128xi32>
    %jit3A_1419 = arith.constant 0.000000e+00 : f32
    %broadcast_in_dim3A_1420 = vector.broadcast %jit3A_1419 : f32 to vector<8x128xf32>
    %select_n3A_1421 = arith.select %eq3A_1418, %get3A_1414, %broadcast_in_dim3A_1420 : vector<8x128xi1>, vector<8x128xf32>
    %add3A_1422 = arith.addf %add3A_1411, %select_n3A_1421 : vector<8x128xf32>
    %get3A_1423 = arith.constant 960 : index
    %get3A_1424 = arith.constant 0 : index
    %get3A_1425 = vector.load %arg2[%get3A_1423, %get3A_1424] : memref<1024x128xf32, #tpu.memory_space<vmem>>, vector<8x128xf32>
    %add3A_1426 = arith.constant 64 : i32
    %add3A_1427 = vector.broadcast %add3A_1426 : i32 to vector<8x128xi32>
    %add3A_1428 = arith.addi %add3A_1427, %iota3A_3 : vector<8x128xi32>
    %eq3A_1429 = arith.cmpi eq, %iota3A_4, %add3A_1428 : vector<8x128xi32>
    %jit3A_1430 = arith.constant 0.000000e+00 : f32
    %broadcast_in_dim3A_1431 = vector.broadcast %jit3A_1430 : f32 to vector<8x128xf32>
    %select_n3A_1432 = arith.select %eq3A_1429, %get3A_1425, %broadcast_in_dim3A_1431 : vector<8x128xi1>, vector<8x128xf32>
    %add3A_1433 = arith.addf %add3A_1422, %select_n3A_1432 : vector<8x128xf32>
    %get3A_1434 = arith.constant 968 : index
    %get3A_1435 = arith.constant 0 : index
    %get3A_1436 = vector.load %arg2[%get3A_1434, %get3A_1435] : memref<1024x128xf32, #tpu.memory_space<vmem>>, vector<8x128xf32>
    %add3A_1437 = arith.constant 72 : i32
    %add3A_1438 = vector.broadcast %add3A_1437 : i32 to vector<8x128xi32>
    %add3A_1439 = arith.addi %add3A_1438, %iota3A_3 : vector<8x128xi32>
    %eq3A_1440 = arith.cmpi eq, %iota3A_4, %add3A_1439 : vector<8x128xi32>
    %jit3A_1441 = arith.constant 0.000000e+00 : f32
    %broadcast_in_dim3A_1442 = vector.broadcast %jit3A_1441 : f32 to vector<8x128xf32>
    %select_n3A_1443 = arith.select %eq3A_1440, %get3A_1436, %broadcast_in_dim3A_1442 : vector<8x128xi1>, vector<8x128xf32>
    %add3A_1444 = arith.addf %add3A_1433, %select_n3A_1443 : vector<8x128xf32>
    %get3A_1445 = arith.constant 976 : index
    %get3A_1446 = arith.constant 0 : index
    %get3A_1447 = vector.load %arg2[%get3A_1445, %get3A_1446] : memref<1024x128xf32, #tpu.memory_space<vmem>>, vector<8x128xf32>
    %add3A_1448 = arith.constant 80 : i32
    %add3A_1449 = vector.broadcast %add3A_1448 : i32 to vector<8x128xi32>
    %add3A_1450 = arith.addi %add3A_1449, %iota3A_3 : vector<8x128xi32>
    %eq3A_1451 = arith.cmpi eq, %iota3A_4, %add3A_1450 : vector<8x128xi32>
    %jit3A_1452 = arith.constant 0.000000e+00 : f32
    %broadcast_in_dim3A_1453 = vector.broadcast %jit3A_1452 : f32 to vector<8x128xf32>
    %select_n3A_1454 = arith.select %eq3A_1451, %get3A_1447, %broadcast_in_dim3A_1453 : vector<8x128xi1>, vector<8x128xf32>
    %add3A_1455 = arith.addf %add3A_1444, %select_n3A_1454 : vector<8x128xf32>
    %get3A_1456 = arith.constant 984 : index
    %get3A_1457 = arith.constant 0 : index
    %get3A_1458 = vector.load %arg2[%get3A_1456, %get3A_1457] : memref<1024x128xf32, #tpu.memory_space<vmem>>, vector<8x128xf32>
    %add3A_1459 = arith.constant 88 : i32
    %add3A_1460 = vector.broadcast %add3A_1459 : i32 to vector<8x128xi32>
    %add3A_1461 = arith.addi %add3A_1460, %iota3A_3 : vector<8x128xi32>
    %eq3A_1462 = arith.cmpi eq, %iota3A_4, %add3A_1461 : vector<8x128xi32>
    %jit3A_1463 = arith.constant 0.000000e+00 : f32
    %broadcast_in_dim3A_1464 = vector.broadcast %jit3A_1463 : f32 to vector<8x128xf32>
    %select_n3A_1465 = arith.select %eq3A_1462, %get3A_1458, %broadcast_in_dim3A_1464 : vector<8x128xi1>, vector<8x128xf32>
    %add3A_1466 = arith.addf %add3A_1455, %select_n3A_1465 : vector<8x128xf32>
    %get3A_1467 = arith.constant 992 : index
    %get3A_1468 = arith.constant 0 : index
    %get3A_1469 = vector.load %arg2[%get3A_1467, %get3A_1468] : memref<1024x128xf32, #tpu.memory_space<vmem>>, vector<8x128xf32>
    %add3A_1470 = arith.constant 96 : i32
    %add3A_1471 = vector.broadcast %add3A_1470 : i32 to vector<8x128xi32>
    %add3A_1472 = arith.addi %add3A_1471, %iota3A_3 : vector<8x128xi32>
    %eq3A_1473 = arith.cmpi eq, %iota3A_4, %add3A_1472 : vector<8x128xi32>
    %jit3A_1474 = arith.constant 0.000000e+00 : f32
    %broadcast_in_dim3A_1475 = vector.broadcast %jit3A_1474 : f32 to vector<8x128xf32>
    %select_n3A_1476 = arith.select %eq3A_1473, %get3A_1469, %broadcast_in_dim3A_1475 : vector<8x128xi1>, vector<8x128xf32>
    %add3A_1477 = arith.addf %add3A_1466, %select_n3A_1476 : vector<8x128xf32>
    %get3A_1478 = arith.constant 1000 : index
    %get3A_1479 = arith.constant 0 : index
    %get3A_1480 = vector.load %arg2[%get3A_1478, %get3A_1479] : memref<1024x128xf32, #tpu.memory_space<vmem>>, vector<8x128xf32>
    %add3A_1481 = arith.constant 104 : i32
    %add3A_1482 = vector.broadcast %add3A_1481 : i32 to vector<8x128xi32>
    %add3A_1483 = arith.addi %add3A_1482, %iota3A_3 : vector<8x128xi32>
    %eq3A_1484 = arith.cmpi eq, %iota3A_4, %add3A_1483 : vector<8x128xi32>
    %jit3A_1485 = arith.constant 0.000000e+00 : f32
    %broadcast_in_dim3A_1486 = vector.broadcast %jit3A_1485 : f32 to vector<8x128xf32>
    %select_n3A_1487 = arith.select %eq3A_1484, %get3A_1480, %broadcast_in_dim3A_1486 : vector<8x128xi1>, vector<8x128xf32>
    %add3A_1488 = arith.addf %add3A_1477, %select_n3A_1487 : vector<8x128xf32>
    %get3A_1489 = arith.constant 1008 : index
    %get3A_1490 = arith.constant 0 : index
    %get3A_1491 = vector.load %arg2[%get3A_1489, %get3A_1490] : memref<1024x128xf32, #tpu.memory_space<vmem>>, vector<8x128xf32>
    %add3A_1492 = arith.constant 112 : i32
    %add3A_1493 = vector.broadcast %add3A_1492 : i32 to vector<8x128xi32>
    %add3A_1494 = arith.addi %add3A_1493, %iota3A_3 : vector<8x128xi32>
    %eq3A_1495 = arith.cmpi eq, %iota3A_4, %add3A_1494 : vector<8x128xi32>
    %jit3A_1496 = arith.constant 0.000000e+00 : f32
    %broadcast_in_dim3A_1497 = vector.broadcast %jit3A_1496 : f32 to vector<8x128xf32>
    %select_n3A_1498 = arith.select %eq3A_1495, %get3A_1491, %broadcast_in_dim3A_1497 : vector<8x128xi1>, vector<8x128xf32>
    %add3A_1499 = arith.addf %add3A_1488, %select_n3A_1498 : vector<8x128xf32>
    %get3A_1500 = arith.constant 1016 : index
    %get3A_1501 = arith.constant 0 : index
    %get3A_1502 = vector.load %arg2[%get3A_1500, %get3A_1501] : memref<1024x128xf32, #tpu.memory_space<vmem>>, vector<8x128xf32>
    %add3A_1503 = arith.constant 120 : i32
    %add3A_1504 = vector.broadcast %add3A_1503 : i32 to vector<8x128xi32>
    %add3A_1505 = arith.addi %add3A_1504, %iota3A_3 : vector<8x128xi32>
    %eq3A_1506 = arith.cmpi eq, %iota3A_4, %add3A_1505 : vector<8x128xi32>
    %jit3A_1507 = arith.constant 0.000000e+00 : f32
    %broadcast_in_dim3A_1508 = vector.broadcast %jit3A_1507 : f32 to vector<8x128xf32>
    %select_n3A_1509 = arith.select %eq3A_1506, %get3A_1502, %broadcast_in_dim3A_1508 : vector<8x128xi1>, vector<8x128xf32>
    %add3A_1510 = arith.addf %add3A_1499, %select_n3A_1509 : vector<8x128xf32>
    %reduce_sum3A_1511 = arith.constant dense<0.000000e+00> : vector<128xf32>
    %reduce_sum3A_1512 = vector.multi_reduction <add>, %add3A_1510, %reduce_sum3A_1511 [0] : vector<8x128xf32> to vector<128xf32>
    %broadcast_in_dim3A_1513 = vector.shape_cast %reduce_sum3A_1512 : vector<128xf32> to vector<1x128xf32>
    %eq3A_1514 = arith.constant 7 : i32
    %eq3A_1515 = vector.broadcast %eq3A_1514 : i32 to vector<8x128xi32>
    %eq3A_1516 = arith.cmpi eq, %iota3A_3, %eq3A_1515 : vector<8x128xi32>
    %jit3A_1517 = arith.constant 0.000000e+00 : f32
    %broadcast_in_dim3A_1518 = vector.shape_cast %broadcast_in_dim3A_1513 : vector<1x128xf32> to vector<1x128xf32>
    %broadcast_in_dim3A_1519 = vector.broadcast %broadcast_in_dim3A_1518 : vector<1x128xf32> to vector<8x128xf32>
    %broadcast_in_dim3A_1520 = vector.broadcast %jit3A_1517 : f32 to vector<8x128xf32>
    %select_n3A_1521 = arith.select %eq3A_1516, %broadcast_in_dim3A_1519, %broadcast_in_dim3A_1520 : vector<8x128xi1>, vector<8x128xf32>
    %add3A_1522 = arith.addf %add3A_1332, %select_n3A_1521 : vector<8x128xf32>
    %broadcast_in_dim3A_1523 = arith.constant 0.000000e+00 : f32
    %broadcast_in_dim3A_1524 = vector.broadcast %broadcast_in_dim3A_1523 : f32 to vector<8x128xf32>
    %broadcast_in_dim3A_1525 = arith.constant 0.000000e+00 : f32
    %broadcast_in_dim3A_1526 = vector.broadcast %broadcast_in_dim3A_1525 : f32 to vector<8x128xf32>
    %get3A_1527 = arith.constant 0 : index
    %get3A_1528 = arith.constant 0 : index
    %get3A_1529 = vector.load %arg3[%get3A_1527, %get3A_1528] : memref<1024x128xf32, #tpu.memory_space<vmem>>, vector<8x128xf32>
    %add3A_1530 = arith.constant 0 : i32
    %add3A_1531 = vector.broadcast %add3A_1530 : i32 to vector<8x128xi32>
    %add3A_1532 = arith.addi %add3A_1531, %iota3A_3 : vector<8x128xi32>
    %eq3A_1533 = arith.cmpi eq, %iota3A_4, %add3A_1532 : vector<8x128xi32>
    %jit3A_1534 = arith.constant 0.000000e+00 : f32
    %broadcast_in_dim3A_1535 = vector.broadcast %jit3A_1534 : f32 to vector<8x128xf32>
    %select_n3A_1536 = arith.select %eq3A_1533, %get3A_1529, %broadcast_in_dim3A_1535 : vector<8x128xi1>, vector<8x128xf32>
    %add3A_1537 = arith.addf %broadcast_in_dim3A_1526, %select_n3A_1536 : vector<8x128xf32>
    %get3A_1538 = arith.constant 8 : index
    %get3A_1539 = arith.constant 0 : index
    %get3A_1540 = vector.load %arg3[%get3A_1538, %get3A_1539] : memref<1024x128xf32, #tpu.memory_space<vmem>>, vector<8x128xf32>
    %add3A_1541 = arith.constant 8 : i32
    %add3A_1542 = vector.broadcast %add3A_1541 : i32 to vector<8x128xi32>
    %add3A_1543 = arith.addi %add3A_1542, %iota3A_3 : vector<8x128xi32>
    %eq3A_1544 = arith.cmpi eq, %iota3A_4, %add3A_1543 : vector<8x128xi32>
    %jit3A_1545 = arith.constant 0.000000e+00 : f32
    %broadcast_in_dim3A_1546 = vector.broadcast %jit3A_1545 : f32 to vector<8x128xf32>
    %select_n3A_1547 = arith.select %eq3A_1544, %get3A_1540, %broadcast_in_dim3A_1546 : vector<8x128xi1>, vector<8x128xf32>
    %add3A_1548 = arith.addf %add3A_1537, %select_n3A_1547 : vector<8x128xf32>
    %get3A_1549 = arith.constant 16 : index
    %get3A_1550 = arith.constant 0 : index
    %get3A_1551 = vector.load %arg3[%get3A_1549, %get3A_1550] : memref<1024x128xf32, #tpu.memory_space<vmem>>, vector<8x128xf32>
    %add3A_1552 = arith.constant 16 : i32
    %add3A_1553 = vector.broadcast %add3A_1552 : i32 to vector<8x128xi32>
    %add3A_1554 = arith.addi %add3A_1553, %iota3A_3 : vector<8x128xi32>
    %eq3A_1555 = arith.cmpi eq, %iota3A_4, %add3A_1554 : vector<8x128xi32>
    %jit3A_1556 = arith.constant 0.000000e+00 : f32
    %broadcast_in_dim3A_1557 = vector.broadcast %jit3A_1556 : f32 to vector<8x128xf32>
    %select_n3A_1558 = arith.select %eq3A_1555, %get3A_1551, %broadcast_in_dim3A_1557 : vector<8x128xi1>, vector<8x128xf32>
    %add3A_1559 = arith.addf %add3A_1548, %select_n3A_1558 : vector<8x128xf32>
    %get3A_1560 = arith.constant 24 : index
    %get3A_1561 = arith.constant 0 : index
    %get3A_1562 = vector.load %arg3[%get3A_1560, %get3A_1561] : memref<1024x128xf32, #tpu.memory_space<vmem>>, vector<8x128xf32>
    %add3A_1563 = arith.constant 24 : i32
    %add3A_1564 = vector.broadcast %add3A_1563 : i32 to vector<8x128xi32>
    %add3A_1565 = arith.addi %add3A_1564, %iota3A_3 : vector<8x128xi32>
    %eq3A_1566 = arith.cmpi eq, %iota3A_4, %add3A_1565 : vector<8x128xi32>
    %jit3A_1567 = arith.constant 0.000000e+00 : f32
    %broadcast_in_dim3A_1568 = vector.broadcast %jit3A_1567 : f32 to vector<8x128xf32>
    %select_n3A_1569 = arith.select %eq3A_1566, %get3A_1562, %broadcast_in_dim3A_1568 : vector<8x128xi1>, vector<8x128xf32>
    %add3A_1570 = arith.addf %add3A_1559, %select_n3A_1569 : vector<8x128xf32>
    %get3A_1571 = arith.constant 32 : index
    %get3A_1572 = arith.constant 0 : index
    %get3A_1573 = vector.load %arg3[%get3A_1571, %get3A_1572] : memref<1024x128xf32, #tpu.memory_space<vmem>>, vector<8x128xf32>
    %add3A_1574 = arith.constant 32 : i32
    %add3A_1575 = vector.broadcast %add3A_1574 : i32 to vector<8x128xi32>
    %add3A_1576 = arith.addi %add3A_1575, %iota3A_3 : vector<8x128xi32>
    %eq3A_1577 = arith.cmpi eq, %iota3A_4, %add3A_1576 : vector<8x128xi32>
    %jit3A_1578 = arith.constant 0.000000e+00 : f32
    %broadcast_in_dim3A_1579 = vector.broadcast %jit3A_1578 : f32 to vector<8x128xf32>
    %select_n3A_1580 = arith.select %eq3A_1577, %get3A_1573, %broadcast_in_dim3A_1579 : vector<8x128xi1>, vector<8x128xf32>
    %add3A_1581 = arith.addf %add3A_1570, %select_n3A_1580 : vector<8x128xf32>
    %get3A_1582 = arith.constant 40 : index
    %get3A_1583 = arith.constant 0 : index
    %get3A_1584 = vector.load %arg3[%get3A_1582, %get3A_1583] : memref<1024x128xf32, #tpu.memory_space<vmem>>, vector<8x128xf32>
    %add3A_1585 = arith.constant 40 : i32
    %add3A_1586 = vector.broadcast %add3A_1585 : i32 to vector<8x128xi32>
    %add3A_1587 = arith.addi %add3A_1586, %iota3A_3 : vector<8x128xi32>
    %eq3A_1588 = arith.cmpi eq, %iota3A_4, %add3A_1587 : vector<8x128xi32>
    %jit3A_1589 = arith.constant 0.000000e+00 : f32
    %broadcast_in_dim3A_1590 = vector.broadcast %jit3A_1589 : f32 to vector<8x128xf32>
    %select_n3A_1591 = arith.select %eq3A_1588, %get3A_1584, %broadcast_in_dim3A_1590 : vector<8x128xi1>, vector<8x128xf32>
    %add3A_1592 = arith.addf %add3A_1581, %select_n3A_1591 : vector<8x128xf32>
    %get3A_1593 = arith.constant 48 : index
    %get3A_1594 = arith.constant 0 : index
    %get3A_1595 = vector.load %arg3[%get3A_1593, %get3A_1594] : memref<1024x128xf32, #tpu.memory_space<vmem>>, vector<8x128xf32>
    %add3A_1596 = arith.constant 48 : i32
    %add3A_1597 = vector.broadcast %add3A_1596 : i32 to vector<8x128xi32>
    %add3A_1598 = arith.addi %add3A_1597, %iota3A_3 : vector<8x128xi32>
    %eq3A_1599 = arith.cmpi eq, %iota3A_4, %add3A_1598 : vector<8x128xi32>
    %jit3A_1600 = arith.constant 0.000000e+00 : f32
    %broadcast_in_dim3A_1601 = vector.broadcast %jit3A_1600 : f32 to vector<8x128xf32>
    %select_n3A_1602 = arith.select %eq3A_1599, %get3A_1595, %broadcast_in_dim3A_1601 : vector<8x128xi1>, vector<8x128xf32>
    %add3A_1603 = arith.addf %add3A_1592, %select_n3A_1602 : vector<8x128xf32>
    %get3A_1604 = arith.constant 56 : index
    %get3A_1605 = arith.constant 0 : index
    %get3A_1606 = vector.load %arg3[%get3A_1604, %get3A_1605] : memref<1024x128xf32, #tpu.memory_space<vmem>>, vector<8x128xf32>
    %add3A_1607 = arith.constant 56 : i32
    %add3A_1608 = vector.broadcast %add3A_1607 : i32 to vector<8x128xi32>
    %add3A_1609 = arith.addi %add3A_1608, %iota3A_3 : vector<8x128xi32>
    %eq3A_1610 = arith.cmpi eq, %iota3A_4, %add3A_1609 : vector<8x128xi32>
    %jit3A_1611 = arith.constant 0.000000e+00 : f32
    %broadcast_in_dim3A_1612 = vector.broadcast %jit3A_1611 : f32 to vector<8x128xf32>
    %select_n3A_1613 = arith.select %eq3A_1610, %get3A_1606, %broadcast_in_dim3A_1612 : vector<8x128xi1>, vector<8x128xf32>
    %add3A_1614 = arith.addf %add3A_1603, %select_n3A_1613 : vector<8x128xf32>
    %get3A_1615 = arith.constant 64 : index
    %get3A_1616 = arith.constant 0 : index
    %get3A_1617 = vector.load %arg3[%get3A_1615, %get3A_1616] : memref<1024x128xf32, #tpu.memory_space<vmem>>, vector<8x128xf32>
    %add3A_1618 = arith.constant 64 : i32
    %add3A_1619 = vector.broadcast %add3A_1618 : i32 to vector<8x128xi32>
    %add3A_1620 = arith.addi %add3A_1619, %iota3A_3 : vector<8x128xi32>
    %eq3A_1621 = arith.cmpi eq, %iota3A_4, %add3A_1620 : vector<8x128xi32>
    %jit3A_1622 = arith.constant 0.000000e+00 : f32
    %broadcast_in_dim3A_1623 = vector.broadcast %jit3A_1622 : f32 to vector<8x128xf32>
    %select_n3A_1624 = arith.select %eq3A_1621, %get3A_1617, %broadcast_in_dim3A_1623 : vector<8x128xi1>, vector<8x128xf32>
    %add3A_1625 = arith.addf %add3A_1614, %select_n3A_1624 : vector<8x128xf32>
    %get3A_1626 = arith.constant 72 : index
    %get3A_1627 = arith.constant 0 : index
    %get3A_1628 = vector.load %arg3[%get3A_1626, %get3A_1627] : memref<1024x128xf32, #tpu.memory_space<vmem>>, vector<8x128xf32>
    %add3A_1629 = arith.constant 72 : i32
    %add3A_1630 = vector.broadcast %add3A_1629 : i32 to vector<8x128xi32>
    %add3A_1631 = arith.addi %add3A_1630, %iota3A_3 : vector<8x128xi32>
    %eq3A_1632 = arith.cmpi eq, %iota3A_4, %add3A_1631 : vector<8x128xi32>
    %jit3A_1633 = arith.constant 0.000000e+00 : f32
    %broadcast_in_dim3A_1634 = vector.broadcast %jit3A_1633 : f32 to vector<8x128xf32>
    %select_n3A_1635 = arith.select %eq3A_1632, %get3A_1628, %broadcast_in_dim3A_1634 : vector<8x128xi1>, vector<8x128xf32>
    %add3A_1636 = arith.addf %add3A_1625, %select_n3A_1635 : vector<8x128xf32>
    %get3A_1637 = arith.constant 80 : index
    %get3A_1638 = arith.constant 0 : index
    %get3A_1639 = vector.load %arg3[%get3A_1637, %get3A_1638] : memref<1024x128xf32, #tpu.memory_space<vmem>>, vector<8x128xf32>
    %add3A_1640 = arith.constant 80 : i32
    %add3A_1641 = vector.broadcast %add3A_1640 : i32 to vector<8x128xi32>
    %add3A_1642 = arith.addi %add3A_1641, %iota3A_3 : vector<8x128xi32>
    %eq3A_1643 = arith.cmpi eq, %iota3A_4, %add3A_1642 : vector<8x128xi32>
    %jit3A_1644 = arith.constant 0.000000e+00 : f32
    %broadcast_in_dim3A_1645 = vector.broadcast %jit3A_1644 : f32 to vector<8x128xf32>
    %select_n3A_1646 = arith.select %eq3A_1643, %get3A_1639, %broadcast_in_dim3A_1645 : vector<8x128xi1>, vector<8x128xf32>
    %add3A_1647 = arith.addf %add3A_1636, %select_n3A_1646 : vector<8x128xf32>
    %get3A_1648 = arith.constant 88 : index
    %get3A_1649 = arith.constant 0 : index
    %get3A_1650 = vector.load %arg3[%get3A_1648, %get3A_1649] : memref<1024x128xf32, #tpu.memory_space<vmem>>, vector<8x128xf32>
    %add3A_1651 = arith.constant 88 : i32
    %add3A_1652 = vector.broadcast %add3A_1651 : i32 to vector<8x128xi32>
    %add3A_1653 = arith.addi %add3A_1652, %iota3A_3 : vector<8x128xi32>
    %eq3A_1654 = arith.cmpi eq, %iota3A_4, %add3A_1653 : vector<8x128xi32>
    %jit3A_1655 = arith.constant 0.000000e+00 : f32
    %broadcast_in_dim3A_1656 = vector.broadcast %jit3A_1655 : f32 to vector<8x128xf32>
    %select_n3A_1657 = arith.select %eq3A_1654, %get3A_1650, %broadcast_in_dim3A_1656 : vector<8x128xi1>, vector<8x128xf32>
    %add3A_1658 = arith.addf %add3A_1647, %select_n3A_1657 : vector<8x128xf32>
    %get3A_1659 = arith.constant 96 : index
    %get3A_1660 = arith.constant 0 : index
    %get3A_1661 = vector.load %arg3[%get3A_1659, %get3A_1660] : memref<1024x128xf32, #tpu.memory_space<vmem>>, vector<8x128xf32>
    %add3A_1662 = arith.constant 96 : i32
    %add3A_1663 = vector.broadcast %add3A_1662 : i32 to vector<8x128xi32>
    %add3A_1664 = arith.addi %add3A_1663, %iota3A_3 : vector<8x128xi32>
    %eq3A_1665 = arith.cmpi eq, %iota3A_4, %add3A_1664 : vector<8x128xi32>
    %jit3A_1666 = arith.constant 0.000000e+00 : f32
    %broadcast_in_dim3A_1667 = vector.broadcast %jit3A_1666 : f32 to vector<8x128xf32>
    %select_n3A_1668 = arith.select %eq3A_1665, %get3A_1661, %broadcast_in_dim3A_1667 : vector<8x128xi1>, vector<8x128xf32>
    %add3A_1669 = arith.addf %add3A_1658, %select_n3A_1668 : vector<8x128xf32>
    %get3A_1670 = arith.constant 104 : index
    %get3A_1671 = arith.constant 0 : index
    %get3A_1672 = vector.load %arg3[%get3A_1670, %get3A_1671] : memref<1024x128xf32, #tpu.memory_space<vmem>>, vector<8x128xf32>
    %add3A_1673 = arith.constant 104 : i32
    %add3A_1674 = vector.broadcast %add3A_1673 : i32 to vector<8x128xi32>
    %add3A_1675 = arith.addi %add3A_1674, %iota3A_3 : vector<8x128xi32>
    %eq3A_1676 = arith.cmpi eq, %iota3A_4, %add3A_1675 : vector<8x128xi32>
    %jit3A_1677 = arith.constant 0.000000e+00 : f32
    %broadcast_in_dim3A_1678 = vector.broadcast %jit3A_1677 : f32 to vector<8x128xf32>
    %select_n3A_1679 = arith.select %eq3A_1676, %get3A_1672, %broadcast_in_dim3A_1678 : vector<8x128xi1>, vector<8x128xf32>
    %add3A_1680 = arith.addf %add3A_1669, %select_n3A_1679 : vector<8x128xf32>
    %get3A_1681 = arith.constant 112 : index
    %get3A_1682 = arith.constant 0 : index
    %get3A_1683 = vector.load %arg3[%get3A_1681, %get3A_1682] : memref<1024x128xf32, #tpu.memory_space<vmem>>, vector<8x128xf32>
    %add3A_1684 = arith.constant 112 : i32
    %add3A_1685 = vector.broadcast %add3A_1684 : i32 to vector<8x128xi32>
    %add3A_1686 = arith.addi %add3A_1685, %iota3A_3 : vector<8x128xi32>
    %eq3A_1687 = arith.cmpi eq, %iota3A_4, %add3A_1686 : vector<8x128xi32>
    %jit3A_1688 = arith.constant 0.000000e+00 : f32
    %broadcast_in_dim3A_1689 = vector.broadcast %jit3A_1688 : f32 to vector<8x128xf32>
    %select_n3A_1690 = arith.select %eq3A_1687, %get3A_1683, %broadcast_in_dim3A_1689 : vector<8x128xi1>, vector<8x128xf32>
    %add3A_1691 = arith.addf %add3A_1680, %select_n3A_1690 : vector<8x128xf32>
    %get3A_1692 = arith.constant 120 : index
    %get3A_1693 = arith.constant 0 : index
    %get3A_1694 = vector.load %arg3[%get3A_1692, %get3A_1693] : memref<1024x128xf32, #tpu.memory_space<vmem>>, vector<8x128xf32>
    %add3A_1695 = arith.constant 120 : i32
    %add3A_1696 = vector.broadcast %add3A_1695 : i32 to vector<8x128xi32>
    %add3A_1697 = arith.addi %add3A_1696, %iota3A_3 : vector<8x128xi32>
    %eq3A_1698 = arith.cmpi eq, %iota3A_4, %add3A_1697 : vector<8x128xi32>
    %jit3A_1699 = arith.constant 0.000000e+00 : f32
    %broadcast_in_dim3A_1700 = vector.broadcast %jit3A_1699 : f32 to vector<8x128xf32>
    %select_n3A_1701 = arith.select %eq3A_1698, %get3A_1694, %broadcast_in_dim3A_1700 : vector<8x128xi1>, vector<8x128xf32>
    %add3A_1702 = arith.addf %add3A_1691, %select_n3A_1701 : vector<8x128xf32>
    %reduce_sum3A_1703 = arith.constant dense<0.000000e+00> : vector<128xf32>
    %reduce_sum3A_1704 = vector.multi_reduction <add>, %add3A_1702, %reduce_sum3A_1703 [0] : vector<8x128xf32> to vector<128xf32>
    %broadcast_in_dim3A_1705 = vector.shape_cast %reduce_sum3A_1704 : vector<128xf32> to vector<1x128xf32>
    %eq3A_1706 = arith.constant 0 : i32
    %eq3A_1707 = vector.broadcast %eq3A_1706 : i32 to vector<8x128xi32>
    %eq3A_1708 = arith.cmpi eq, %iota3A_3, %eq3A_1707 : vector<8x128xi32>
    %jit3A_1709 = arith.constant 0.000000e+00 : f32
    %broadcast_in_dim3A_1710 = vector.shape_cast %broadcast_in_dim3A_1705 : vector<1x128xf32> to vector<1x128xf32>
    %broadcast_in_dim3A_1711 = vector.broadcast %broadcast_in_dim3A_1710 : vector<1x128xf32> to vector<8x128xf32>
    %broadcast_in_dim3A_1712 = vector.broadcast %jit3A_1709 : f32 to vector<8x128xf32>
    %select_n3A_1713 = arith.select %eq3A_1708, %broadcast_in_dim3A_1711, %broadcast_in_dim3A_1712 : vector<8x128xi1>, vector<8x128xf32>
    %add3A_1714 = arith.addf %broadcast_in_dim3A_1524, %select_n3A_1713 : vector<8x128xf32>
    %broadcast_in_dim3A_1715 = arith.constant 0.000000e+00 : f32
    %broadcast_in_dim3A_1716 = vector.broadcast %broadcast_in_dim3A_1715 : f32 to vector<8x128xf32>
    %get3A_1717 = arith.constant 128 : index
    %get3A_1718 = arith.constant 0 : index
    %get3A_1719 = vector.load %arg3[%get3A_1717, %get3A_1718] : memref<1024x128xf32, #tpu.memory_space<vmem>>, vector<8x128xf32>
    %add3A_1720 = arith.constant 0 : i32
    %add3A_1721 = vector.broadcast %add3A_1720 : i32 to vector<8x128xi32>
    %add3A_1722 = arith.addi %add3A_1721, %iota3A_3 : vector<8x128xi32>
    %eq3A_1723 = arith.cmpi eq, %iota3A_4, %add3A_1722 : vector<8x128xi32>
    %jit3A_1724 = arith.constant 0.000000e+00 : f32
    %broadcast_in_dim3A_1725 = vector.broadcast %jit3A_1724 : f32 to vector<8x128xf32>
    %select_n3A_1726 = arith.select %eq3A_1723, %get3A_1719, %broadcast_in_dim3A_1725 : vector<8x128xi1>, vector<8x128xf32>
    %add3A_1727 = arith.addf %broadcast_in_dim3A_1716, %select_n3A_1726 : vector<8x128xf32>
    %get3A_1728 = arith.constant 136 : index
    %get3A_1729 = arith.constant 0 : index
    %get3A_1730 = vector.load %arg3[%get3A_1728, %get3A_1729] : memref<1024x128xf32, #tpu.memory_space<vmem>>, vector<8x128xf32>
    %add3A_1731 = arith.constant 8 : i32
    %add3A_1732 = vector.broadcast %add3A_1731 : i32 to vector<8x128xi32>
    %add3A_1733 = arith.addi %add3A_1732, %iota3A_3 : vector<8x128xi32>
    %eq3A_1734 = arith.cmpi eq, %iota3A_4, %add3A_1733 : vector<8x128xi32>
    %jit3A_1735 = arith.constant 0.000000e+00 : f32
    %broadcast_in_dim3A_1736 = vector.broadcast %jit3A_1735 : f32 to vector<8x128xf32>
    %select_n3A_1737 = arith.select %eq3A_1734, %get3A_1730, %broadcast_in_dim3A_1736 : vector<8x128xi1>, vector<8x128xf32>
    %add3A_1738 = arith.addf %add3A_1727, %select_n3A_1737 : vector<8x128xf32>
    %get3A_1739 = arith.constant 144 : index
    %get3A_1740 = arith.constant 0 : index
    %get3A_1741 = vector.load %arg3[%get3A_1739, %get3A_1740] : memref<1024x128xf32, #tpu.memory_space<vmem>>, vector<8x128xf32>
    %add3A_1742 = arith.constant 16 : i32
    %add3A_1743 = vector.broadcast %add3A_1742 : i32 to vector<8x128xi32>
    %add3A_1744 = arith.addi %add3A_1743, %iota3A_3 : vector<8x128xi32>
    %eq3A_1745 = arith.cmpi eq, %iota3A_4, %add3A_1744 : vector<8x128xi32>
    %jit3A_1746 = arith.constant 0.000000e+00 : f32
    %broadcast_in_dim3A_1747 = vector.broadcast %jit3A_1746 : f32 to vector<8x128xf32>
    %select_n3A_1748 = arith.select %eq3A_1745, %get3A_1741, %broadcast_in_dim3A_1747 : vector<8x128xi1>, vector<8x128xf32>
    %add3A_1749 = arith.addf %add3A_1738, %select_n3A_1748 : vector<8x128xf32>
    %get3A_1750 = arith.constant 152 : index
    %get3A_1751 = arith.constant 0 : index
    %get3A_1752 = vector.load %arg3[%get3A_1750, %get3A_1751] : memref<1024x128xf32, #tpu.memory_space<vmem>>, vector<8x128xf32>
    %add3A_1753 = arith.constant 24 : i32
    %add3A_1754 = vector.broadcast %add3A_1753 : i32 to vector<8x128xi32>
    %add3A_1755 = arith.addi %add3A_1754, %iota3A_3 : vector<8x128xi32>
    %eq3A_1756 = arith.cmpi eq, %iota3A_4, %add3A_1755 : vector<8x128xi32>
    %jit3A_1757 = arith.constant 0.000000e+00 : f32
    %broadcast_in_dim3A_1758 = vector.broadcast %jit3A_1757 : f32 to vector<8x128xf32>
    %select_n3A_1759 = arith.select %eq3A_1756, %get3A_1752, %broadcast_in_dim3A_1758 : vector<8x128xi1>, vector<8x128xf32>
    %add3A_1760 = arith.addf %add3A_1749, %select_n3A_1759 : vector<8x128xf32>
    %get3A_1761 = arith.constant 160 : index
    %get3A_1762 = arith.constant 0 : index
    %get3A_1763 = vector.load %arg3[%get3A_1761, %get3A_1762] : memref<1024x128xf32, #tpu.memory_space<vmem>>, vector<8x128xf32>
    %add3A_1764 = arith.constant 32 : i32
    %add3A_1765 = vector.broadcast %add3A_1764 : i32 to vector<8x128xi32>
    %add3A_1766 = arith.addi %add3A_1765, %iota3A_3 : vector<8x128xi32>
    %eq3A_1767 = arith.cmpi eq, %iota3A_4, %add3A_1766 : vector<8x128xi32>
    %jit3A_1768 = arith.constant 0.000000e+00 : f32
    %broadcast_in_dim3A_1769 = vector.broadcast %jit3A_1768 : f32 to vector<8x128xf32>
    %select_n3A_1770 = arith.select %eq3A_1767, %get3A_1763, %broadcast_in_dim3A_1769 : vector<8x128xi1>, vector<8x128xf32>
    %add3A_1771 = arith.addf %add3A_1760, %select_n3A_1770 : vector<8x128xf32>
    %get3A_1772 = arith.constant 168 : index
    %get3A_1773 = arith.constant 0 : index
    %get3A_1774 = vector.load %arg3[%get3A_1772, %get3A_1773] : memref<1024x128xf32, #tpu.memory_space<vmem>>, vector<8x128xf32>
    %add3A_1775 = arith.constant 40 : i32
    %add3A_1776 = vector.broadcast %add3A_1775 : i32 to vector<8x128xi32>
    %add3A_1777 = arith.addi %add3A_1776, %iota3A_3 : vector<8x128xi32>
    %eq3A_1778 = arith.cmpi eq, %iota3A_4, %add3A_1777 : vector<8x128xi32>
    %jit3A_1779 = arith.constant 0.000000e+00 : f32
    %broadcast_in_dim3A_1780 = vector.broadcast %jit3A_1779 : f32 to vector<8x128xf32>
    %select_n3A_1781 = arith.select %eq3A_1778, %get3A_1774, %broadcast_in_dim3A_1780 : vector<8x128xi1>, vector<8x128xf32>
    %add3A_1782 = arith.addf %add3A_1771, %select_n3A_1781 : vector<8x128xf32>
    %get3A_1783 = arith.constant 176 : index
    %get3A_1784 = arith.constant 0 : index
    %get3A_1785 = vector.load %arg3[%get3A_1783, %get3A_1784] : memref<1024x128xf32, #tpu.memory_space<vmem>>, vector<8x128xf32>
    %add3A_1786 = arith.constant 48 : i32
    %add3A_1787 = vector.broadcast %add3A_1786 : i32 to vector<8x128xi32>
    %add3A_1788 = arith.addi %add3A_1787, %iota3A_3 : vector<8x128xi32>
    %eq3A_1789 = arith.cmpi eq, %iota3A_4, %add3A_1788 : vector<8x128xi32>
    %jit3A_1790 = arith.constant 0.000000e+00 : f32
    %broadcast_in_dim3A_1791 = vector.broadcast %jit3A_1790 : f32 to vector<8x128xf32>
    %select_n3A_1792 = arith.select %eq3A_1789, %get3A_1785, %broadcast_in_dim3A_1791 : vector<8x128xi1>, vector<8x128xf32>
    %add3A_1793 = arith.addf %add3A_1782, %select_n3A_1792 : vector<8x128xf32>
    %get3A_1794 = arith.constant 184 : index
    %get3A_1795 = arith.constant 0 : index
    %get3A_1796 = vector.load %arg3[%get3A_1794, %get3A_1795] : memref<1024x128xf32, #tpu.memory_space<vmem>>, vector<8x128xf32>
    %add3A_1797 = arith.constant 56 : i32
    %add3A_1798 = vector.broadcast %add3A_1797 : i32 to vector<8x128xi32>
    %add3A_1799 = arith.addi %add3A_1798, %iota3A_3 : vector<8x128xi32>
    %eq3A_1800 = arith.cmpi eq, %iota3A_4, %add3A_1799 : vector<8x128xi32>
    %jit3A_1801 = arith.constant 0.000000e+00 : f32
    %broadcast_in_dim3A_1802 = vector.broadcast %jit3A_1801 : f32 to vector<8x128xf32>
    %select_n3A_1803 = arith.select %eq3A_1800, %get3A_1796, %broadcast_in_dim3A_1802 : vector<8x128xi1>, vector<8x128xf32>
    %add3A_1804 = arith.addf %add3A_1793, %select_n3A_1803 : vector<8x128xf32>
    %get3A_1805 = arith.constant 192 : index
    %get3A_1806 = arith.constant 0 : index
    %get3A_1807 = vector.load %arg3[%get3A_1805, %get3A_1806] : memref<1024x128xf32, #tpu.memory_space<vmem>>, vector<8x128xf32>
    %add3A_1808 = arith.constant 64 : i32
    %add3A_1809 = vector.broadcast %add3A_1808 : i32 to vector<8x128xi32>
    %add3A_1810 = arith.addi %add3A_1809, %iota3A_3 : vector<8x128xi32>
    %eq3A_1811 = arith.cmpi eq, %iota3A_4, %add3A_1810 : vector<8x128xi32>
    %jit3A_1812 = arith.constant 0.000000e+00 : f32
    %broadcast_in_dim3A_1813 = vector.broadcast %jit3A_1812 : f32 to vector<8x128xf32>
    %select_n3A_1814 = arith.select %eq3A_1811, %get3A_1807, %broadcast_in_dim3A_1813 : vector<8x128xi1>, vector<8x128xf32>
    %add3A_1815 = arith.addf %add3A_1804, %select_n3A_1814 : vector<8x128xf32>
    %get3A_1816 = arith.constant 200 : index
    %get3A_1817 = arith.constant 0 : index
    %get3A_1818 = vector.load %arg3[%get3A_1816, %get3A_1817] : memref<1024x128xf32, #tpu.memory_space<vmem>>, vector<8x128xf32>
    %add3A_1819 = arith.constant 72 : i32
    %add3A_1820 = vector.broadcast %add3A_1819 : i32 to vector<8x128xi32>
    %add3A_1821 = arith.addi %add3A_1820, %iota3A_3 : vector<8x128xi32>
    %eq3A_1822 = arith.cmpi eq, %iota3A_4, %add3A_1821 : vector<8x128xi32>
    %jit3A_1823 = arith.constant 0.000000e+00 : f32
    %broadcast_in_dim3A_1824 = vector.broadcast %jit3A_1823 : f32 to vector<8x128xf32>
    %select_n3A_1825 = arith.select %eq3A_1822, %get3A_1818, %broadcast_in_dim3A_1824 : vector<8x128xi1>, vector<8x128xf32>
    %add3A_1826 = arith.addf %add3A_1815, %select_n3A_1825 : vector<8x128xf32>
    %get3A_1827 = arith.constant 208 : index
    %get3A_1828 = arith.constant 0 : index
    %get3A_1829 = vector.load %arg3[%get3A_1827, %get3A_1828] : memref<1024x128xf32, #tpu.memory_space<vmem>>, vector<8x128xf32>
    %add3A_1830 = arith.constant 80 : i32
    %add3A_1831 = vector.broadcast %add3A_1830 : i32 to vector<8x128xi32>
    %add3A_1832 = arith.addi %add3A_1831, %iota3A_3 : vector<8x128xi32>
    %eq3A_1833 = arith.cmpi eq, %iota3A_4, %add3A_1832 : vector<8x128xi32>
    %jit3A_1834 = arith.constant 0.000000e+00 : f32
    %broadcast_in_dim3A_1835 = vector.broadcast %jit3A_1834 : f32 to vector<8x128xf32>
    %select_n3A_1836 = arith.select %eq3A_1833, %get3A_1829, %broadcast_in_dim3A_1835 : vector<8x128xi1>, vector<8x128xf32>
    %add3A_1837 = arith.addf %add3A_1826, %select_n3A_1836 : vector<8x128xf32>
    %get3A_1838 = arith.constant 216 : index
    %get3A_1839 = arith.constant 0 : index
    %get3A_1840 = vector.load %arg3[%get3A_1838, %get3A_1839] : memref<1024x128xf32, #tpu.memory_space<vmem>>, vector<8x128xf32>
    %add3A_1841 = arith.constant 88 : i32
    %add3A_1842 = vector.broadcast %add3A_1841 : i32 to vector<8x128xi32>
    %add3A_1843 = arith.addi %add3A_1842, %iota3A_3 : vector<8x128xi32>
    %eq3A_1844 = arith.cmpi eq, %iota3A_4, %add3A_1843 : vector<8x128xi32>
    %jit3A_1845 = arith.constant 0.000000e+00 : f32
    %broadcast_in_dim3A_1846 = vector.broadcast %jit3A_1845 : f32 to vector<8x128xf32>
    %select_n3A_1847 = arith.select %eq3A_1844, %get3A_1840, %broadcast_in_dim3A_1846 : vector<8x128xi1>, vector<8x128xf32>
    %add3A_1848 = arith.addf %add3A_1837, %select_n3A_1847 : vector<8x128xf32>
    %get3A_1849 = arith.constant 224 : index
    %get3A_1850 = arith.constant 0 : index
    %get3A_1851 = vector.load %arg3[%get3A_1849, %get3A_1850] : memref<1024x128xf32, #tpu.memory_space<vmem>>, vector<8x128xf32>
    %add3A_1852 = arith.constant 96 : i32
    %add3A_1853 = vector.broadcast %add3A_1852 : i32 to vector<8x128xi32>
    %add3A_1854 = arith.addi %add3A_1853, %iota3A_3 : vector<8x128xi32>
    %eq3A_1855 = arith.cmpi eq, %iota3A_4, %add3A_1854 : vector<8x128xi32>
    %jit3A_1856 = arith.constant 0.000000e+00 : f32
    %broadcast_in_dim3A_1857 = vector.broadcast %jit3A_1856 : f32 to vector<8x128xf32>
    %select_n3A_1858 = arith.select %eq3A_1855, %get3A_1851, %broadcast_in_dim3A_1857 : vector<8x128xi1>, vector<8x128xf32>
    %add3A_1859 = arith.addf %add3A_1848, %select_n3A_1858 : vector<8x128xf32>
    %get3A_1860 = arith.constant 232 : index
    %get3A_1861 = arith.constant 0 : index
    %get3A_1862 = vector.load %arg3[%get3A_1860, %get3A_1861] : memref<1024x128xf32, #tpu.memory_space<vmem>>, vector<8x128xf32>
    %add3A_1863 = arith.constant 104 : i32
    %add3A_1864 = vector.broadcast %add3A_1863 : i32 to vector<8x128xi32>
    %add3A_1865 = arith.addi %add3A_1864, %iota3A_3 : vector<8x128xi32>
    %eq3A_1866 = arith.cmpi eq, %iota3A_4, %add3A_1865 : vector<8x128xi32>
    %jit3A_1867 = arith.constant 0.000000e+00 : f32
    %broadcast_in_dim3A_1868 = vector.broadcast %jit3A_1867 : f32 to vector<8x128xf32>
    %select_n3A_1869 = arith.select %eq3A_1866, %get3A_1862, %broadcast_in_dim3A_1868 : vector<8x128xi1>, vector<8x128xf32>
    %add3A_1870 = arith.addf %add3A_1859, %select_n3A_1869 : vector<8x128xf32>
    %get3A_1871 = arith.constant 240 : index
    %get3A_1872 = arith.constant 0 : index
    %get3A_1873 = vector.load %arg3[%get3A_1871, %get3A_1872] : memref<1024x128xf32, #tpu.memory_space<vmem>>, vector<8x128xf32>
    %add3A_1874 = arith.constant 112 : i32
    %add3A_1875 = vector.broadcast %add3A_1874 : i32 to vector<8x128xi32>
    %add3A_1876 = arith.addi %add3A_1875, %iota3A_3 : vector<8x128xi32>
    %eq3A_1877 = arith.cmpi eq, %iota3A_4, %add3A_1876 : vector<8x128xi32>
    %jit3A_1878 = arith.constant 0.000000e+00 : f32
    %broadcast_in_dim3A_1879 = vector.broadcast %jit3A_1878 : f32 to vector<8x128xf32>
    %select_n3A_1880 = arith.select %eq3A_1877, %get3A_1873, %broadcast_in_dim3A_1879 : vector<8x128xi1>, vector<8x128xf32>
    %add3A_1881 = arith.addf %add3A_1870, %select_n3A_1880 : vector<8x128xf32>
    %get3A_1882 = arith.constant 248 : index
    %get3A_1883 = arith.constant 0 : index
    %get3A_1884 = vector.load %arg3[%get3A_1882, %get3A_1883] : memref<1024x128xf32, #tpu.memory_space<vmem>>, vector<8x128xf32>
    %add3A_1885 = arith.constant 120 : i32
    %add3A_1886 = vector.broadcast %add3A_1885 : i32 to vector<8x128xi32>
    %add3A_1887 = arith.addi %add3A_1886, %iota3A_3 : vector<8x128xi32>
    %eq3A_1888 = arith.cmpi eq, %iota3A_4, %add3A_1887 : vector<8x128xi32>
    %jit3A_1889 = arith.constant 0.000000e+00 : f32
    %broadcast_in_dim3A_1890 = vector.broadcast %jit3A_1889 : f32 to vector<8x128xf32>
    %select_n3A_1891 = arith.select %eq3A_1888, %get3A_1884, %broadcast_in_dim3A_1890 : vector<8x128xi1>, vector<8x128xf32>
    %add3A_1892 = arith.addf %add3A_1881, %select_n3A_1891 : vector<8x128xf32>
    %reduce_sum3A_1893 = arith.constant dense<0.000000e+00> : vector<128xf32>
    %reduce_sum3A_1894 = vector.multi_reduction <add>, %add3A_1892, %reduce_sum3A_1893 [0] : vector<8x128xf32> to vector<128xf32>
    %broadcast_in_dim3A_1895 = vector.shape_cast %reduce_sum3A_1894 : vector<128xf32> to vector<1x128xf32>
    %eq3A_1896 = arith.constant 1 : i32
    %eq3A_1897 = vector.broadcast %eq3A_1896 : i32 to vector<8x128xi32>
    %eq3A_1898 = arith.cmpi eq, %iota3A_3, %eq3A_1897 : vector<8x128xi32>
    %jit3A_1899 = arith.constant 0.000000e+00 : f32
    %broadcast_in_dim3A_1900 = vector.shape_cast %broadcast_in_dim3A_1895 : vector<1x128xf32> to vector<1x128xf32>
    %broadcast_in_dim3A_1901 = vector.broadcast %broadcast_in_dim3A_1900 : vector<1x128xf32> to vector<8x128xf32>
    %broadcast_in_dim3A_1902 = vector.broadcast %jit3A_1899 : f32 to vector<8x128xf32>
    %select_n3A_1903 = arith.select %eq3A_1898, %broadcast_in_dim3A_1901, %broadcast_in_dim3A_1902 : vector<8x128xi1>, vector<8x128xf32>
    %add3A_1904 = arith.addf %add3A_1714, %select_n3A_1903 : vector<8x128xf32>
    %broadcast_in_dim3A_1905 = arith.constant 0.000000e+00 : f32
    %broadcast_in_dim3A_1906 = vector.broadcast %broadcast_in_dim3A_1905 : f32 to vector<8x128xf32>
    %get3A_1907 = arith.constant 256 : index
    %get3A_1908 = arith.constant 0 : index
    %get3A_1909 = vector.load %arg3[%get3A_1907, %get3A_1908] : memref<1024x128xf32, #tpu.memory_space<vmem>>, vector<8x128xf32>
    %add3A_1910 = arith.constant 0 : i32
    %add3A_1911 = vector.broadcast %add3A_1910 : i32 to vector<8x128xi32>
    %add3A_1912 = arith.addi %add3A_1911, %iota3A_3 : vector<8x128xi32>
    %eq3A_1913 = arith.cmpi eq, %iota3A_4, %add3A_1912 : vector<8x128xi32>
    %jit3A_1914 = arith.constant 0.000000e+00 : f32
    %broadcast_in_dim3A_1915 = vector.broadcast %jit3A_1914 : f32 to vector<8x128xf32>
    %select_n3A_1916 = arith.select %eq3A_1913, %get3A_1909, %broadcast_in_dim3A_1915 : vector<8x128xi1>, vector<8x128xf32>
    %add3A_1917 = arith.addf %broadcast_in_dim3A_1906, %select_n3A_1916 : vector<8x128xf32>
    %get3A_1918 = arith.constant 264 : index
    %get3A_1919 = arith.constant 0 : index
    %get3A_1920 = vector.load %arg3[%get3A_1918, %get3A_1919] : memref<1024x128xf32, #tpu.memory_space<vmem>>, vector<8x128xf32>
    %add3A_1921 = arith.constant 8 : i32
    %add3A_1922 = vector.broadcast %add3A_1921 : i32 to vector<8x128xi32>
    %add3A_1923 = arith.addi %add3A_1922, %iota3A_3 : vector<8x128xi32>
    %eq3A_1924 = arith.cmpi eq, %iota3A_4, %add3A_1923 : vector<8x128xi32>
    %jit3A_1925 = arith.constant 0.000000e+00 : f32
    %broadcast_in_dim3A_1926 = vector.broadcast %jit3A_1925 : f32 to vector<8x128xf32>
    %select_n3A_1927 = arith.select %eq3A_1924, %get3A_1920, %broadcast_in_dim3A_1926 : vector<8x128xi1>, vector<8x128xf32>
    %add3A_1928 = arith.addf %add3A_1917, %select_n3A_1927 : vector<8x128xf32>
    %get3A_1929 = arith.constant 272 : index
    %get3A_1930 = arith.constant 0 : index
    %get3A_1931 = vector.load %arg3[%get3A_1929, %get3A_1930] : memref<1024x128xf32, #tpu.memory_space<vmem>>, vector<8x128xf32>
    %add3A_1932 = arith.constant 16 : i32
    %add3A_1933 = vector.broadcast %add3A_1932 : i32 to vector<8x128xi32>
    %add3A_1934 = arith.addi %add3A_1933, %iota3A_3 : vector<8x128xi32>
    %eq3A_1935 = arith.cmpi eq, %iota3A_4, %add3A_1934 : vector<8x128xi32>
    %jit3A_1936 = arith.constant 0.000000e+00 : f32
    %broadcast_in_dim3A_1937 = vector.broadcast %jit3A_1936 : f32 to vector<8x128xf32>
    %select_n3A_1938 = arith.select %eq3A_1935, %get3A_1931, %broadcast_in_dim3A_1937 : vector<8x128xi1>, vector<8x128xf32>
    %add3A_1939 = arith.addf %add3A_1928, %select_n3A_1938 : vector<8x128xf32>
    %get3A_1940 = arith.constant 280 : index
    %get3A_1941 = arith.constant 0 : index
    %get3A_1942 = vector.load %arg3[%get3A_1940, %get3A_1941] : memref<1024x128xf32, #tpu.memory_space<vmem>>, vector<8x128xf32>
    %add3A_1943 = arith.constant 24 : i32
    %add3A_1944 = vector.broadcast %add3A_1943 : i32 to vector<8x128xi32>
    %add3A_1945 = arith.addi %add3A_1944, %iota3A_3 : vector<8x128xi32>
    %eq3A_1946 = arith.cmpi eq, %iota3A_4, %add3A_1945 : vector<8x128xi32>
    %jit3A_1947 = arith.constant 0.000000e+00 : f32
    %broadcast_in_dim3A_1948 = vector.broadcast %jit3A_1947 : f32 to vector<8x128xf32>
    %select_n3A_1949 = arith.select %eq3A_1946, %get3A_1942, %broadcast_in_dim3A_1948 : vector<8x128xi1>, vector<8x128xf32>
    %add3A_1950 = arith.addf %add3A_1939, %select_n3A_1949 : vector<8x128xf32>
    %get3A_1951 = arith.constant 288 : index
    %get3A_1952 = arith.constant 0 : index
    %get3A_1953 = vector.load %arg3[%get3A_1951, %get3A_1952] : memref<1024x128xf32, #tpu.memory_space<vmem>>, vector<8x128xf32>
    %add3A_1954 = arith.constant 32 : i32
    %add3A_1955 = vector.broadcast %add3A_1954 : i32 to vector<8x128xi32>
    %add3A_1956 = arith.addi %add3A_1955, %iota3A_3 : vector<8x128xi32>
    %eq3A_1957 = arith.cmpi eq, %iota3A_4, %add3A_1956 : vector<8x128xi32>
    %jit3A_1958 = arith.constant 0.000000e+00 : f32
    %broadcast_in_dim3A_1959 = vector.broadcast %jit3A_1958 : f32 to vector<8x128xf32>
    %select_n3A_1960 = arith.select %eq3A_1957, %get3A_1953, %broadcast_in_dim3A_1959 : vector<8x128xi1>, vector<8x128xf32>
    %add3A_1961 = arith.addf %add3A_1950, %select_n3A_1960 : vector<8x128xf32>
    %get3A_1962 = arith.constant 296 : index
    %get3A_1963 = arith.constant 0 : index
    %get3A_1964 = vector.load %arg3[%get3A_1962, %get3A_1963] : memref<1024x128xf32, #tpu.memory_space<vmem>>, vector<8x128xf32>
    %add3A_1965 = arith.constant 40 : i32
    %add3A_1966 = vector.broadcast %add3A_1965 : i32 to vector<8x128xi32>
    %add3A_1967 = arith.addi %add3A_1966, %iota3A_3 : vector<8x128xi32>
    %eq3A_1968 = arith.cmpi eq, %iota3A_4, %add3A_1967 : vector<8x128xi32>
    %jit3A_1969 = arith.constant 0.000000e+00 : f32
    %broadcast_in_dim3A_1970 = vector.broadcast %jit3A_1969 : f32 to vector<8x128xf32>
    %select_n3A_1971 = arith.select %eq3A_1968, %get3A_1964, %broadcast_in_dim3A_1970 : vector<8x128xi1>, vector<8x128xf32>
    %add3A_1972 = arith.addf %add3A_1961, %select_n3A_1971 : vector<8x128xf32>
    %get3A_1973 = arith.constant 304 : index
    %get3A_1974 = arith.constant 0 : index
    %get3A_1975 = vector.load %arg3[%get3A_1973, %get3A_1974] : memref<1024x128xf32, #tpu.memory_space<vmem>>, vector<8x128xf32>
    %add3A_1976 = arith.constant 48 : i32
    %add3A_1977 = vector.broadcast %add3A_1976 : i32 to vector<8x128xi32>
    %add3A_1978 = arith.addi %add3A_1977, %iota3A_3 : vector<8x128xi32>
    %eq3A_1979 = arith.cmpi eq, %iota3A_4, %add3A_1978 : vector<8x128xi32>
    %jit3A_1980 = arith.constant 0.000000e+00 : f32
    %broadcast_in_dim3A_1981 = vector.broadcast %jit3A_1980 : f32 to vector<8x128xf32>
    %select_n3A_1982 = arith.select %eq3A_1979, %get3A_1975, %broadcast_in_dim3A_1981 : vector<8x128xi1>, vector<8x128xf32>
    %add3A_1983 = arith.addf %add3A_1972, %select_n3A_1982 : vector<8x128xf32>
    %get3A_1984 = arith.constant 312 : index
    %get3A_1985 = arith.constant 0 : index
    %get3A_1986 = vector.load %arg3[%get3A_1984, %get3A_1985] : memref<1024x128xf32, #tpu.memory_space<vmem>>, vector<8x128xf32>
    %add3A_1987 = arith.constant 56 : i32
    %add3A_1988 = vector.broadcast %add3A_1987 : i32 to vector<8x128xi32>
    %add3A_1989 = arith.addi %add3A_1988, %iota3A_3 : vector<8x128xi32>
    %eq3A_1990 = arith.cmpi eq, %iota3A_4, %add3A_1989 : vector<8x128xi32>
    %jit3A_1991 = arith.constant 0.000000e+00 : f32
    %broadcast_in_dim3A_1992 = vector.broadcast %jit3A_1991 : f32 to vector<8x128xf32>
    %select_n3A_1993 = arith.select %eq3A_1990, %get3A_1986, %broadcast_in_dim3A_1992 : vector<8x128xi1>, vector<8x128xf32>
    %add3A_1994 = arith.addf %add3A_1983, %select_n3A_1993 : vector<8x128xf32>
    %get3A_1995 = arith.constant 320 : index
    %get3A_1996 = arith.constant 0 : index
    %get3A_1997 = vector.load %arg3[%get3A_1995, %get3A_1996] : memref<1024x128xf32, #tpu.memory_space<vmem>>, vector<8x128xf32>
    %add3A_1998 = arith.constant 64 : i32
    %add3A_1999 = vector.broadcast %add3A_1998 : i32 to vector<8x128xi32>
    %add3A_2000 = arith.addi %add3A_1999, %iota3A_3 : vector<8x128xi32>
    %eq3A_2001 = arith.cmpi eq, %iota3A_4, %add3A_2000 : vector<8x128xi32>
    %jit3A_2002 = arith.constant 0.000000e+00 : f32
    %broadcast_in_dim3A_2003 = vector.broadcast %jit3A_2002 : f32 to vector<8x128xf32>
    %select_n3A_2004 = arith.select %eq3A_2001, %get3A_1997, %broadcast_in_dim3A_2003 : vector<8x128xi1>, vector<8x128xf32>
    %add3A_2005 = arith.addf %add3A_1994, %select_n3A_2004 : vector<8x128xf32>
    %get3A_2006 = arith.constant 328 : index
    %get3A_2007 = arith.constant 0 : index
    %get3A_2008 = vector.load %arg3[%get3A_2006, %get3A_2007] : memref<1024x128xf32, #tpu.memory_space<vmem>>, vector<8x128xf32>
    %add3A_2009 = arith.constant 72 : i32
    %add3A_2010 = vector.broadcast %add3A_2009 : i32 to vector<8x128xi32>
    %add3A_2011 = arith.addi %add3A_2010, %iota3A_3 : vector<8x128xi32>
    %eq3A_2012 = arith.cmpi eq, %iota3A_4, %add3A_2011 : vector<8x128xi32>
    %jit3A_2013 = arith.constant 0.000000e+00 : f32
    %broadcast_in_dim3A_2014 = vector.broadcast %jit3A_2013 : f32 to vector<8x128xf32>
    %select_n3A_2015 = arith.select %eq3A_2012, %get3A_2008, %broadcast_in_dim3A_2014 : vector<8x128xi1>, vector<8x128xf32>
    %add3A_2016 = arith.addf %add3A_2005, %select_n3A_2015 : vector<8x128xf32>
    %get3A_2017 = arith.constant 336 : index
    %get3A_2018 = arith.constant 0 : index
    %get3A_2019 = vector.load %arg3[%get3A_2017, %get3A_2018] : memref<1024x128xf32, #tpu.memory_space<vmem>>, vector<8x128xf32>
    %add3A_2020 = arith.constant 80 : i32
    %add3A_2021 = vector.broadcast %add3A_2020 : i32 to vector<8x128xi32>
    %add3A_2022 = arith.addi %add3A_2021, %iota3A_3 : vector<8x128xi32>
    %eq3A_2023 = arith.cmpi eq, %iota3A_4, %add3A_2022 : vector<8x128xi32>
    %jit3A_2024 = arith.constant 0.000000e+00 : f32
    %broadcast_in_dim3A_2025 = vector.broadcast %jit3A_2024 : f32 to vector<8x128xf32>
    %select_n3A_2026 = arith.select %eq3A_2023, %get3A_2019, %broadcast_in_dim3A_2025 : vector<8x128xi1>, vector<8x128xf32>
    %add3A_2027 = arith.addf %add3A_2016, %select_n3A_2026 : vector<8x128xf32>
    %get3A_2028 = arith.constant 344 : index
    %get3A_2029 = arith.constant 0 : index
    %get3A_2030 = vector.load %arg3[%get3A_2028, %get3A_2029] : memref<1024x128xf32, #tpu.memory_space<vmem>>, vector<8x128xf32>
    %add3A_2031 = arith.constant 88 : i32
    %add3A_2032 = vector.broadcast %add3A_2031 : i32 to vector<8x128xi32>
    %add3A_2033 = arith.addi %add3A_2032, %iota3A_3 : vector<8x128xi32>
    %eq3A_2034 = arith.cmpi eq, %iota3A_4, %add3A_2033 : vector<8x128xi32>
    %jit3A_2035 = arith.constant 0.000000e+00 : f32
    %broadcast_in_dim3A_2036 = vector.broadcast %jit3A_2035 : f32 to vector<8x128xf32>
    %select_n3A_2037 = arith.select %eq3A_2034, %get3A_2030, %broadcast_in_dim3A_2036 : vector<8x128xi1>, vector<8x128xf32>
    %add3A_2038 = arith.addf %add3A_2027, %select_n3A_2037 : vector<8x128xf32>
    %get3A_2039 = arith.constant 352 : index
    %get3A_2040 = arith.constant 0 : index
    %get3A_2041 = vector.load %arg3[%get3A_2039, %get3A_2040] : memref<1024x128xf32, #tpu.memory_space<vmem>>, vector<8x128xf32>
    %add3A_2042 = arith.constant 96 : i32
    %add3A_2043 = vector.broadcast %add3A_2042 : i32 to vector<8x128xi32>
    %add3A_2044 = arith.addi %add3A_2043, %iota3A_3 : vector<8x128xi32>
    %eq3A_2045 = arith.cmpi eq, %iota3A_4, %add3A_2044 : vector<8x128xi32>
    %jit3A_2046 = arith.constant 0.000000e+00 : f32
    %broadcast_in_dim3A_2047 = vector.broadcast %jit3A_2046 : f32 to vector<8x128xf32>
    %select_n3A_2048 = arith.select %eq3A_2045, %get3A_2041, %broadcast_in_dim3A_2047 : vector<8x128xi1>, vector<8x128xf32>
    %add3A_2049 = arith.addf %add3A_2038, %select_n3A_2048 : vector<8x128xf32>
    %get3A_2050 = arith.constant 360 : index
    %get3A_2051 = arith.constant 0 : index
    %get3A_2052 = vector.load %arg3[%get3A_2050, %get3A_2051] : memref<1024x128xf32, #tpu.memory_space<vmem>>, vector<8x128xf32>
    %add3A_2053 = arith.constant 104 : i32
    %add3A_2054 = vector.broadcast %add3A_2053 : i32 to vector<8x128xi32>
    %add3A_2055 = arith.addi %add3A_2054, %iota3A_3 : vector<8x128xi32>
    %eq3A_2056 = arith.cmpi eq, %iota3A_4, %add3A_2055 : vector<8x128xi32>
    %jit3A_2057 = arith.constant 0.000000e+00 : f32
    %broadcast_in_dim3A_2058 = vector.broadcast %jit3A_2057 : f32 to vector<8x128xf32>
    %select_n3A_2059 = arith.select %eq3A_2056, %get3A_2052, %broadcast_in_dim3A_2058 : vector<8x128xi1>, vector<8x128xf32>
    %add3A_2060 = arith.addf %add3A_2049, %select_n3A_2059 : vector<8x128xf32>
    %get3A_2061 = arith.constant 368 : index
    %get3A_2062 = arith.constant 0 : index
    %get3A_2063 = vector.load %arg3[%get3A_2061, %get3A_2062] : memref<1024x128xf32, #tpu.memory_space<vmem>>, vector<8x128xf32>
    %add3A_2064 = arith.constant 112 : i32
    %add3A_2065 = vector.broadcast %add3A_2064 : i32 to vector<8x128xi32>
    %add3A_2066 = arith.addi %add3A_2065, %iota3A_3 : vector<8x128xi32>
    %eq3A_2067 = arith.cmpi eq, %iota3A_4, %add3A_2066 : vector<8x128xi32>
    %jit3A_2068 = arith.constant 0.000000e+00 : f32
    %broadcast_in_dim3A_2069 = vector.broadcast %jit3A_2068 : f32 to vector<8x128xf32>
    %select_n3A_2070 = arith.select %eq3A_2067, %get3A_2063, %broadcast_in_dim3A_2069 : vector<8x128xi1>, vector<8x128xf32>
    %add3A_2071 = arith.addf %add3A_2060, %select_n3A_2070 : vector<8x128xf32>
    %get3A_2072 = arith.constant 376 : index
    %get3A_2073 = arith.constant 0 : index
    %get3A_2074 = vector.load %arg3[%get3A_2072, %get3A_2073] : memref<1024x128xf32, #tpu.memory_space<vmem>>, vector<8x128xf32>
    %add3A_2075 = arith.constant 120 : i32
    %add3A_2076 = vector.broadcast %add3A_2075 : i32 to vector<8x128xi32>
    %add3A_2077 = arith.addi %add3A_2076, %iota3A_3 : vector<8x128xi32>
    %eq3A_2078 = arith.cmpi eq, %iota3A_4, %add3A_2077 : vector<8x128xi32>
    %jit3A_2079 = arith.constant 0.000000e+00 : f32
    %broadcast_in_dim3A_2080 = vector.broadcast %jit3A_2079 : f32 to vector<8x128xf32>
    %select_n3A_2081 = arith.select %eq3A_2078, %get3A_2074, %broadcast_in_dim3A_2080 : vector<8x128xi1>, vector<8x128xf32>
    %add3A_2082 = arith.addf %add3A_2071, %select_n3A_2081 : vector<8x128xf32>
    %reduce_sum3A_2083 = arith.constant dense<0.000000e+00> : vector<128xf32>
    %reduce_sum3A_2084 = vector.multi_reduction <add>, %add3A_2082, %reduce_sum3A_2083 [0] : vector<8x128xf32> to vector<128xf32>
    %broadcast_in_dim3A_2085 = vector.shape_cast %reduce_sum3A_2084 : vector<128xf32> to vector<1x128xf32>
    %eq3A_2086 = arith.constant 2 : i32
    %eq3A_2087 = vector.broadcast %eq3A_2086 : i32 to vector<8x128xi32>
    %eq3A_2088 = arith.cmpi eq, %iota3A_3, %eq3A_2087 : vector<8x128xi32>
    %jit3A_2089 = arith.constant 0.000000e+00 : f32
    %broadcast_in_dim3A_2090 = vector.shape_cast %broadcast_in_dim3A_2085 : vector<1x128xf32> to vector<1x128xf32>
    %broadcast_in_dim3A_2091 = vector.broadcast %broadcast_in_dim3A_2090 : vector<1x128xf32> to vector<8x128xf32>
    %broadcast_in_dim3A_2092 = vector.broadcast %jit3A_2089 : f32 to vector<8x128xf32>
    %select_n3A_2093 = arith.select %eq3A_2088, %broadcast_in_dim3A_2091, %broadcast_in_dim3A_2092 : vector<8x128xi1>, vector<8x128xf32>
    %add3A_2094 = arith.addf %add3A_1904, %select_n3A_2093 : vector<8x128xf32>
    %broadcast_in_dim3A_2095 = arith.constant 0.000000e+00 : f32
    %broadcast_in_dim3A_2096 = vector.broadcast %broadcast_in_dim3A_2095 : f32 to vector<8x128xf32>
    %get3A_2097 = arith.constant 384 : index
    %get3A_2098 = arith.constant 0 : index
    %get3A_2099 = vector.load %arg3[%get3A_2097, %get3A_2098] : memref<1024x128xf32, #tpu.memory_space<vmem>>, vector<8x128xf32>
    %add3A_2100 = arith.constant 0 : i32
    %add3A_2101 = vector.broadcast %add3A_2100 : i32 to vector<8x128xi32>
    %add3A_2102 = arith.addi %add3A_2101, %iota3A_3 : vector<8x128xi32>
    %eq3A_2103 = arith.cmpi eq, %iota3A_4, %add3A_2102 : vector<8x128xi32>
    %jit3A_2104 = arith.constant 0.000000e+00 : f32
    %broadcast_in_dim3A_2105 = vector.broadcast %jit3A_2104 : f32 to vector<8x128xf32>
    %select_n3A_2106 = arith.select %eq3A_2103, %get3A_2099, %broadcast_in_dim3A_2105 : vector<8x128xi1>, vector<8x128xf32>
    %add3A_2107 = arith.addf %broadcast_in_dim3A_2096, %select_n3A_2106 : vector<8x128xf32>
    %get3A_2108 = arith.constant 392 : index
    %get3A_2109 = arith.constant 0 : index
    %get3A_2110 = vector.load %arg3[%get3A_2108, %get3A_2109] : memref<1024x128xf32, #tpu.memory_space<vmem>>, vector<8x128xf32>
    %add3A_2111 = arith.constant 8 : i32
    %add3A_2112 = vector.broadcast %add3A_2111 : i32 to vector<8x128xi32>
    %add3A_2113 = arith.addi %add3A_2112, %iota3A_3 : vector<8x128xi32>
    %eq3A_2114 = arith.cmpi eq, %iota3A_4, %add3A_2113 : vector<8x128xi32>
    %jit3A_2115 = arith.constant 0.000000e+00 : f32
    %broadcast_in_dim3A_2116 = vector.broadcast %jit3A_2115 : f32 to vector<8x128xf32>
    %select_n3A_2117 = arith.select %eq3A_2114, %get3A_2110, %broadcast_in_dim3A_2116 : vector<8x128xi1>, vector<8x128xf32>
    %add3A_2118 = arith.addf %add3A_2107, %select_n3A_2117 : vector<8x128xf32>
    %get3A_2119 = arith.constant 400 : index
    %get3A_2120 = arith.constant 0 : index
    %get3A_2121 = vector.load %arg3[%get3A_2119, %get3A_2120] : memref<1024x128xf32, #tpu.memory_space<vmem>>, vector<8x128xf32>
    %add3A_2122 = arith.constant 16 : i32
    %add3A_2123 = vector.broadcast %add3A_2122 : i32 to vector<8x128xi32>
    %add3A_2124 = arith.addi %add3A_2123, %iota3A_3 : vector<8x128xi32>
    %eq3A_2125 = arith.cmpi eq, %iota3A_4, %add3A_2124 : vector<8x128xi32>
    %jit3A_2126 = arith.constant 0.000000e+00 : f32
    %broadcast_in_dim3A_2127 = vector.broadcast %jit3A_2126 : f32 to vector<8x128xf32>
    %select_n3A_2128 = arith.select %eq3A_2125, %get3A_2121, %broadcast_in_dim3A_2127 : vector<8x128xi1>, vector<8x128xf32>
    %add3A_2129 = arith.addf %add3A_2118, %select_n3A_2128 : vector<8x128xf32>
    %get3A_2130 = arith.constant 408 : index
    %get3A_2131 = arith.constant 0 : index
    %get3A_2132 = vector.load %arg3[%get3A_2130, %get3A_2131] : memref<1024x128xf32, #tpu.memory_space<vmem>>, vector<8x128xf32>
    %add3A_2133 = arith.constant 24 : i32
    %add3A_2134 = vector.broadcast %add3A_2133 : i32 to vector<8x128xi32>
    %add3A_2135 = arith.addi %add3A_2134, %iota3A_3 : vector<8x128xi32>
    %eq3A_2136 = arith.cmpi eq, %iota3A_4, %add3A_2135 : vector<8x128xi32>
    %jit3A_2137 = arith.constant 0.000000e+00 : f32
    %broadcast_in_dim3A_2138 = vector.broadcast %jit3A_2137 : f32 to vector<8x128xf32>
    %select_n3A_2139 = arith.select %eq3A_2136, %get3A_2132, %broadcast_in_dim3A_2138 : vector<8x128xi1>, vector<8x128xf32>
    %add3A_2140 = arith.addf %add3A_2129, %select_n3A_2139 : vector<8x128xf32>
    %get3A_2141 = arith.constant 416 : index
    %get3A_2142 = arith.constant 0 : index
    %get3A_2143 = vector.load %arg3[%get3A_2141, %get3A_2142] : memref<1024x128xf32, #tpu.memory_space<vmem>>, vector<8x128xf32>
    %add3A_2144 = arith.constant 32 : i32
    %add3A_2145 = vector.broadcast %add3A_2144 : i32 to vector<8x128xi32>
    %add3A_2146 = arith.addi %add3A_2145, %iota3A_3 : vector<8x128xi32>
    %eq3A_2147 = arith.cmpi eq, %iota3A_4, %add3A_2146 : vector<8x128xi32>
    %jit3A_2148 = arith.constant 0.000000e+00 : f32
    %broadcast_in_dim3A_2149 = vector.broadcast %jit3A_2148 : f32 to vector<8x128xf32>
    %select_n3A_2150 = arith.select %eq3A_2147, %get3A_2143, %broadcast_in_dim3A_2149 : vector<8x128xi1>, vector<8x128xf32>
    %add3A_2151 = arith.addf %add3A_2140, %select_n3A_2150 : vector<8x128xf32>
    %get3A_2152 = arith.constant 424 : index
    %get3A_2153 = arith.constant 0 : index
    %get3A_2154 = vector.load %arg3[%get3A_2152, %get3A_2153] : memref<1024x128xf32, #tpu.memory_space<vmem>>, vector<8x128xf32>
    %add3A_2155 = arith.constant 40 : i32
    %add3A_2156 = vector.broadcast %add3A_2155 : i32 to vector<8x128xi32>
    %add3A_2157 = arith.addi %add3A_2156, %iota3A_3 : vector<8x128xi32>
    %eq3A_2158 = arith.cmpi eq, %iota3A_4, %add3A_2157 : vector<8x128xi32>
    %jit3A_2159 = arith.constant 0.000000e+00 : f32
    %broadcast_in_dim3A_2160 = vector.broadcast %jit3A_2159 : f32 to vector<8x128xf32>
    %select_n3A_2161 = arith.select %eq3A_2158, %get3A_2154, %broadcast_in_dim3A_2160 : vector<8x128xi1>, vector<8x128xf32>
    %add3A_2162 = arith.addf %add3A_2151, %select_n3A_2161 : vector<8x128xf32>
    %get3A_2163 = arith.constant 432 : index
    %get3A_2164 = arith.constant 0 : index
    %get3A_2165 = vector.load %arg3[%get3A_2163, %get3A_2164] : memref<1024x128xf32, #tpu.memory_space<vmem>>, vector<8x128xf32>
    %add3A_2166 = arith.constant 48 : i32
    %add3A_2167 = vector.broadcast %add3A_2166 : i32 to vector<8x128xi32>
    %add3A_2168 = arith.addi %add3A_2167, %iota3A_3 : vector<8x128xi32>
    %eq3A_2169 = arith.cmpi eq, %iota3A_4, %add3A_2168 : vector<8x128xi32>
    %jit3A_2170 = arith.constant 0.000000e+00 : f32
    %broadcast_in_dim3A_2171 = vector.broadcast %jit3A_2170 : f32 to vector<8x128xf32>
    %select_n3A_2172 = arith.select %eq3A_2169, %get3A_2165, %broadcast_in_dim3A_2171 : vector<8x128xi1>, vector<8x128xf32>
    %add3A_2173 = arith.addf %add3A_2162, %select_n3A_2172 : vector<8x128xf32>
    %get3A_2174 = arith.constant 440 : index
    %get3A_2175 = arith.constant 0 : index
    %get3A_2176 = vector.load %arg3[%get3A_2174, %get3A_2175] : memref<1024x128xf32, #tpu.memory_space<vmem>>, vector<8x128xf32>
    %add3A_2177 = arith.constant 56 : i32
    %add3A_2178 = vector.broadcast %add3A_2177 : i32 to vector<8x128xi32>
    %add3A_2179 = arith.addi %add3A_2178, %iota3A_3 : vector<8x128xi32>
    %eq3A_2180 = arith.cmpi eq, %iota3A_4, %add3A_2179 : vector<8x128xi32>
    %jit3A_2181 = arith.constant 0.000000e+00 : f32
    %broadcast_in_dim3A_2182 = vector.broadcast %jit3A_2181 : f32 to vector<8x128xf32>
    %select_n3A_2183 = arith.select %eq3A_2180, %get3A_2176, %broadcast_in_dim3A_2182 : vector<8x128xi1>, vector<8x128xf32>
    %add3A_2184 = arith.addf %add3A_2173, %select_n3A_2183 : vector<8x128xf32>
    %get3A_2185 = arith.constant 448 : index
    %get3A_2186 = arith.constant 0 : index
    %get3A_2187 = vector.load %arg3[%get3A_2185, %get3A_2186] : memref<1024x128xf32, #tpu.memory_space<vmem>>, vector<8x128xf32>
    %add3A_2188 = arith.constant 64 : i32
    %add3A_2189 = vector.broadcast %add3A_2188 : i32 to vector<8x128xi32>
    %add3A_2190 = arith.addi %add3A_2189, %iota3A_3 : vector<8x128xi32>
    %eq3A_2191 = arith.cmpi eq, %iota3A_4, %add3A_2190 : vector<8x128xi32>
    %jit3A_2192 = arith.constant 0.000000e+00 : f32
    %broadcast_in_dim3A_2193 = vector.broadcast %jit3A_2192 : f32 to vector<8x128xf32>
    %select_n3A_2194 = arith.select %eq3A_2191, %get3A_2187, %broadcast_in_dim3A_2193 : vector<8x128xi1>, vector<8x128xf32>
    %add3A_2195 = arith.addf %add3A_2184, %select_n3A_2194 : vector<8x128xf32>
    %get3A_2196 = arith.constant 456 : index
    %get3A_2197 = arith.constant 0 : index
    %get3A_2198 = vector.load %arg3[%get3A_2196, %get3A_2197] : memref<1024x128xf32, #tpu.memory_space<vmem>>, vector<8x128xf32>
    %add3A_2199 = arith.constant 72 : i32
    %add3A_2200 = vector.broadcast %add3A_2199 : i32 to vector<8x128xi32>
    %add3A_2201 = arith.addi %add3A_2200, %iota3A_3 : vector<8x128xi32>
    %eq3A_2202 = arith.cmpi eq, %iota3A_4, %add3A_2201 : vector<8x128xi32>
    %jit3A_2203 = arith.constant 0.000000e+00 : f32
    %broadcast_in_dim3A_2204 = vector.broadcast %jit3A_2203 : f32 to vector<8x128xf32>
    %select_n3A_2205 = arith.select %eq3A_2202, %get3A_2198, %broadcast_in_dim3A_2204 : vector<8x128xi1>, vector<8x128xf32>
    %add3A_2206 = arith.addf %add3A_2195, %select_n3A_2205 : vector<8x128xf32>
    %get3A_2207 = arith.constant 464 : index
    %get3A_2208 = arith.constant 0 : index
    %get3A_2209 = vector.load %arg3[%get3A_2207, %get3A_2208] : memref<1024x128xf32, #tpu.memory_space<vmem>>, vector<8x128xf32>
    %add3A_2210 = arith.constant 80 : i32
    %add3A_2211 = vector.broadcast %add3A_2210 : i32 to vector<8x128xi32>
    %add3A_2212 = arith.addi %add3A_2211, %iota3A_3 : vector<8x128xi32>
    %eq3A_2213 = arith.cmpi eq, %iota3A_4, %add3A_2212 : vector<8x128xi32>
    %jit3A_2214 = arith.constant 0.000000e+00 : f32
    %broadcast_in_dim3A_2215 = vector.broadcast %jit3A_2214 : f32 to vector<8x128xf32>
    %select_n3A_2216 = arith.select %eq3A_2213, %get3A_2209, %broadcast_in_dim3A_2215 : vector<8x128xi1>, vector<8x128xf32>
    %add3A_2217 = arith.addf %add3A_2206, %select_n3A_2216 : vector<8x128xf32>
    %get3A_2218 = arith.constant 472 : index
    %get3A_2219 = arith.constant 0 : index
    %get3A_2220 = vector.load %arg3[%get3A_2218, %get3A_2219] : memref<1024x128xf32, #tpu.memory_space<vmem>>, vector<8x128xf32>
    %add3A_2221 = arith.constant 88 : i32
    %add3A_2222 = vector.broadcast %add3A_2221 : i32 to vector<8x128xi32>
    %add3A_2223 = arith.addi %add3A_2222, %iota3A_3 : vector<8x128xi32>
    %eq3A_2224 = arith.cmpi eq, %iota3A_4, %add3A_2223 : vector<8x128xi32>
    %jit3A_2225 = arith.constant 0.000000e+00 : f32
    %broadcast_in_dim3A_2226 = vector.broadcast %jit3A_2225 : f32 to vector<8x128xf32>
    %select_n3A_2227 = arith.select %eq3A_2224, %get3A_2220, %broadcast_in_dim3A_2226 : vector<8x128xi1>, vector<8x128xf32>
    %add3A_2228 = arith.addf %add3A_2217, %select_n3A_2227 : vector<8x128xf32>
    %get3A_2229 = arith.constant 480 : index
    %get3A_2230 = arith.constant 0 : index
    %get3A_2231 = vector.load %arg3[%get3A_2229, %get3A_2230] : memref<1024x128xf32, #tpu.memory_space<vmem>>, vector<8x128xf32>
    %add3A_2232 = arith.constant 96 : i32
    %add3A_2233 = vector.broadcast %add3A_2232 : i32 to vector<8x128xi32>
    %add3A_2234 = arith.addi %add3A_2233, %iota3A_3 : vector<8x128xi32>
    %eq3A_2235 = arith.cmpi eq, %iota3A_4, %add3A_2234 : vector<8x128xi32>
    %jit3A_2236 = arith.constant 0.000000e+00 : f32
    %broadcast_in_dim3A_2237 = vector.broadcast %jit3A_2236 : f32 to vector<8x128xf32>
    %select_n3A_2238 = arith.select %eq3A_2235, %get3A_2231, %broadcast_in_dim3A_2237 : vector<8x128xi1>, vector<8x128xf32>
    %add3A_2239 = arith.addf %add3A_2228, %select_n3A_2238 : vector<8x128xf32>
    %get3A_2240 = arith.constant 488 : index
    %get3A_2241 = arith.constant 0 : index
    %get3A_2242 = vector.load %arg3[%get3A_2240, %get3A_2241] : memref<1024x128xf32, #tpu.memory_space<vmem>>, vector<8x128xf32>
    %add3A_2243 = arith.constant 104 : i32
    %add3A_2244 = vector.broadcast %add3A_2243 : i32 to vector<8x128xi32>
    %add3A_2245 = arith.addi %add3A_2244, %iota3A_3 : vector<8x128xi32>
    %eq3A_2246 = arith.cmpi eq, %iota3A_4, %add3A_2245 : vector<8x128xi32>
    %jit3A_2247 = arith.constant 0.000000e+00 : f32
    %broadcast_in_dim3A_2248 = vector.broadcast %jit3A_2247 : f32 to vector<8x128xf32>
    %select_n3A_2249 = arith.select %eq3A_2246, %get3A_2242, %broadcast_in_dim3A_2248 : vector<8x128xi1>, vector<8x128xf32>
    %add3A_2250 = arith.addf %add3A_2239, %select_n3A_2249 : vector<8x128xf32>
    %get3A_2251 = arith.constant 496 : index
    %get3A_2252 = arith.constant 0 : index
    %get3A_2253 = vector.load %arg3[%get3A_2251, %get3A_2252] : memref<1024x128xf32, #tpu.memory_space<vmem>>, vector<8x128xf32>
    %add3A_2254 = arith.constant 112 : i32
    %add3A_2255 = vector.broadcast %add3A_2254 : i32 to vector<8x128xi32>
    %add3A_2256 = arith.addi %add3A_2255, %iota3A_3 : vector<8x128xi32>
    %eq3A_2257 = arith.cmpi eq, %iota3A_4, %add3A_2256 : vector<8x128xi32>
    %jit3A_2258 = arith.constant 0.000000e+00 : f32
    %broadcast_in_dim3A_2259 = vector.broadcast %jit3A_2258 : f32 to vector<8x128xf32>
    %select_n3A_2260 = arith.select %eq3A_2257, %get3A_2253, %broadcast_in_dim3A_2259 : vector<8x128xi1>, vector<8x128xf32>
    %add3A_2261 = arith.addf %add3A_2250, %select_n3A_2260 : vector<8x128xf32>
    %get3A_2262 = arith.constant 504 : index
    %get3A_2263 = arith.constant 0 : index
    %get3A_2264 = vector.load %arg3[%get3A_2262, %get3A_2263] : memref<1024x128xf32, #tpu.memory_space<vmem>>, vector<8x128xf32>
    %add3A_2265 = arith.constant 120 : i32
    %add3A_2266 = vector.broadcast %add3A_2265 : i32 to vector<8x128xi32>
    %add3A_2267 = arith.addi %add3A_2266, %iota3A_3 : vector<8x128xi32>
    %eq3A_2268 = arith.cmpi eq, %iota3A_4, %add3A_2267 : vector<8x128xi32>
    %jit3A_2269 = arith.constant 0.000000e+00 : f32
    %broadcast_in_dim3A_2270 = vector.broadcast %jit3A_2269 : f32 to vector<8x128xf32>
    %select_n3A_2271 = arith.select %eq3A_2268, %get3A_2264, %broadcast_in_dim3A_2270 : vector<8x128xi1>, vector<8x128xf32>
    %add3A_2272 = arith.addf %add3A_2261, %select_n3A_2271 : vector<8x128xf32>
    %reduce_sum3A_2273 = arith.constant dense<0.000000e+00> : vector<128xf32>
    %reduce_sum3A_2274 = vector.multi_reduction <add>, %add3A_2272, %reduce_sum3A_2273 [0] : vector<8x128xf32> to vector<128xf32>
    %broadcast_in_dim3A_2275 = vector.shape_cast %reduce_sum3A_2274 : vector<128xf32> to vector<1x128xf32>
    %eq3A_2276 = arith.constant 3 : i32
    %eq3A_2277 = vector.broadcast %eq3A_2276 : i32 to vector<8x128xi32>
    %eq3A_2278 = arith.cmpi eq, %iota3A_3, %eq3A_2277 : vector<8x128xi32>
    %jit3A_2279 = arith.constant 0.000000e+00 : f32
    %broadcast_in_dim3A_2280 = vector.shape_cast %broadcast_in_dim3A_2275 : vector<1x128xf32> to vector<1x128xf32>
    %broadcast_in_dim3A_2281 = vector.broadcast %broadcast_in_dim3A_2280 : vector<1x128xf32> to vector<8x128xf32>
    %broadcast_in_dim3A_2282 = vector.broadcast %jit3A_2279 : f32 to vector<8x128xf32>
    %select_n3A_2283 = arith.select %eq3A_2278, %broadcast_in_dim3A_2281, %broadcast_in_dim3A_2282 : vector<8x128xi1>, vector<8x128xf32>
    %add3A_2284 = arith.addf %add3A_2094, %select_n3A_2283 : vector<8x128xf32>
    %broadcast_in_dim3A_2285 = arith.constant 0.000000e+00 : f32
    %broadcast_in_dim3A_2286 = vector.broadcast %broadcast_in_dim3A_2285 : f32 to vector<8x128xf32>
    %get3A_2287 = arith.constant 512 : index
    %get3A_2288 = arith.constant 0 : index
    %get3A_2289 = vector.load %arg3[%get3A_2287, %get3A_2288] : memref<1024x128xf32, #tpu.memory_space<vmem>>, vector<8x128xf32>
    %add3A_2290 = arith.constant 0 : i32
    %add3A_2291 = vector.broadcast %add3A_2290 : i32 to vector<8x128xi32>
    %add3A_2292 = arith.addi %add3A_2291, %iota3A_3 : vector<8x128xi32>
    %eq3A_2293 = arith.cmpi eq, %iota3A_4, %add3A_2292 : vector<8x128xi32>
    %jit3A_2294 = arith.constant 0.000000e+00 : f32
    %broadcast_in_dim3A_2295 = vector.broadcast %jit3A_2294 : f32 to vector<8x128xf32>
    %select_n3A_2296 = arith.select %eq3A_2293, %get3A_2289, %broadcast_in_dim3A_2295 : vector<8x128xi1>, vector<8x128xf32>
    %add3A_2297 = arith.addf %broadcast_in_dim3A_2286, %select_n3A_2296 : vector<8x128xf32>
    %get3A_2298 = arith.constant 520 : index
    %get3A_2299 = arith.constant 0 : index
    %get3A_2300 = vector.load %arg3[%get3A_2298, %get3A_2299] : memref<1024x128xf32, #tpu.memory_space<vmem>>, vector<8x128xf32>
    %add3A_2301 = arith.constant 8 : i32
    %add3A_2302 = vector.broadcast %add3A_2301 : i32 to vector<8x128xi32>
    %add3A_2303 = arith.addi %add3A_2302, %iota3A_3 : vector<8x128xi32>
    %eq3A_2304 = arith.cmpi eq, %iota3A_4, %add3A_2303 : vector<8x128xi32>
    %jit3A_2305 = arith.constant 0.000000e+00 : f32
    %broadcast_in_dim3A_2306 = vector.broadcast %jit3A_2305 : f32 to vector<8x128xf32>
    %select_n3A_2307 = arith.select %eq3A_2304, %get3A_2300, %broadcast_in_dim3A_2306 : vector<8x128xi1>, vector<8x128xf32>
    %add3A_2308 = arith.addf %add3A_2297, %select_n3A_2307 : vector<8x128xf32>
    %get3A_2309 = arith.constant 528 : index
    %get3A_2310 = arith.constant 0 : index
    %get3A_2311 = vector.load %arg3[%get3A_2309, %get3A_2310] : memref<1024x128xf32, #tpu.memory_space<vmem>>, vector<8x128xf32>
    %add3A_2312 = arith.constant 16 : i32
    %add3A_2313 = vector.broadcast %add3A_2312 : i32 to vector<8x128xi32>
    %add3A_2314 = arith.addi %add3A_2313, %iota3A_3 : vector<8x128xi32>
    %eq3A_2315 = arith.cmpi eq, %iota3A_4, %add3A_2314 : vector<8x128xi32>
    %jit3A_2316 = arith.constant 0.000000e+00 : f32
    %broadcast_in_dim3A_2317 = vector.broadcast %jit3A_2316 : f32 to vector<8x128xf32>
    %select_n3A_2318 = arith.select %eq3A_2315, %get3A_2311, %broadcast_in_dim3A_2317 : vector<8x128xi1>, vector<8x128xf32>
    %add3A_2319 = arith.addf %add3A_2308, %select_n3A_2318 : vector<8x128xf32>
    %get3A_2320 = arith.constant 536 : index
    %get3A_2321 = arith.constant 0 : index
    %get3A_2322 = vector.load %arg3[%get3A_2320, %get3A_2321] : memref<1024x128xf32, #tpu.memory_space<vmem>>, vector<8x128xf32>
    %add3A_2323 = arith.constant 24 : i32
    %add3A_2324 = vector.broadcast %add3A_2323 : i32 to vector<8x128xi32>
    %add3A_2325 = arith.addi %add3A_2324, %iota3A_3 : vector<8x128xi32>
    %eq3A_2326 = arith.cmpi eq, %iota3A_4, %add3A_2325 : vector<8x128xi32>
    %jit3A_2327 = arith.constant 0.000000e+00 : f32
    %broadcast_in_dim3A_2328 = vector.broadcast %jit3A_2327 : f32 to vector<8x128xf32>
    %select_n3A_2329 = arith.select %eq3A_2326, %get3A_2322, %broadcast_in_dim3A_2328 : vector<8x128xi1>, vector<8x128xf32>
    %add3A_2330 = arith.addf %add3A_2319, %select_n3A_2329 : vector<8x128xf32>
    %get3A_2331 = arith.constant 544 : index
    %get3A_2332 = arith.constant 0 : index
    %get3A_2333 = vector.load %arg3[%get3A_2331, %get3A_2332] : memref<1024x128xf32, #tpu.memory_space<vmem>>, vector<8x128xf32>
    %add3A_2334 = arith.constant 32 : i32
    %add3A_2335 = vector.broadcast %add3A_2334 : i32 to vector<8x128xi32>
    %add3A_2336 = arith.addi %add3A_2335, %iota3A_3 : vector<8x128xi32>
    %eq3A_2337 = arith.cmpi eq, %iota3A_4, %add3A_2336 : vector<8x128xi32>
    %jit3A_2338 = arith.constant 0.000000e+00 : f32
    %broadcast_in_dim3A_2339 = vector.broadcast %jit3A_2338 : f32 to vector<8x128xf32>
    %select_n3A_2340 = arith.select %eq3A_2337, %get3A_2333, %broadcast_in_dim3A_2339 : vector<8x128xi1>, vector<8x128xf32>
    %add3A_2341 = arith.addf %add3A_2330, %select_n3A_2340 : vector<8x128xf32>
    %get3A_2342 = arith.constant 552 : index
    %get3A_2343 = arith.constant 0 : index
    %get3A_2344 = vector.load %arg3[%get3A_2342, %get3A_2343] : memref<1024x128xf32, #tpu.memory_space<vmem>>, vector<8x128xf32>
    %add3A_2345 = arith.constant 40 : i32
    %add3A_2346 = vector.broadcast %add3A_2345 : i32 to vector<8x128xi32>
    %add3A_2347 = arith.addi %add3A_2346, %iota3A_3 : vector<8x128xi32>
    %eq3A_2348 = arith.cmpi eq, %iota3A_4, %add3A_2347 : vector<8x128xi32>
    %jit3A_2349 = arith.constant 0.000000e+00 : f32
    %broadcast_in_dim3A_2350 = vector.broadcast %jit3A_2349 : f32 to vector<8x128xf32>
    %select_n3A_2351 = arith.select %eq3A_2348, %get3A_2344, %broadcast_in_dim3A_2350 : vector<8x128xi1>, vector<8x128xf32>
    %add3A_2352 = arith.addf %add3A_2341, %select_n3A_2351 : vector<8x128xf32>
    %get3A_2353 = arith.constant 560 : index
    %get3A_2354 = arith.constant 0 : index
    %get3A_2355 = vector.load %arg3[%get3A_2353, %get3A_2354] : memref<1024x128xf32, #tpu.memory_space<vmem>>, vector<8x128xf32>
    %add3A_2356 = arith.constant 48 : i32
    %add3A_2357 = vector.broadcast %add3A_2356 : i32 to vector<8x128xi32>
    %add3A_2358 = arith.addi %add3A_2357, %iota3A_3 : vector<8x128xi32>
    %eq3A_2359 = arith.cmpi eq, %iota3A_4, %add3A_2358 : vector<8x128xi32>
    %jit3A_2360 = arith.constant 0.000000e+00 : f32
    %broadcast_in_dim3A_2361 = vector.broadcast %jit3A_2360 : f32 to vector<8x128xf32>
    %select_n3A_2362 = arith.select %eq3A_2359, %get3A_2355, %broadcast_in_dim3A_2361 : vector<8x128xi1>, vector<8x128xf32>
    %add3A_2363 = arith.addf %add3A_2352, %select_n3A_2362 : vector<8x128xf32>
    %get3A_2364 = arith.constant 568 : index
    %get3A_2365 = arith.constant 0 : index
    %get3A_2366 = vector.load %arg3[%get3A_2364, %get3A_2365] : memref<1024x128xf32, #tpu.memory_space<vmem>>, vector<8x128xf32>
    %add3A_2367 = arith.constant 56 : i32
    %add3A_2368 = vector.broadcast %add3A_2367 : i32 to vector<8x128xi32>
    %add3A_2369 = arith.addi %add3A_2368, %iota3A_3 : vector<8x128xi32>
    %eq3A_2370 = arith.cmpi eq, %iota3A_4, %add3A_2369 : vector<8x128xi32>
    %jit3A_2371 = arith.constant 0.000000e+00 : f32
    %broadcast_in_dim3A_2372 = vector.broadcast %jit3A_2371 : f32 to vector<8x128xf32>
    %select_n3A_2373 = arith.select %eq3A_2370, %get3A_2366, %broadcast_in_dim3A_2372 : vector<8x128xi1>, vector<8x128xf32>
    %add3A_2374 = arith.addf %add3A_2363, %select_n3A_2373 : vector<8x128xf32>
    %get3A_2375 = arith.constant 576 : index
    %get3A_2376 = arith.constant 0 : index
    %get3A_2377 = vector.load %arg3[%get3A_2375, %get3A_2376] : memref<1024x128xf32, #tpu.memory_space<vmem>>, vector<8x128xf32>
    %add3A_2378 = arith.constant 64 : i32
    %add3A_2379 = vector.broadcast %add3A_2378 : i32 to vector<8x128xi32>
    %add3A_2380 = arith.addi %add3A_2379, %iota3A_3 : vector<8x128xi32>
    %eq3A_2381 = arith.cmpi eq, %iota3A_4, %add3A_2380 : vector<8x128xi32>
    %jit3A_2382 = arith.constant 0.000000e+00 : f32
    %broadcast_in_dim3A_2383 = vector.broadcast %jit3A_2382 : f32 to vector<8x128xf32>
    %select_n3A_2384 = arith.select %eq3A_2381, %get3A_2377, %broadcast_in_dim3A_2383 : vector<8x128xi1>, vector<8x128xf32>
    %add3A_2385 = arith.addf %add3A_2374, %select_n3A_2384 : vector<8x128xf32>
    %get3A_2386 = arith.constant 584 : index
    %get3A_2387 = arith.constant 0 : index
    %get3A_2388 = vector.load %arg3[%get3A_2386, %get3A_2387] : memref<1024x128xf32, #tpu.memory_space<vmem>>, vector<8x128xf32>
    %add3A_2389 = arith.constant 72 : i32
    %add3A_2390 = vector.broadcast %add3A_2389 : i32 to vector<8x128xi32>
    %add3A_2391 = arith.addi %add3A_2390, %iota3A_3 : vector<8x128xi32>
    %eq3A_2392 = arith.cmpi eq, %iota3A_4, %add3A_2391 : vector<8x128xi32>
    %jit3A_2393 = arith.constant 0.000000e+00 : f32
    %broadcast_in_dim3A_2394 = vector.broadcast %jit3A_2393 : f32 to vector<8x128xf32>
    %select_n3A_2395 = arith.select %eq3A_2392, %get3A_2388, %broadcast_in_dim3A_2394 : vector<8x128xi1>, vector<8x128xf32>
    %add3A_2396 = arith.addf %add3A_2385, %select_n3A_2395 : vector<8x128xf32>
    %get3A_2397 = arith.constant 592 : index
    %get3A_2398 = arith.constant 0 : index
    %get3A_2399 = vector.load %arg3[%get3A_2397, %get3A_2398] : memref<1024x128xf32, #tpu.memory_space<vmem>>, vector<8x128xf32>
    %add3A_2400 = arith.constant 80 : i32
    %add3A_2401 = vector.broadcast %add3A_2400 : i32 to vector<8x128xi32>
    %add3A_2402 = arith.addi %add3A_2401, %iota3A_3 : vector<8x128xi32>
    %eq3A_2403 = arith.cmpi eq, %iota3A_4, %add3A_2402 : vector<8x128xi32>
    %jit3A_2404 = arith.constant 0.000000e+00 : f32
    %broadcast_in_dim3A_2405 = vector.broadcast %jit3A_2404 : f32 to vector<8x128xf32>
    %select_n3A_2406 = arith.select %eq3A_2403, %get3A_2399, %broadcast_in_dim3A_2405 : vector<8x128xi1>, vector<8x128xf32>
    %add3A_2407 = arith.addf %add3A_2396, %select_n3A_2406 : vector<8x128xf32>
    %get3A_2408 = arith.constant 600 : index
    %get3A_2409 = arith.constant 0 : index
    %get3A_2410 = vector.load %arg3[%get3A_2408, %get3A_2409] : memref<1024x128xf32, #tpu.memory_space<vmem>>, vector<8x128xf32>
    %add3A_2411 = arith.constant 88 : i32
    %add3A_2412 = vector.broadcast %add3A_2411 : i32 to vector<8x128xi32>
    %add3A_2413 = arith.addi %add3A_2412, %iota3A_3 : vector<8x128xi32>
    %eq3A_2414 = arith.cmpi eq, %iota3A_4, %add3A_2413 : vector<8x128xi32>
    %jit3A_2415 = arith.constant 0.000000e+00 : f32
    %broadcast_in_dim3A_2416 = vector.broadcast %jit3A_2415 : f32 to vector<8x128xf32>
    %select_n3A_2417 = arith.select %eq3A_2414, %get3A_2410, %broadcast_in_dim3A_2416 : vector<8x128xi1>, vector<8x128xf32>
    %add3A_2418 = arith.addf %add3A_2407, %select_n3A_2417 : vector<8x128xf32>
    %get3A_2419 = arith.constant 608 : index
    %get3A_2420 = arith.constant 0 : index
    %get3A_2421 = vector.load %arg3[%get3A_2419, %get3A_2420] : memref<1024x128xf32, #tpu.memory_space<vmem>>, vector<8x128xf32>
    %add3A_2422 = arith.constant 96 : i32
    %add3A_2423 = vector.broadcast %add3A_2422 : i32 to vector<8x128xi32>
    %add3A_2424 = arith.addi %add3A_2423, %iota3A_3 : vector<8x128xi32>
    %eq3A_2425 = arith.cmpi eq, %iota3A_4, %add3A_2424 : vector<8x128xi32>
    %jit3A_2426 = arith.constant 0.000000e+00 : f32
    %broadcast_in_dim3A_2427 = vector.broadcast %jit3A_2426 : f32 to vector<8x128xf32>
    %select_n3A_2428 = arith.select %eq3A_2425, %get3A_2421, %broadcast_in_dim3A_2427 : vector<8x128xi1>, vector<8x128xf32>
    %add3A_2429 = arith.addf %add3A_2418, %select_n3A_2428 : vector<8x128xf32>
    %get3A_2430 = arith.constant 616 : index
    %get3A_2431 = arith.constant 0 : index
    %get3A_2432 = vector.load %arg3[%get3A_2430, %get3A_2431] : memref<1024x128xf32, #tpu.memory_space<vmem>>, vector<8x128xf32>
    %add3A_2433 = arith.constant 104 : i32
    %add3A_2434 = vector.broadcast %add3A_2433 : i32 to vector<8x128xi32>
    %add3A_2435 = arith.addi %add3A_2434, %iota3A_3 : vector<8x128xi32>
    %eq3A_2436 = arith.cmpi eq, %iota3A_4, %add3A_2435 : vector<8x128xi32>
    %jit3A_2437 = arith.constant 0.000000e+00 : f32
    %broadcast_in_dim3A_2438 = vector.broadcast %jit3A_2437 : f32 to vector<8x128xf32>
    %select_n3A_2439 = arith.select %eq3A_2436, %get3A_2432, %broadcast_in_dim3A_2438 : vector<8x128xi1>, vector<8x128xf32>
    %add3A_2440 = arith.addf %add3A_2429, %select_n3A_2439 : vector<8x128xf32>
    %get3A_2441 = arith.constant 624 : index
    %get3A_2442 = arith.constant 0 : index
    %get3A_2443 = vector.load %arg3[%get3A_2441, %get3A_2442] : memref<1024x128xf32, #tpu.memory_space<vmem>>, vector<8x128xf32>
    %add3A_2444 = arith.constant 112 : i32
    %add3A_2445 = vector.broadcast %add3A_2444 : i32 to vector<8x128xi32>
    %add3A_2446 = arith.addi %add3A_2445, %iota3A_3 : vector<8x128xi32>
    %eq3A_2447 = arith.cmpi eq, %iota3A_4, %add3A_2446 : vector<8x128xi32>
    %jit3A_2448 = arith.constant 0.000000e+00 : f32
    %broadcast_in_dim3A_2449 = vector.broadcast %jit3A_2448 : f32 to vector<8x128xf32>
    %select_n3A_2450 = arith.select %eq3A_2447, %get3A_2443, %broadcast_in_dim3A_2449 : vector<8x128xi1>, vector<8x128xf32>
    %add3A_2451 = arith.addf %add3A_2440, %select_n3A_2450 : vector<8x128xf32>
    %get3A_2452 = arith.constant 632 : index
    %get3A_2453 = arith.constant 0 : index
    %get3A_2454 = vector.load %arg3[%get3A_2452, %get3A_2453] : memref<1024x128xf32, #tpu.memory_space<vmem>>, vector<8x128xf32>
    %add3A_2455 = arith.constant 120 : i32
    %add3A_2456 = vector.broadcast %add3A_2455 : i32 to vector<8x128xi32>
    %add3A_2457 = arith.addi %add3A_2456, %iota3A_3 : vector<8x128xi32>
    %eq3A_2458 = arith.cmpi eq, %iota3A_4, %add3A_2457 : vector<8x128xi32>
    %jit3A_2459 = arith.constant 0.000000e+00 : f32
    %broadcast_in_dim3A_2460 = vector.broadcast %jit3A_2459 : f32 to vector<8x128xf32>
    %select_n3A_2461 = arith.select %eq3A_2458, %get3A_2454, %broadcast_in_dim3A_2460 : vector<8x128xi1>, vector<8x128xf32>
    %add3A_2462 = arith.addf %add3A_2451, %select_n3A_2461 : vector<8x128xf32>
    %reduce_sum3A_2463 = arith.constant dense<0.000000e+00> : vector<128xf32>
    %reduce_sum3A_2464 = vector.multi_reduction <add>, %add3A_2462, %reduce_sum3A_2463 [0] : vector<8x128xf32> to vector<128xf32>
    %broadcast_in_dim3A_2465 = vector.shape_cast %reduce_sum3A_2464 : vector<128xf32> to vector<1x128xf32>
    %eq3A_2466 = arith.constant 4 : i32
    %eq3A_2467 = vector.broadcast %eq3A_2466 : i32 to vector<8x128xi32>
    %eq3A_2468 = arith.cmpi eq, %iota3A_3, %eq3A_2467 : vector<8x128xi32>
    %jit3A_2469 = arith.constant 0.000000e+00 : f32
    %broadcast_in_dim3A_2470 = vector.shape_cast %broadcast_in_dim3A_2465 : vector<1x128xf32> to vector<1x128xf32>
    %broadcast_in_dim3A_2471 = vector.broadcast %broadcast_in_dim3A_2470 : vector<1x128xf32> to vector<8x128xf32>
    %broadcast_in_dim3A_2472 = vector.broadcast %jit3A_2469 : f32 to vector<8x128xf32>
    %select_n3A_2473 = arith.select %eq3A_2468, %broadcast_in_dim3A_2471, %broadcast_in_dim3A_2472 : vector<8x128xi1>, vector<8x128xf32>
    %add3A_2474 = arith.addf %add3A_2284, %select_n3A_2473 : vector<8x128xf32>
    %broadcast_in_dim3A_2475 = arith.constant 0.000000e+00 : f32
    %broadcast_in_dim3A_2476 = vector.broadcast %broadcast_in_dim3A_2475 : f32 to vector<8x128xf32>
    %get3A_2477 = arith.constant 640 : index
    %get3A_2478 = arith.constant 0 : index
    %get3A_2479 = vector.load %arg3[%get3A_2477, %get3A_2478] : memref<1024x128xf32, #tpu.memory_space<vmem>>, vector<8x128xf32>
    %add3A_2480 = arith.constant 0 : i32
    %add3A_2481 = vector.broadcast %add3A_2480 : i32 to vector<8x128xi32>
    %add3A_2482 = arith.addi %add3A_2481, %iota3A_3 : vector<8x128xi32>
    %eq3A_2483 = arith.cmpi eq, %iota3A_4, %add3A_2482 : vector<8x128xi32>
    %jit3A_2484 = arith.constant 0.000000e+00 : f32
    %broadcast_in_dim3A_2485 = vector.broadcast %jit3A_2484 : f32 to vector<8x128xf32>
    %select_n3A_2486 = arith.select %eq3A_2483, %get3A_2479, %broadcast_in_dim3A_2485 : vector<8x128xi1>, vector<8x128xf32>
    %add3A_2487 = arith.addf %broadcast_in_dim3A_2476, %select_n3A_2486 : vector<8x128xf32>
    %get3A_2488 = arith.constant 648 : index
    %get3A_2489 = arith.constant 0 : index
    %get3A_2490 = vector.load %arg3[%get3A_2488, %get3A_2489] : memref<1024x128xf32, #tpu.memory_space<vmem>>, vector<8x128xf32>
    %add3A_2491 = arith.constant 8 : i32
    %add3A_2492 = vector.broadcast %add3A_2491 : i32 to vector<8x128xi32>
    %add3A_2493 = arith.addi %add3A_2492, %iota3A_3 : vector<8x128xi32>
    %eq3A_2494 = arith.cmpi eq, %iota3A_4, %add3A_2493 : vector<8x128xi32>
    %jit3A_2495 = arith.constant 0.000000e+00 : f32
    %broadcast_in_dim3A_2496 = vector.broadcast %jit3A_2495 : f32 to vector<8x128xf32>
    %select_n3A_2497 = arith.select %eq3A_2494, %get3A_2490, %broadcast_in_dim3A_2496 : vector<8x128xi1>, vector<8x128xf32>
    %add3A_2498 = arith.addf %add3A_2487, %select_n3A_2497 : vector<8x128xf32>
    %get3A_2499 = arith.constant 656 : index
    %get3A_2500 = arith.constant 0 : index
    %get3A_2501 = vector.load %arg3[%get3A_2499, %get3A_2500] : memref<1024x128xf32, #tpu.memory_space<vmem>>, vector<8x128xf32>
    %add3A_2502 = arith.constant 16 : i32
    %add3A_2503 = vector.broadcast %add3A_2502 : i32 to vector<8x128xi32>
    %add3A_2504 = arith.addi %add3A_2503, %iota3A_3 : vector<8x128xi32>
    %eq3A_2505 = arith.cmpi eq, %iota3A_4, %add3A_2504 : vector<8x128xi32>
    %jit3A_2506 = arith.constant 0.000000e+00 : f32
    %broadcast_in_dim3A_2507 = vector.broadcast %jit3A_2506 : f32 to vector<8x128xf32>
    %select_n3A_2508 = arith.select %eq3A_2505, %get3A_2501, %broadcast_in_dim3A_2507 : vector<8x128xi1>, vector<8x128xf32>
    %add3A_2509 = arith.addf %add3A_2498, %select_n3A_2508 : vector<8x128xf32>
    %get3A_2510 = arith.constant 664 : index
    %get3A_2511 = arith.constant 0 : index
    %get3A_2512 = vector.load %arg3[%get3A_2510, %get3A_2511] : memref<1024x128xf32, #tpu.memory_space<vmem>>, vector<8x128xf32>
    %add3A_2513 = arith.constant 24 : i32
    %add3A_2514 = vector.broadcast %add3A_2513 : i32 to vector<8x128xi32>
    %add3A_2515 = arith.addi %add3A_2514, %iota3A_3 : vector<8x128xi32>
    %eq3A_2516 = arith.cmpi eq, %iota3A_4, %add3A_2515 : vector<8x128xi32>
    %jit3A_2517 = arith.constant 0.000000e+00 : f32
    %broadcast_in_dim3A_2518 = vector.broadcast %jit3A_2517 : f32 to vector<8x128xf32>
    %select_n3A_2519 = arith.select %eq3A_2516, %get3A_2512, %broadcast_in_dim3A_2518 : vector<8x128xi1>, vector<8x128xf32>
    %add3A_2520 = arith.addf %add3A_2509, %select_n3A_2519 : vector<8x128xf32>
    %get3A_2521 = arith.constant 672 : index
    %get3A_2522 = arith.constant 0 : index
    %get3A_2523 = vector.load %arg3[%get3A_2521, %get3A_2522] : memref<1024x128xf32, #tpu.memory_space<vmem>>, vector<8x128xf32>
    %add3A_2524 = arith.constant 32 : i32
    %add3A_2525 = vector.broadcast %add3A_2524 : i32 to vector<8x128xi32>
    %add3A_2526 = arith.addi %add3A_2525, %iota3A_3 : vector<8x128xi32>
    %eq3A_2527 = arith.cmpi eq, %iota3A_4, %add3A_2526 : vector<8x128xi32>
    %jit3A_2528 = arith.constant 0.000000e+00 : f32
    %broadcast_in_dim3A_2529 = vector.broadcast %jit3A_2528 : f32 to vector<8x128xf32>
    %select_n3A_2530 = arith.select %eq3A_2527, %get3A_2523, %broadcast_in_dim3A_2529 : vector<8x128xi1>, vector<8x128xf32>
    %add3A_2531 = arith.addf %add3A_2520, %select_n3A_2530 : vector<8x128xf32>
    %get3A_2532 = arith.constant 680 : index
    %get3A_2533 = arith.constant 0 : index
    %get3A_2534 = vector.load %arg3[%get3A_2532, %get3A_2533] : memref<1024x128xf32, #tpu.memory_space<vmem>>, vector<8x128xf32>
    %add3A_2535 = arith.constant 40 : i32
    %add3A_2536 = vector.broadcast %add3A_2535 : i32 to vector<8x128xi32>
    %add3A_2537 = arith.addi %add3A_2536, %iota3A_3 : vector<8x128xi32>
    %eq3A_2538 = arith.cmpi eq, %iota3A_4, %add3A_2537 : vector<8x128xi32>
    %jit3A_2539 = arith.constant 0.000000e+00 : f32
    %broadcast_in_dim3A_2540 = vector.broadcast %jit3A_2539 : f32 to vector<8x128xf32>
    %select_n3A_2541 = arith.select %eq3A_2538, %get3A_2534, %broadcast_in_dim3A_2540 : vector<8x128xi1>, vector<8x128xf32>
    %add3A_2542 = arith.addf %add3A_2531, %select_n3A_2541 : vector<8x128xf32>
    %get3A_2543 = arith.constant 688 : index
    %get3A_2544 = arith.constant 0 : index
    %get3A_2545 = vector.load %arg3[%get3A_2543, %get3A_2544] : memref<1024x128xf32, #tpu.memory_space<vmem>>, vector<8x128xf32>
    %add3A_2546 = arith.constant 48 : i32
    %add3A_2547 = vector.broadcast %add3A_2546 : i32 to vector<8x128xi32>
    %add3A_2548 = arith.addi %add3A_2547, %iota3A_3 : vector<8x128xi32>
    %eq3A_2549 = arith.cmpi eq, %iota3A_4, %add3A_2548 : vector<8x128xi32>
    %jit3A_2550 = arith.constant 0.000000e+00 : f32
    %broadcast_in_dim3A_2551 = vector.broadcast %jit3A_2550 : f32 to vector<8x128xf32>
    %select_n3A_2552 = arith.select %eq3A_2549, %get3A_2545, %broadcast_in_dim3A_2551 : vector<8x128xi1>, vector<8x128xf32>
    %add3A_2553 = arith.addf %add3A_2542, %select_n3A_2552 : vector<8x128xf32>
    %get3A_2554 = arith.constant 696 : index
    %get3A_2555 = arith.constant 0 : index
    %get3A_2556 = vector.load %arg3[%get3A_2554, %get3A_2555] : memref<1024x128xf32, #tpu.memory_space<vmem>>, vector<8x128xf32>
    %add3A_2557 = arith.constant 56 : i32
    %add3A_2558 = vector.broadcast %add3A_2557 : i32 to vector<8x128xi32>
    %add3A_2559 = arith.addi %add3A_2558, %iota3A_3 : vector<8x128xi32>
    %eq3A_2560 = arith.cmpi eq, %iota3A_4, %add3A_2559 : vector<8x128xi32>
    %jit3A_2561 = arith.constant 0.000000e+00 : f32
    %broadcast_in_dim3A_2562 = vector.broadcast %jit3A_2561 : f32 to vector<8x128xf32>
    %select_n3A_2563 = arith.select %eq3A_2560, %get3A_2556, %broadcast_in_dim3A_2562 : vector<8x128xi1>, vector<8x128xf32>
    %add3A_2564 = arith.addf %add3A_2553, %select_n3A_2563 : vector<8x128xf32>
    %get3A_2565 = arith.constant 704 : index
    %get3A_2566 = arith.constant 0 : index
    %get3A_2567 = vector.load %arg3[%get3A_2565, %get3A_2566] : memref<1024x128xf32, #tpu.memory_space<vmem>>, vector<8x128xf32>
    %add3A_2568 = arith.constant 64 : i32
    %add3A_2569 = vector.broadcast %add3A_2568 : i32 to vector<8x128xi32>
    %add3A_2570 = arith.addi %add3A_2569, %iota3A_3 : vector<8x128xi32>
    %eq3A_2571 = arith.cmpi eq, %iota3A_4, %add3A_2570 : vector<8x128xi32>
    %jit3A_2572 = arith.constant 0.000000e+00 : f32
    %broadcast_in_dim3A_2573 = vector.broadcast %jit3A_2572 : f32 to vector<8x128xf32>
    %select_n3A_2574 = arith.select %eq3A_2571, %get3A_2567, %broadcast_in_dim3A_2573 : vector<8x128xi1>, vector<8x128xf32>
    %add3A_2575 = arith.addf %add3A_2564, %select_n3A_2574 : vector<8x128xf32>
    %get3A_2576 = arith.constant 712 : index
    %get3A_2577 = arith.constant 0 : index
    %get3A_2578 = vector.load %arg3[%get3A_2576, %get3A_2577] : memref<1024x128xf32, #tpu.memory_space<vmem>>, vector<8x128xf32>
    %add3A_2579 = arith.constant 72 : i32
    %add3A_2580 = vector.broadcast %add3A_2579 : i32 to vector<8x128xi32>
    %add3A_2581 = arith.addi %add3A_2580, %iota3A_3 : vector<8x128xi32>
    %eq3A_2582 = arith.cmpi eq, %iota3A_4, %add3A_2581 : vector<8x128xi32>
    %jit3A_2583 = arith.constant 0.000000e+00 : f32
    %broadcast_in_dim3A_2584 = vector.broadcast %jit3A_2583 : f32 to vector<8x128xf32>
    %select_n3A_2585 = arith.select %eq3A_2582, %get3A_2578, %broadcast_in_dim3A_2584 : vector<8x128xi1>, vector<8x128xf32>
    %add3A_2586 = arith.addf %add3A_2575, %select_n3A_2585 : vector<8x128xf32>
    %get3A_2587 = arith.constant 720 : index
    %get3A_2588 = arith.constant 0 : index
    %get3A_2589 = vector.load %arg3[%get3A_2587, %get3A_2588] : memref<1024x128xf32, #tpu.memory_space<vmem>>, vector<8x128xf32>
    %add3A_2590 = arith.constant 80 : i32
    %add3A_2591 = vector.broadcast %add3A_2590 : i32 to vector<8x128xi32>
    %add3A_2592 = arith.addi %add3A_2591, %iota3A_3 : vector<8x128xi32>
    %eq3A_2593 = arith.cmpi eq, %iota3A_4, %add3A_2592 : vector<8x128xi32>
    %jit3A_2594 = arith.constant 0.000000e+00 : f32
    %broadcast_in_dim3A_2595 = vector.broadcast %jit3A_2594 : f32 to vector<8x128xf32>
    %select_n3A_2596 = arith.select %eq3A_2593, %get3A_2589, %broadcast_in_dim3A_2595 : vector<8x128xi1>, vector<8x128xf32>
    %add3A_2597 = arith.addf %add3A_2586, %select_n3A_2596 : vector<8x128xf32>
    %get3A_2598 = arith.constant 728 : index
    %get3A_2599 = arith.constant 0 : index
    %get3A_2600 = vector.load %arg3[%get3A_2598, %get3A_2599] : memref<1024x128xf32, #tpu.memory_space<vmem>>, vector<8x128xf32>
    %add3A_2601 = arith.constant 88 : i32
    %add3A_2602 = vector.broadcast %add3A_2601 : i32 to vector<8x128xi32>
    %add3A_2603 = arith.addi %add3A_2602, %iota3A_3 : vector<8x128xi32>
    %eq3A_2604 = arith.cmpi eq, %iota3A_4, %add3A_2603 : vector<8x128xi32>
    %jit3A_2605 = arith.constant 0.000000e+00 : f32
    %broadcast_in_dim3A_2606 = vector.broadcast %jit3A_2605 : f32 to vector<8x128xf32>
    %select_n3A_2607 = arith.select %eq3A_2604, %get3A_2600, %broadcast_in_dim3A_2606 : vector<8x128xi1>, vector<8x128xf32>
    %add3A_2608 = arith.addf %add3A_2597, %select_n3A_2607 : vector<8x128xf32>
    %get3A_2609 = arith.constant 736 : index
    %get3A_2610 = arith.constant 0 : index
    %get3A_2611 = vector.load %arg3[%get3A_2609, %get3A_2610] : memref<1024x128xf32, #tpu.memory_space<vmem>>, vector<8x128xf32>
    %add3A_2612 = arith.constant 96 : i32
    %add3A_2613 = vector.broadcast %add3A_2612 : i32 to vector<8x128xi32>
    %add3A_2614 = arith.addi %add3A_2613, %iota3A_3 : vector<8x128xi32>
    %eq3A_2615 = arith.cmpi eq, %iota3A_4, %add3A_2614 : vector<8x128xi32>
    %jit3A_2616 = arith.constant 0.000000e+00 : f32
    %broadcast_in_dim3A_2617 = vector.broadcast %jit3A_2616 : f32 to vector<8x128xf32>
    %select_n3A_2618 = arith.select %eq3A_2615, %get3A_2611, %broadcast_in_dim3A_2617 : vector<8x128xi1>, vector<8x128xf32>
    %add3A_2619 = arith.addf %add3A_2608, %select_n3A_2618 : vector<8x128xf32>
    %get3A_2620 = arith.constant 744 : index
    %get3A_2621 = arith.constant 0 : index
    %get3A_2622 = vector.load %arg3[%get3A_2620, %get3A_2621] : memref<1024x128xf32, #tpu.memory_space<vmem>>, vector<8x128xf32>
    %add3A_2623 = arith.constant 104 : i32
    %add3A_2624 = vector.broadcast %add3A_2623 : i32 to vector<8x128xi32>
    %add3A_2625 = arith.addi %add3A_2624, %iota3A_3 : vector<8x128xi32>
    %eq3A_2626 = arith.cmpi eq, %iota3A_4, %add3A_2625 : vector<8x128xi32>
    %jit3A_2627 = arith.constant 0.000000e+00 : f32
    %broadcast_in_dim3A_2628 = vector.broadcast %jit3A_2627 : f32 to vector<8x128xf32>
    %select_n3A_2629 = arith.select %eq3A_2626, %get3A_2622, %broadcast_in_dim3A_2628 : vector<8x128xi1>, vector<8x128xf32>
    %add3A_2630 = arith.addf %add3A_2619, %select_n3A_2629 : vector<8x128xf32>
    %get3A_2631 = arith.constant 752 : index
    %get3A_2632 = arith.constant 0 : index
    %get3A_2633 = vector.load %arg3[%get3A_2631, %get3A_2632] : memref<1024x128xf32, #tpu.memory_space<vmem>>, vector<8x128xf32>
    %add3A_2634 = arith.constant 112 : i32
    %add3A_2635 = vector.broadcast %add3A_2634 : i32 to vector<8x128xi32>
    %add3A_2636 = arith.addi %add3A_2635, %iota3A_3 : vector<8x128xi32>
    %eq3A_2637 = arith.cmpi eq, %iota3A_4, %add3A_2636 : vector<8x128xi32>
    %jit3A_2638 = arith.constant 0.000000e+00 : f32
    %broadcast_in_dim3A_2639 = vector.broadcast %jit3A_2638 : f32 to vector<8x128xf32>
    %select_n3A_2640 = arith.select %eq3A_2637, %get3A_2633, %broadcast_in_dim3A_2639 : vector<8x128xi1>, vector<8x128xf32>
    %add3A_2641 = arith.addf %add3A_2630, %select_n3A_2640 : vector<8x128xf32>
    %get3A_2642 = arith.constant 760 : index
    %get3A_2643 = arith.constant 0 : index
    %get3A_2644 = vector.load %arg3[%get3A_2642, %get3A_2643] : memref<1024x128xf32, #tpu.memory_space<vmem>>, vector<8x128xf32>
    %add3A_2645 = arith.constant 120 : i32
    %add3A_2646 = vector.broadcast %add3A_2645 : i32 to vector<8x128xi32>
    %add3A_2647 = arith.addi %add3A_2646, %iota3A_3 : vector<8x128xi32>
    %eq3A_2648 = arith.cmpi eq, %iota3A_4, %add3A_2647 : vector<8x128xi32>
    %jit3A_2649 = arith.constant 0.000000e+00 : f32
    %broadcast_in_dim3A_2650 = vector.broadcast %jit3A_2649 : f32 to vector<8x128xf32>
    %select_n3A_2651 = arith.select %eq3A_2648, %get3A_2644, %broadcast_in_dim3A_2650 : vector<8x128xi1>, vector<8x128xf32>
    %add3A_2652 = arith.addf %add3A_2641, %select_n3A_2651 : vector<8x128xf32>
    %reduce_sum3A_2653 = arith.constant dense<0.000000e+00> : vector<128xf32>
    %reduce_sum3A_2654 = vector.multi_reduction <add>, %add3A_2652, %reduce_sum3A_2653 [0] : vector<8x128xf32> to vector<128xf32>
    %broadcast_in_dim3A_2655 = vector.shape_cast %reduce_sum3A_2654 : vector<128xf32> to vector<1x128xf32>
    %eq3A_2656 = arith.constant 5 : i32
    %eq3A_2657 = vector.broadcast %eq3A_2656 : i32 to vector<8x128xi32>
    %eq3A_2658 = arith.cmpi eq, %iota3A_3, %eq3A_2657 : vector<8x128xi32>
    %jit3A_2659 = arith.constant 0.000000e+00 : f32
    %broadcast_in_dim3A_2660 = vector.shape_cast %broadcast_in_dim3A_2655 : vector<1x128xf32> to vector<1x128xf32>
    %broadcast_in_dim3A_2661 = vector.broadcast %broadcast_in_dim3A_2660 : vector<1x128xf32> to vector<8x128xf32>
    %broadcast_in_dim3A_2662 = vector.broadcast %jit3A_2659 : f32 to vector<8x128xf32>
    %select_n3A_2663 = arith.select %eq3A_2658, %broadcast_in_dim3A_2661, %broadcast_in_dim3A_2662 : vector<8x128xi1>, vector<8x128xf32>
    %add3A_2664 = arith.addf %add3A_2474, %select_n3A_2663 : vector<8x128xf32>
    %broadcast_in_dim3A_2665 = arith.constant 0.000000e+00 : f32
    %broadcast_in_dim3A_2666 = vector.broadcast %broadcast_in_dim3A_2665 : f32 to vector<8x128xf32>
    %get3A_2667 = arith.constant 768 : index
    %get3A_2668 = arith.constant 0 : index
    %get3A_2669 = vector.load %arg3[%get3A_2667, %get3A_2668] : memref<1024x128xf32, #tpu.memory_space<vmem>>, vector<8x128xf32>
    %add3A_2670 = arith.constant 0 : i32
    %add3A_2671 = vector.broadcast %add3A_2670 : i32 to vector<8x128xi32>
    %add3A_2672 = arith.addi %add3A_2671, %iota3A_3 : vector<8x128xi32>
    %eq3A_2673 = arith.cmpi eq, %iota3A_4, %add3A_2672 : vector<8x128xi32>
    %jit3A_2674 = arith.constant 0.000000e+00 : f32
    %broadcast_in_dim3A_2675 = vector.broadcast %jit3A_2674 : f32 to vector<8x128xf32>
    %select_n3A_2676 = arith.select %eq3A_2673, %get3A_2669, %broadcast_in_dim3A_2675 : vector<8x128xi1>, vector<8x128xf32>
    %add3A_2677 = arith.addf %broadcast_in_dim3A_2666, %select_n3A_2676 : vector<8x128xf32>
    %get3A_2678 = arith.constant 776 : index
    %get3A_2679 = arith.constant 0 : index
    %get3A_2680 = vector.load %arg3[%get3A_2678, %get3A_2679] : memref<1024x128xf32, #tpu.memory_space<vmem>>, vector<8x128xf32>
    %add3A_2681 = arith.constant 8 : i32
    %add3A_2682 = vector.broadcast %add3A_2681 : i32 to vector<8x128xi32>
    %add3A_2683 = arith.addi %add3A_2682, %iota3A_3 : vector<8x128xi32>
    %eq3A_2684 = arith.cmpi eq, %iota3A_4, %add3A_2683 : vector<8x128xi32>
    %jit3A_2685 = arith.constant 0.000000e+00 : f32
    %broadcast_in_dim3A_2686 = vector.broadcast %jit3A_2685 : f32 to vector<8x128xf32>
    %select_n3A_2687 = arith.select %eq3A_2684, %get3A_2680, %broadcast_in_dim3A_2686 : vector<8x128xi1>, vector<8x128xf32>
    %add3A_2688 = arith.addf %add3A_2677, %select_n3A_2687 : vector<8x128xf32>
    %get3A_2689 = arith.constant 784 : index
    %get3A_2690 = arith.constant 0 : index
    %get3A_2691 = vector.load %arg3[%get3A_2689, %get3A_2690] : memref<1024x128xf32, #tpu.memory_space<vmem>>, vector<8x128xf32>
    %add3A_2692 = arith.constant 16 : i32
    %add3A_2693 = vector.broadcast %add3A_2692 : i32 to vector<8x128xi32>
    %add3A_2694 = arith.addi %add3A_2693, %iota3A_3 : vector<8x128xi32>
    %eq3A_2695 = arith.cmpi eq, %iota3A_4, %add3A_2694 : vector<8x128xi32>
    %jit3A_2696 = arith.constant 0.000000e+00 : f32
    %broadcast_in_dim3A_2697 = vector.broadcast %jit3A_2696 : f32 to vector<8x128xf32>
    %select_n3A_2698 = arith.select %eq3A_2695, %get3A_2691, %broadcast_in_dim3A_2697 : vector<8x128xi1>, vector<8x128xf32>
    %add3A_2699 = arith.addf %add3A_2688, %select_n3A_2698 : vector<8x128xf32>
    %get3A_2700 = arith.constant 792 : index
    %get3A_2701 = arith.constant 0 : index
    %get3A_2702 = vector.load %arg3[%get3A_2700, %get3A_2701] : memref<1024x128xf32, #tpu.memory_space<vmem>>, vector<8x128xf32>
    %add3A_2703 = arith.constant 24 : i32
    %add3A_2704 = vector.broadcast %add3A_2703 : i32 to vector<8x128xi32>
    %add3A_2705 = arith.addi %add3A_2704, %iota3A_3 : vector<8x128xi32>
    %eq3A_2706 = arith.cmpi eq, %iota3A_4, %add3A_2705 : vector<8x128xi32>
    %jit3A_2707 = arith.constant 0.000000e+00 : f32
    %broadcast_in_dim3A_2708 = vector.broadcast %jit3A_2707 : f32 to vector<8x128xf32>
    %select_n3A_2709 = arith.select %eq3A_2706, %get3A_2702, %broadcast_in_dim3A_2708 : vector<8x128xi1>, vector<8x128xf32>
    %add3A_2710 = arith.addf %add3A_2699, %select_n3A_2709 : vector<8x128xf32>
    %get3A_2711 = arith.constant 800 : index
    %get3A_2712 = arith.constant 0 : index
    %get3A_2713 = vector.load %arg3[%get3A_2711, %get3A_2712] : memref<1024x128xf32, #tpu.memory_space<vmem>>, vector<8x128xf32>
    %add3A_2714 = arith.constant 32 : i32
    %add3A_2715 = vector.broadcast %add3A_2714 : i32 to vector<8x128xi32>
    %add3A_2716 = arith.addi %add3A_2715, %iota3A_3 : vector<8x128xi32>
    %eq3A_2717 = arith.cmpi eq, %iota3A_4, %add3A_2716 : vector<8x128xi32>
    %jit3A_2718 = arith.constant 0.000000e+00 : f32
    %broadcast_in_dim3A_2719 = vector.broadcast %jit3A_2718 : f32 to vector<8x128xf32>
    %select_n3A_2720 = arith.select %eq3A_2717, %get3A_2713, %broadcast_in_dim3A_2719 : vector<8x128xi1>, vector<8x128xf32>
    %add3A_2721 = arith.addf %add3A_2710, %select_n3A_2720 : vector<8x128xf32>
    %get3A_2722 = arith.constant 808 : index
    %get3A_2723 = arith.constant 0 : index
    %get3A_2724 = vector.load %arg3[%get3A_2722, %get3A_2723] : memref<1024x128xf32, #tpu.memory_space<vmem>>, vector<8x128xf32>
    %add3A_2725 = arith.constant 40 : i32
    %add3A_2726 = vector.broadcast %add3A_2725 : i32 to vector<8x128xi32>
    %add3A_2727 = arith.addi %add3A_2726, %iota3A_3 : vector<8x128xi32>
    %eq3A_2728 = arith.cmpi eq, %iota3A_4, %add3A_2727 : vector<8x128xi32>
    %jit3A_2729 = arith.constant 0.000000e+00 : f32
    %broadcast_in_dim3A_2730 = vector.broadcast %jit3A_2729 : f32 to vector<8x128xf32>
    %select_n3A_2731 = arith.select %eq3A_2728, %get3A_2724, %broadcast_in_dim3A_2730 : vector<8x128xi1>, vector<8x128xf32>
    %add3A_2732 = arith.addf %add3A_2721, %select_n3A_2731 : vector<8x128xf32>
    %get3A_2733 = arith.constant 816 : index
    %get3A_2734 = arith.constant 0 : index
    %get3A_2735 = vector.load %arg3[%get3A_2733, %get3A_2734] : memref<1024x128xf32, #tpu.memory_space<vmem>>, vector<8x128xf32>
    %add3A_2736 = arith.constant 48 : i32
    %add3A_2737 = vector.broadcast %add3A_2736 : i32 to vector<8x128xi32>
    %add3A_2738 = arith.addi %add3A_2737, %iota3A_3 : vector<8x128xi32>
    %eq3A_2739 = arith.cmpi eq, %iota3A_4, %add3A_2738 : vector<8x128xi32>
    %jit3A_2740 = arith.constant 0.000000e+00 : f32
    %broadcast_in_dim3A_2741 = vector.broadcast %jit3A_2740 : f32 to vector<8x128xf32>
    %select_n3A_2742 = arith.select %eq3A_2739, %get3A_2735, %broadcast_in_dim3A_2741 : vector<8x128xi1>, vector<8x128xf32>
    %add3A_2743 = arith.addf %add3A_2732, %select_n3A_2742 : vector<8x128xf32>
    %get3A_2744 = arith.constant 824 : index
    %get3A_2745 = arith.constant 0 : index
    %get3A_2746 = vector.load %arg3[%get3A_2744, %get3A_2745] : memref<1024x128xf32, #tpu.memory_space<vmem>>, vector<8x128xf32>
    %add3A_2747 = arith.constant 56 : i32
    %add3A_2748 = vector.broadcast %add3A_2747 : i32 to vector<8x128xi32>
    %add3A_2749 = arith.addi %add3A_2748, %iota3A_3 : vector<8x128xi32>
    %eq3A_2750 = arith.cmpi eq, %iota3A_4, %add3A_2749 : vector<8x128xi32>
    %jit3A_2751 = arith.constant 0.000000e+00 : f32
    %broadcast_in_dim3A_2752 = vector.broadcast %jit3A_2751 : f32 to vector<8x128xf32>
    %select_n3A_2753 = arith.select %eq3A_2750, %get3A_2746, %broadcast_in_dim3A_2752 : vector<8x128xi1>, vector<8x128xf32>
    %add3A_2754 = arith.addf %add3A_2743, %select_n3A_2753 : vector<8x128xf32>
    %get3A_2755 = arith.constant 832 : index
    %get3A_2756 = arith.constant 0 : index
    %get3A_2757 = vector.load %arg3[%get3A_2755, %get3A_2756] : memref<1024x128xf32, #tpu.memory_space<vmem>>, vector<8x128xf32>
    %add3A_2758 = arith.constant 64 : i32
    %add3A_2759 = vector.broadcast %add3A_2758 : i32 to vector<8x128xi32>
    %add3A_2760 = arith.addi %add3A_2759, %iota3A_3 : vector<8x128xi32>
    %eq3A_2761 = arith.cmpi eq, %iota3A_4, %add3A_2760 : vector<8x128xi32>
    %jit3A_2762 = arith.constant 0.000000e+00 : f32
    %broadcast_in_dim3A_2763 = vector.broadcast %jit3A_2762 : f32 to vector<8x128xf32>
    %select_n3A_2764 = arith.select %eq3A_2761, %get3A_2757, %broadcast_in_dim3A_2763 : vector<8x128xi1>, vector<8x128xf32>
    %add3A_2765 = arith.addf %add3A_2754, %select_n3A_2764 : vector<8x128xf32>
    %get3A_2766 = arith.constant 840 : index
    %get3A_2767 = arith.constant 0 : index
    %get3A_2768 = vector.load %arg3[%get3A_2766, %get3A_2767] : memref<1024x128xf32, #tpu.memory_space<vmem>>, vector<8x128xf32>
    %add3A_2769 = arith.constant 72 : i32
    %add3A_2770 = vector.broadcast %add3A_2769 : i32 to vector<8x128xi32>
    %add3A_2771 = arith.addi %add3A_2770, %iota3A_3 : vector<8x128xi32>
    %eq3A_2772 = arith.cmpi eq, %iota3A_4, %add3A_2771 : vector<8x128xi32>
    %jit3A_2773 = arith.constant 0.000000e+00 : f32
    %broadcast_in_dim3A_2774 = vector.broadcast %jit3A_2773 : f32 to vector<8x128xf32>
    %select_n3A_2775 = arith.select %eq3A_2772, %get3A_2768, %broadcast_in_dim3A_2774 : vector<8x128xi1>, vector<8x128xf32>
    %add3A_2776 = arith.addf %add3A_2765, %select_n3A_2775 : vector<8x128xf32>
    %get3A_2777 = arith.constant 848 : index
    %get3A_2778 = arith.constant 0 : index
    %get3A_2779 = vector.load %arg3[%get3A_2777, %get3A_2778] : memref<1024x128xf32, #tpu.memory_space<vmem>>, vector<8x128xf32>
    %add3A_2780 = arith.constant 80 : i32
    %add3A_2781 = vector.broadcast %add3A_2780 : i32 to vector<8x128xi32>
    %add3A_2782 = arith.addi %add3A_2781, %iota3A_3 : vector<8x128xi32>
    %eq3A_2783 = arith.cmpi eq, %iota3A_4, %add3A_2782 : vector<8x128xi32>
    %jit3A_2784 = arith.constant 0.000000e+00 : f32
    %broadcast_in_dim3A_2785 = vector.broadcast %jit3A_2784 : f32 to vector<8x128xf32>
    %select_n3A_2786 = arith.select %eq3A_2783, %get3A_2779, %broadcast_in_dim3A_2785 : vector<8x128xi1>, vector<8x128xf32>
    %add3A_2787 = arith.addf %add3A_2776, %select_n3A_2786 : vector<8x128xf32>
    %get3A_2788 = arith.constant 856 : index
    %get3A_2789 = arith.constant 0 : index
    %get3A_2790 = vector.load %arg3[%get3A_2788, %get3A_2789] : memref<1024x128xf32, #tpu.memory_space<vmem>>, vector<8x128xf32>
    %add3A_2791 = arith.constant 88 : i32
    %add3A_2792 = vector.broadcast %add3A_2791 : i32 to vector<8x128xi32>
    %add3A_2793 = arith.addi %add3A_2792, %iota3A_3 : vector<8x128xi32>
    %eq3A_2794 = arith.cmpi eq, %iota3A_4, %add3A_2793 : vector<8x128xi32>
    %jit3A_2795 = arith.constant 0.000000e+00 : f32
    %broadcast_in_dim3A_2796 = vector.broadcast %jit3A_2795 : f32 to vector<8x128xf32>
    %select_n3A_2797 = arith.select %eq3A_2794, %get3A_2790, %broadcast_in_dim3A_2796 : vector<8x128xi1>, vector<8x128xf32>
    %add3A_2798 = arith.addf %add3A_2787, %select_n3A_2797 : vector<8x128xf32>
    %get3A_2799 = arith.constant 864 : index
    %get3A_2800 = arith.constant 0 : index
    %get3A_2801 = vector.load %arg3[%get3A_2799, %get3A_2800] : memref<1024x128xf32, #tpu.memory_space<vmem>>, vector<8x128xf32>
    %add3A_2802 = arith.constant 96 : i32
    %add3A_2803 = vector.broadcast %add3A_2802 : i32 to vector<8x128xi32>
    %add3A_2804 = arith.addi %add3A_2803, %iota3A_3 : vector<8x128xi32>
    %eq3A_2805 = arith.cmpi eq, %iota3A_4, %add3A_2804 : vector<8x128xi32>
    %jit3A_2806 = arith.constant 0.000000e+00 : f32
    %broadcast_in_dim3A_2807 = vector.broadcast %jit3A_2806 : f32 to vector<8x128xf32>
    %select_n3A_2808 = arith.select %eq3A_2805, %get3A_2801, %broadcast_in_dim3A_2807 : vector<8x128xi1>, vector<8x128xf32>
    %add3A_2809 = arith.addf %add3A_2798, %select_n3A_2808 : vector<8x128xf32>
    %get3A_2810 = arith.constant 872 : index
    %get3A_2811 = arith.constant 0 : index
    %get3A_2812 = vector.load %arg3[%get3A_2810, %get3A_2811] : memref<1024x128xf32, #tpu.memory_space<vmem>>, vector<8x128xf32>
    %add3A_2813 = arith.constant 104 : i32
    %add3A_2814 = vector.broadcast %add3A_2813 : i32 to vector<8x128xi32>
    %add3A_2815 = arith.addi %add3A_2814, %iota3A_3 : vector<8x128xi32>
    %eq3A_2816 = arith.cmpi eq, %iota3A_4, %add3A_2815 : vector<8x128xi32>
    %jit3A_2817 = arith.constant 0.000000e+00 : f32
    %broadcast_in_dim3A_2818 = vector.broadcast %jit3A_2817 : f32 to vector<8x128xf32>
    %select_n3A_2819 = arith.select %eq3A_2816, %get3A_2812, %broadcast_in_dim3A_2818 : vector<8x128xi1>, vector<8x128xf32>
    %add3A_2820 = arith.addf %add3A_2809, %select_n3A_2819 : vector<8x128xf32>
    %get3A_2821 = arith.constant 880 : index
    %get3A_2822 = arith.constant 0 : index
    %get3A_2823 = vector.load %arg3[%get3A_2821, %get3A_2822] : memref<1024x128xf32, #tpu.memory_space<vmem>>, vector<8x128xf32>
    %add3A_2824 = arith.constant 112 : i32
    %add3A_2825 = vector.broadcast %add3A_2824 : i32 to vector<8x128xi32>
    %add3A_2826 = arith.addi %add3A_2825, %iota3A_3 : vector<8x128xi32>
    %eq3A_2827 = arith.cmpi eq, %iota3A_4, %add3A_2826 : vector<8x128xi32>
    %jit3A_2828 = arith.constant 0.000000e+00 : f32
    %broadcast_in_dim3A_2829 = vector.broadcast %jit3A_2828 : f32 to vector<8x128xf32>
    %select_n3A_2830 = arith.select %eq3A_2827, %get3A_2823, %broadcast_in_dim3A_2829 : vector<8x128xi1>, vector<8x128xf32>
    %add3A_2831 = arith.addf %add3A_2820, %select_n3A_2830 : vector<8x128xf32>
    %get3A_2832 = arith.constant 888 : index
    %get3A_2833 = arith.constant 0 : index
    %get3A_2834 = vector.load %arg3[%get3A_2832, %get3A_2833] : memref<1024x128xf32, #tpu.memory_space<vmem>>, vector<8x128xf32>
    %add3A_2835 = arith.constant 120 : i32
    %add3A_2836 = vector.broadcast %add3A_2835 : i32 to vector<8x128xi32>
    %add3A_2837 = arith.addi %add3A_2836, %iota3A_3 : vector<8x128xi32>
    %eq3A_2838 = arith.cmpi eq, %iota3A_4, %add3A_2837 : vector<8x128xi32>
    %jit3A_2839 = arith.constant 0.000000e+00 : f32
    %broadcast_in_dim3A_2840 = vector.broadcast %jit3A_2839 : f32 to vector<8x128xf32>
    %select_n3A_2841 = arith.select %eq3A_2838, %get3A_2834, %broadcast_in_dim3A_2840 : vector<8x128xi1>, vector<8x128xf32>
    %add3A_2842 = arith.addf %add3A_2831, %select_n3A_2841 : vector<8x128xf32>
    %reduce_sum3A_2843 = arith.constant dense<0.000000e+00> : vector<128xf32>
    %reduce_sum3A_2844 = vector.multi_reduction <add>, %add3A_2842, %reduce_sum3A_2843 [0] : vector<8x128xf32> to vector<128xf32>
    %broadcast_in_dim3A_2845 = vector.shape_cast %reduce_sum3A_2844 : vector<128xf32> to vector<1x128xf32>
    %eq3A_2846 = arith.constant 6 : i32
    %eq3A_2847 = vector.broadcast %eq3A_2846 : i32 to vector<8x128xi32>
    %eq3A_2848 = arith.cmpi eq, %iota3A_3, %eq3A_2847 : vector<8x128xi32>
    %jit3A_2849 = arith.constant 0.000000e+00 : f32
    %broadcast_in_dim3A_2850 = vector.shape_cast %broadcast_in_dim3A_2845 : vector<1x128xf32> to vector<1x128xf32>
    %broadcast_in_dim3A_2851 = vector.broadcast %broadcast_in_dim3A_2850 : vector<1x128xf32> to vector<8x128xf32>
    %broadcast_in_dim3A_2852 = vector.broadcast %jit3A_2849 : f32 to vector<8x128xf32>
    %select_n3A_2853 = arith.select %eq3A_2848, %broadcast_in_dim3A_2851, %broadcast_in_dim3A_2852 : vector<8x128xi1>, vector<8x128xf32>
    %add3A_2854 = arith.addf %add3A_2664, %select_n3A_2853 : vector<8x128xf32>
    %broadcast_in_dim3A_2855 = arith.constant 0.000000e+00 : f32
    %broadcast_in_dim3A_2856 = vector.broadcast %broadcast_in_dim3A_2855 : f32 to vector<8x128xf32>
    %get3A_2857 = arith.constant 896 : index
    %get3A_2858 = arith.constant 0 : index
    %get3A_2859 = vector.load %arg3[%get3A_2857, %get3A_2858] : memref<1024x128xf32, #tpu.memory_space<vmem>>, vector<8x128xf32>
    %add3A_2860 = arith.constant 0 : i32
    %add3A_2861 = vector.broadcast %add3A_2860 : i32 to vector<8x128xi32>
    %add3A_2862 = arith.addi %add3A_2861, %iota3A_3 : vector<8x128xi32>
    %eq3A_2863 = arith.cmpi eq, %iota3A_4, %add3A_2862 : vector<8x128xi32>
    %jit3A_2864 = arith.constant 0.000000e+00 : f32
    %broadcast_in_dim3A_2865 = vector.broadcast %jit3A_2864 : f32 to vector<8x128xf32>
    %select_n3A_2866 = arith.select %eq3A_2863, %get3A_2859, %broadcast_in_dim3A_2865 : vector<8x128xi1>, vector<8x128xf32>
    %add3A_2867 = arith.addf %broadcast_in_dim3A_2856, %select_n3A_2866 : vector<8x128xf32>
    %get3A_2868 = arith.constant 904 : index
    %get3A_2869 = arith.constant 0 : index
    %get3A_2870 = vector.load %arg3[%get3A_2868, %get3A_2869] : memref<1024x128xf32, #tpu.memory_space<vmem>>, vector<8x128xf32>
    %add3A_2871 = arith.constant 8 : i32
    %add3A_2872 = vector.broadcast %add3A_2871 : i32 to vector<8x128xi32>
    %add3A_2873 = arith.addi %add3A_2872, %iota3A_3 : vector<8x128xi32>
    %eq3A_2874 = arith.cmpi eq, %iota3A_4, %add3A_2873 : vector<8x128xi32>
    %jit3A_2875 = arith.constant 0.000000e+00 : f32
    %broadcast_in_dim3A_2876 = vector.broadcast %jit3A_2875 : f32 to vector<8x128xf32>
    %select_n3A_2877 = arith.select %eq3A_2874, %get3A_2870, %broadcast_in_dim3A_2876 : vector<8x128xi1>, vector<8x128xf32>
    %add3A_2878 = arith.addf %add3A_2867, %select_n3A_2877 : vector<8x128xf32>
    %get3A_2879 = arith.constant 912 : index
    %get3A_2880 = arith.constant 0 : index
    %get3A_2881 = vector.load %arg3[%get3A_2879, %get3A_2880] : memref<1024x128xf32, #tpu.memory_space<vmem>>, vector<8x128xf32>
    %add3A_2882 = arith.constant 16 : i32
    %add3A_2883 = vector.broadcast %add3A_2882 : i32 to vector<8x128xi32>
    %add3A_2884 = arith.addi %add3A_2883, %iota3A_3 : vector<8x128xi32>
    %eq3A_2885 = arith.cmpi eq, %iota3A_4, %add3A_2884 : vector<8x128xi32>
    %jit3A_2886 = arith.constant 0.000000e+00 : f32
    %broadcast_in_dim3A_2887 = vector.broadcast %jit3A_2886 : f32 to vector<8x128xf32>
    %select_n3A_2888 = arith.select %eq3A_2885, %get3A_2881, %broadcast_in_dim3A_2887 : vector<8x128xi1>, vector<8x128xf32>
    %add3A_2889 = arith.addf %add3A_2878, %select_n3A_2888 : vector<8x128xf32>
    %get3A_2890 = arith.constant 920 : index
    %get3A_2891 = arith.constant 0 : index
    %get3A_2892 = vector.load %arg3[%get3A_2890, %get3A_2891] : memref<1024x128xf32, #tpu.memory_space<vmem>>, vector<8x128xf32>
    %add3A_2893 = arith.constant 24 : i32
    %add3A_2894 = vector.broadcast %add3A_2893 : i32 to vector<8x128xi32>
    %add3A_2895 = arith.addi %add3A_2894, %iota3A_3 : vector<8x128xi32>
    %eq3A_2896 = arith.cmpi eq, %iota3A_4, %add3A_2895 : vector<8x128xi32>
    %jit3A_2897 = arith.constant 0.000000e+00 : f32
    %broadcast_in_dim3A_2898 = vector.broadcast %jit3A_2897 : f32 to vector<8x128xf32>
    %select_n3A_2899 = arith.select %eq3A_2896, %get3A_2892, %broadcast_in_dim3A_2898 : vector<8x128xi1>, vector<8x128xf32>
    %add3A_2900 = arith.addf %add3A_2889, %select_n3A_2899 : vector<8x128xf32>
    %get3A_2901 = arith.constant 928 : index
    %get3A_2902 = arith.constant 0 : index
    %get3A_2903 = vector.load %arg3[%get3A_2901, %get3A_2902] : memref<1024x128xf32, #tpu.memory_space<vmem>>, vector<8x128xf32>
    %add3A_2904 = arith.constant 32 : i32
    %add3A_2905 = vector.broadcast %add3A_2904 : i32 to vector<8x128xi32>
    %add3A_2906 = arith.addi %add3A_2905, %iota3A_3 : vector<8x128xi32>
    %eq3A_2907 = arith.cmpi eq, %iota3A_4, %add3A_2906 : vector<8x128xi32>
    %jit3A_2908 = arith.constant 0.000000e+00 : f32
    %broadcast_in_dim3A_2909 = vector.broadcast %jit3A_2908 : f32 to vector<8x128xf32>
    %select_n3A_2910 = arith.select %eq3A_2907, %get3A_2903, %broadcast_in_dim3A_2909 : vector<8x128xi1>, vector<8x128xf32>
    %add3A_2911 = arith.addf %add3A_2900, %select_n3A_2910 : vector<8x128xf32>
    %get3A_2912 = arith.constant 936 : index
    %get3A_2913 = arith.constant 0 : index
    %get3A_2914 = vector.load %arg3[%get3A_2912, %get3A_2913] : memref<1024x128xf32, #tpu.memory_space<vmem>>, vector<8x128xf32>
    %add3A_2915 = arith.constant 40 : i32
    %add3A_2916 = vector.broadcast %add3A_2915 : i32 to vector<8x128xi32>
    %add3A_2917 = arith.addi %add3A_2916, %iota3A_3 : vector<8x128xi32>
    %eq3A_2918 = arith.cmpi eq, %iota3A_4, %add3A_2917 : vector<8x128xi32>
    %jit3A_2919 = arith.constant 0.000000e+00 : f32
    %broadcast_in_dim3A_2920 = vector.broadcast %jit3A_2919 : f32 to vector<8x128xf32>
    %select_n3A_2921 = arith.select %eq3A_2918, %get3A_2914, %broadcast_in_dim3A_2920 : vector<8x128xi1>, vector<8x128xf32>
    %add3A_2922 = arith.addf %add3A_2911, %select_n3A_2921 : vector<8x128xf32>
    %get3A_2923 = arith.constant 944 : index
    %get3A_2924 = arith.constant 0 : index
    %get3A_2925 = vector.load %arg3[%get3A_2923, %get3A_2924] : memref<1024x128xf32, #tpu.memory_space<vmem>>, vector<8x128xf32>
    %add3A_2926 = arith.constant 48 : i32
    %add3A_2927 = vector.broadcast %add3A_2926 : i32 to vector<8x128xi32>
    %add3A_2928 = arith.addi %add3A_2927, %iota3A_3 : vector<8x128xi32>
    %eq3A_2929 = arith.cmpi eq, %iota3A_4, %add3A_2928 : vector<8x128xi32>
    %jit3A_2930 = arith.constant 0.000000e+00 : f32
    %broadcast_in_dim3A_2931 = vector.broadcast %jit3A_2930 : f32 to vector<8x128xf32>
    %select_n3A_2932 = arith.select %eq3A_2929, %get3A_2925, %broadcast_in_dim3A_2931 : vector<8x128xi1>, vector<8x128xf32>
    %add3A_2933 = arith.addf %add3A_2922, %select_n3A_2932 : vector<8x128xf32>
    %get3A_2934 = arith.constant 952 : index
    %get3A_2935 = arith.constant 0 : index
    %get3A_2936 = vector.load %arg3[%get3A_2934, %get3A_2935] : memref<1024x128xf32, #tpu.memory_space<vmem>>, vector<8x128xf32>
    %add3A_2937 = arith.constant 56 : i32
    %add3A_2938 = vector.broadcast %add3A_2937 : i32 to vector<8x128xi32>
    %add3A_2939 = arith.addi %add3A_2938, %iota3A_3 : vector<8x128xi32>
    %eq3A_2940 = arith.cmpi eq, %iota3A_4, %add3A_2939 : vector<8x128xi32>
    %jit3A_2941 = arith.constant 0.000000e+00 : f32
    %broadcast_in_dim3A_2942 = vector.broadcast %jit3A_2941 : f32 to vector<8x128xf32>
    %select_n3A_2943 = arith.select %eq3A_2940, %get3A_2936, %broadcast_in_dim3A_2942 : vector<8x128xi1>, vector<8x128xf32>
    %add3A_2944 = arith.addf %add3A_2933, %select_n3A_2943 : vector<8x128xf32>
    %get3A_2945 = arith.constant 960 : index
    %get3A_2946 = arith.constant 0 : index
    %get3A_2947 = vector.load %arg3[%get3A_2945, %get3A_2946] : memref<1024x128xf32, #tpu.memory_space<vmem>>, vector<8x128xf32>
    %add3A_2948 = arith.constant 64 : i32
    %add3A_2949 = vector.broadcast %add3A_2948 : i32 to vector<8x128xi32>
    %add3A_2950 = arith.addi %add3A_2949, %iota3A_3 : vector<8x128xi32>
    %eq3A_2951 = arith.cmpi eq, %iota3A_4, %add3A_2950 : vector<8x128xi32>
    %jit3A_2952 = arith.constant 0.000000e+00 : f32
    %broadcast_in_dim3A_2953 = vector.broadcast %jit3A_2952 : f32 to vector<8x128xf32>
    %select_n3A_2954 = arith.select %eq3A_2951, %get3A_2947, %broadcast_in_dim3A_2953 : vector<8x128xi1>, vector<8x128xf32>
    %add3A_2955 = arith.addf %add3A_2944, %select_n3A_2954 : vector<8x128xf32>
    %get3A_2956 = arith.constant 968 : index
    %get3A_2957 = arith.constant 0 : index
    %get3A_2958 = vector.load %arg3[%get3A_2956, %get3A_2957] : memref<1024x128xf32, #tpu.memory_space<vmem>>, vector<8x128xf32>
    %add3A_2959 = arith.constant 72 : i32
    %add3A_2960 = vector.broadcast %add3A_2959 : i32 to vector<8x128xi32>
    %add3A_2961 = arith.addi %add3A_2960, %iota3A_3 : vector<8x128xi32>
    %eq3A_2962 = arith.cmpi eq, %iota3A_4, %add3A_2961 : vector<8x128xi32>
    %jit3A_2963 = arith.constant 0.000000e+00 : f32
    %broadcast_in_dim3A_2964 = vector.broadcast %jit3A_2963 : f32 to vector<8x128xf32>
    %select_n3A_2965 = arith.select %eq3A_2962, %get3A_2958, %broadcast_in_dim3A_2964 : vector<8x128xi1>, vector<8x128xf32>
    %add3A_2966 = arith.addf %add3A_2955, %select_n3A_2965 : vector<8x128xf32>
    %get3A_2967 = arith.constant 976 : index
    %get3A_2968 = arith.constant 0 : index
    %get3A_2969 = vector.load %arg3[%get3A_2967, %get3A_2968] : memref<1024x128xf32, #tpu.memory_space<vmem>>, vector<8x128xf32>
    %add3A_2970 = arith.constant 80 : i32
    %add3A_2971 = vector.broadcast %add3A_2970 : i32 to vector<8x128xi32>
    %add3A_2972 = arith.addi %add3A_2971, %iota3A_3 : vector<8x128xi32>
    %eq3A_2973 = arith.cmpi eq, %iota3A_4, %add3A_2972 : vector<8x128xi32>
    %jit3A_2974 = arith.constant 0.000000e+00 : f32
    %broadcast_in_dim3A_2975 = vector.broadcast %jit3A_2974 : f32 to vector<8x128xf32>
    %select_n3A_2976 = arith.select %eq3A_2973, %get3A_2969, %broadcast_in_dim3A_2975 : vector<8x128xi1>, vector<8x128xf32>
    %add3A_2977 = arith.addf %add3A_2966, %select_n3A_2976 : vector<8x128xf32>
    %get3A_2978 = arith.constant 984 : index
    %get3A_2979 = arith.constant 0 : index
    %get3A_2980 = vector.load %arg3[%get3A_2978, %get3A_2979] : memref<1024x128xf32, #tpu.memory_space<vmem>>, vector<8x128xf32>
    %add3A_2981 = arith.constant 88 : i32
    %add3A_2982 = vector.broadcast %add3A_2981 : i32 to vector<8x128xi32>
    %add3A_2983 = arith.addi %add3A_2982, %iota3A_3 : vector<8x128xi32>
    %eq3A_2984 = arith.cmpi eq, %iota3A_4, %add3A_2983 : vector<8x128xi32>
    %jit3A_2985 = arith.constant 0.000000e+00 : f32
    %broadcast_in_dim3A_2986 = vector.broadcast %jit3A_2985 : f32 to vector<8x128xf32>
    %select_n3A_2987 = arith.select %eq3A_2984, %get3A_2980, %broadcast_in_dim3A_2986 : vector<8x128xi1>, vector<8x128xf32>
    %add3A_2988 = arith.addf %add3A_2977, %select_n3A_2987 : vector<8x128xf32>
    %get3A_2989 = arith.constant 992 : index
    %get3A_2990 = arith.constant 0 : index
    %get3A_2991 = vector.load %arg3[%get3A_2989, %get3A_2990] : memref<1024x128xf32, #tpu.memory_space<vmem>>, vector<8x128xf32>
    %add3A_2992 = arith.constant 96 : i32
    %add3A_2993 = vector.broadcast %add3A_2992 : i32 to vector<8x128xi32>
    %add3A_2994 = arith.addi %add3A_2993, %iota3A_3 : vector<8x128xi32>
    %eq3A_2995 = arith.cmpi eq, %iota3A_4, %add3A_2994 : vector<8x128xi32>
    %jit3A_2996 = arith.constant 0.000000e+00 : f32
    %broadcast_in_dim3A_2997 = vector.broadcast %jit3A_2996 : f32 to vector<8x128xf32>
    %select_n3A_2998 = arith.select %eq3A_2995, %get3A_2991, %broadcast_in_dim3A_2997 : vector<8x128xi1>, vector<8x128xf32>
    %add3A_2999 = arith.addf %add3A_2988, %select_n3A_2998 : vector<8x128xf32>
    %get3A_3000 = arith.constant 1000 : index
    %get3A_3001 = arith.constant 0 : index
    %get3A_3002 = vector.load %arg3[%get3A_3000, %get3A_3001] : memref<1024x128xf32, #tpu.memory_space<vmem>>, vector<8x128xf32>
    %add3A_3003 = arith.constant 104 : i32
    %add3A_3004 = vector.broadcast %add3A_3003 : i32 to vector<8x128xi32>
    %add3A_3005 = arith.addi %add3A_3004, %iota3A_3 : vector<8x128xi32>
    %eq3A_3006 = arith.cmpi eq, %iota3A_4, %add3A_3005 : vector<8x128xi32>
    %jit3A_3007 = arith.constant 0.000000e+00 : f32
    %broadcast_in_dim3A_3008 = vector.broadcast %jit3A_3007 : f32 to vector<8x128xf32>
    %select_n3A_3009 = arith.select %eq3A_3006, %get3A_3002, %broadcast_in_dim3A_3008 : vector<8x128xi1>, vector<8x128xf32>
    %add3A_3010 = arith.addf %add3A_2999, %select_n3A_3009 : vector<8x128xf32>
    %get3A_3011 = arith.constant 1008 : index
    %get3A_3012 = arith.constant 0 : index
    %get3A_3013 = vector.load %arg3[%get3A_3011, %get3A_3012] : memref<1024x128xf32, #tpu.memory_space<vmem>>, vector<8x128xf32>
    %add3A_3014 = arith.constant 112 : i32
    %add3A_3015 = vector.broadcast %add3A_3014 : i32 to vector<8x128xi32>
    %add3A_3016 = arith.addi %add3A_3015, %iota3A_3 : vector<8x128xi32>
    %eq3A_3017 = arith.cmpi eq, %iota3A_4, %add3A_3016 : vector<8x128xi32>
    %jit3A_3018 = arith.constant 0.000000e+00 : f32
    %broadcast_in_dim3A_3019 = vector.broadcast %jit3A_3018 : f32 to vector<8x128xf32>
    %select_n3A_3020 = arith.select %eq3A_3017, %get3A_3013, %broadcast_in_dim3A_3019 : vector<8x128xi1>, vector<8x128xf32>
    %add3A_3021 = arith.addf %add3A_3010, %select_n3A_3020 : vector<8x128xf32>
    %get3A_3022 = arith.constant 1016 : index
    %get3A_3023 = arith.constant 0 : index
    %get3A_3024 = vector.load %arg3[%get3A_3022, %get3A_3023] : memref<1024x128xf32, #tpu.memory_space<vmem>>, vector<8x128xf32>
    %add3A_3025 = arith.constant 120 : i32
    %add3A_3026 = vector.broadcast %add3A_3025 : i32 to vector<8x128xi32>
    %add3A_3027 = arith.addi %add3A_3026, %iota3A_3 : vector<8x128xi32>
    %eq3A_3028 = arith.cmpi eq, %iota3A_4, %add3A_3027 : vector<8x128xi32>
    %jit3A_3029 = arith.constant 0.000000e+00 : f32
    %broadcast_in_dim3A_3030 = vector.broadcast %jit3A_3029 : f32 to vector<8x128xf32>
    %select_n3A_3031 = arith.select %eq3A_3028, %get3A_3024, %broadcast_in_dim3A_3030 : vector<8x128xi1>, vector<8x128xf32>
    %add3A_3032 = arith.addf %add3A_3021, %select_n3A_3031 : vector<8x128xf32>
    %reduce_sum3A_3033 = arith.constant dense<0.000000e+00> : vector<128xf32>
    %reduce_sum3A_3034 = vector.multi_reduction <add>, %add3A_3032, %reduce_sum3A_3033 [0] : vector<8x128xf32> to vector<128xf32>
    %broadcast_in_dim3A_3035 = vector.shape_cast %reduce_sum3A_3034 : vector<128xf32> to vector<1x128xf32>
    %eq3A_3036 = arith.constant 7 : i32
    %eq3A_3037 = vector.broadcast %eq3A_3036 : i32 to vector<8x128xi32>
    %eq3A_3038 = arith.cmpi eq, %iota3A_3, %eq3A_3037 : vector<8x128xi32>
    %jit3A_3039 = arith.constant 0.000000e+00 : f32
    %broadcast_in_dim3A_3040 = vector.shape_cast %broadcast_in_dim3A_3035 : vector<1x128xf32> to vector<1x128xf32>
    %broadcast_in_dim3A_3041 = vector.broadcast %broadcast_in_dim3A_3040 : vector<1x128xf32> to vector<8x128xf32>
    %broadcast_in_dim3A_3042 = vector.broadcast %jit3A_3039 : f32 to vector<8x128xf32>
    %select_n3A_3043 = arith.select %eq3A_3038, %broadcast_in_dim3A_3041, %broadcast_in_dim3A_3042 : vector<8x128xi1>, vector<8x128xf32>
    %add3A_3044 = arith.addf %add3A_2854, %select_n3A_3043 : vector<8x128xf32>
    %get3A_3045 = arith.constant 0 : index
    %get3A_3046 = arith.constant 0 : index
    %get3A_3047 = vector.load %arg0[%get3A_3045, %get3A_3046] : memref<8x128xf32, #tpu.memory_space<vmem>>, vector<8x128xf32>
    %sub3A = arith.subf %get3A_3047, %add3A_1522 : vector<8x128xf32>
    %jit3A_3048 = arith.constant 0.000000e+00 : f32
    %broadcast_in_dim3A_3049 = vector.broadcast %jit3A_3048 : f32 to vector<8x128xf32>
    %select_n3A_3050 = arith.select %ne3A_6, %sub3A, %broadcast_in_dim3A_3049 : vector<8x128xi1>, vector<8x128xf32>
    %get3A_3051 = arith.constant 0 : index
    %get3A_3052 = arith.constant 0 : index
    %get3A_3053 = vector.load %arg1[%get3A_3051, %get3A_3052] : memref<8x128xf32, #tpu.memory_space<vmem>>, vector<8x128xf32>
    %sub3A_3054 = arith.subf %get3A_3053, %add3A_3044 : vector<8x128xf32>
    %jit3A_3055 = arith.constant 0.000000e+00 : f32
    %broadcast_in_dim3A_3056 = vector.broadcast %jit3A_3055 : f32 to vector<8x128xf32>
    %select_n3A_3057 = arith.select %ne3A_6, %sub3A_3054, %broadcast_in_dim3A_3056 : vector<8x128xi1>, vector<8x128xf32>
    %mul3A_3058 = arith.mulf %select_n3A_3050, %select_n3A_3050 : vector<8x128xf32>
    %reduce_sum3A_3059 = vector.shape_cast %mul3A_3058 : vector<8x128xf32> to vector<1x8x128xf32>
    %reduce_sum3A_3060 = arith.constant dense<0.000000e+00> : vector<1xf32>
    %reduce_sum3A_3061 = vector.multi_reduction <add>, %reduce_sum3A_3059, %reduce_sum3A_3060 [1, 2] : vector<1x8x128xf32> to vector<1xf32>
    %reduce_sum3A_3062 = vector.shape_cast %reduce_sum3A_3061 : vector<1xf32> to vector<1x1x1xf32>
    %reduce_sum3A_3063 = vector.extract %reduce_sum3A_3062[0, 0, 0] : f32 from vector<1x1x1xf32>
    %sqrt3A = math.sqrt %reduce_sum3A_3063 : f32
    %mul3A_3064 = arith.mulf %select_n3A_3057, %select_n3A_3057 : vector<8x128xf32>
    %reduce_sum3A_3065 = vector.shape_cast %mul3A_3064 : vector<8x128xf32> to vector<1x8x128xf32>
    %reduce_sum3A_3066 = arith.constant dense<0.000000e+00> : vector<1xf32>
    %reduce_sum3A_3067 = vector.multi_reduction <add>, %reduce_sum3A_3065, %reduce_sum3A_3066 [1, 2] : vector<1x8x128xf32> to vector<1xf32>
    %reduce_sum3A_3068 = vector.shape_cast %reduce_sum3A_3067 : vector<1xf32> to vector<1x1x1xf32>
    %reduce_sum3A_3069 = vector.extract %reduce_sum3A_3068[0, 0, 0] : f32 from vector<1x1x1xf32>
    %sqrt3A_3070 = math.sqrt %reduce_sum3A_3069 : f32
    %add3A_3071 = arith.addf %sqrt3A, %sqrt3A_3070 : f32
    %reshape3A = vector.broadcast %add3A_3071 : f32 to vector<1x1xf32>
    %swap3A = arith.constant 0 : index
    %swap3A_3072 = arith.constant 0 : index
    %swap3A_3073 = vector.load %arg4[%swap3A, %swap3A_3072] : memref<1x1xf32, #tpu.memory_space<vmem>>, vector<1x1xf32>
    tpu.vector_store %arg4[%swap3A, %swap3A_3072], %reshape3A {strides = array<i32>} : memref<1x1xf32, #tpu.memory_space<vmem>>, vector<1x1xf32>,
    %reshape3A_3074 = vector.broadcast %sqrt3A : f32 to vector<1x1xf32>
    %swap3A_3075 = arith.constant 0 : index
    %swap3A_3076 = arith.constant 0 : index
    %swap3A_3077 = vector.load %arg5[%swap3A_3075, %swap3A_3076] : memref<1x1xf32, #tpu.memory_space<vmem>>, vector<1x1xf32>
    tpu.vector_store %arg5[%swap3A_3075, %swap3A_3076], %reshape3A_3074 {strides = array<i32>} : memref<1x1xf32, #tpu.memory_space<vmem>>, vector<1x1xf32>,
    %reshape3A_3078 = vector.broadcast %sqrt3A_3070 : f32 to vector<1x1xf32>
    %swap3A_3079 = arith.constant 0 : index
    %swap3A_3080 = arith.constant 0 : index
    %swap3A_3081 = vector.load %arg6[%swap3A_3079, %swap3A_3080] : memref<1x1xf32, #tpu.memory_space<vmem>>, vector<1x1xf32>
    tpu.vector_store %arg6[%swap3A_3079, %swap3A_3080], %reshape3A_3078 {strides = array<i32>} : memref<1x1xf32, #tpu.memory_space<vmem>>, vector<1x1xf32>,
    return
  }
}

module attributes {stable_mosaic.version = 14 : i64} {
  func.func @_prim_kernel(%arg0: memref<1024x8x128xf32, #tpu.memory_space<vmem>>, %arg1: memref<1024x8x128xf32, #tpu.memory_space<vmem>>, %arg2: memref<8x128xi32, #tpu.memory_space<vmem>>, %arg3: memref<8x128xi32, #tpu.memory_space<vmem>>, %arg4: memref<8x128xf32, #tpu.memory_space<vmem>>, %arg5: memref<8x128xf32, #tpu.memory_space<vmem>>, %arg6: memref<1x1xf32, #tpu.memory_space<vmem>>) attributes {dimension_semantics = [], scalar_prefetch = 0 : i64, scratch_operands = 0 : i64, tpu.core_type = #tpu.core_type<tc>} {
    %iota3A = tpu.iota {dimensions = array<i32: 0>} : vector<8x128xi32>
    %mul3A = arith.constant 128 : i32
    %mul3A_0 = vector.broadcast %mul3A : i32 to vector<8x128xi32>
    %mul3A_1 = arith.muli %iota3A, %mul3A_0 : vector<8x128xi32>
    %iota3A_2 = tpu.iota {dimensions = array<i32: 1>} : vector<8x128xi32>
    %add3A = arith.addi %mul3A_1, %iota3A_2 : vector<8x128xi32>
    %eq3A = arith.constant 0 : i32
    %eq3A_3 = vector.broadcast %eq3A : i32 to vector<8x128xi32>
    %eq3A_4 = arith.cmpi eq, %add3A, %eq3A_3 : vector<8x128xi32>
    %iota3A_5 = tpu.iota {dimensions = array<i32: 0>} : vector<8x1xi32>
    %broadcast_in_dim3A = arith.constant 0 : i32
    %broadcast_in_dim3A_6 = vector.broadcast %broadcast_in_dim3A : i32 to vector<8x128xi32>
    %get3A = arith.constant 0 : index
    %get3A_7 = arith.constant 0 : index
    %get3A_8 = arith.constant 0 : index
    %get3A_9 = vector.load %arg0[%get3A, %get3A_7, %get3A_8] : memref<1024x8x128xf32, #tpu.memory_space<vmem>>, vector<1x8x128xf32>
    %get3A_10 = vector.shape_cast %get3A_9 : vector<1x8x128xf32> to vector<8x128xf32>
    %get3A_11 = arith.constant 0 : index
    %get3A_12 = arith.constant 0 : index
    %get3A_13 = arith.constant 0 : index
    %get3A_14 = vector.load %arg1[%get3A_11, %get3A_12, %get3A_13] : memref<1024x8x128xf32, #tpu.memory_space<vmem>>, vector<1x8x128xf32>
    %get3A_15 = vector.shape_cast %get3A_14 : vector<1x8x128xf32> to vector<8x128xf32>
    %jit3A = arith.constant 0x7F800000 : f32
    %broadcast_in_dim3A_16 = vector.broadcast %jit3A : f32 to vector<8x128xf32>
    %select_n3A = arith.select %eq3A_4, %broadcast_in_dim3A_16, %get3A_10 : vector<8x128xi1>, vector<8x128xf32>
    %jit3A_17 = arith.constant 0x7F800000 : f32
    %broadcast_in_dim3A_18 = vector.broadcast %jit3A_17 : f32 to vector<8x128xf32>
    %select_n3A_19 = arith.select %eq3A_4, %broadcast_in_dim3A_18, %get3A_15 : vector<8x128xi1>, vector<8x128xf32>
    %scan3A = arith.constant 0x7F800000 : f32
    %scan3A_20 = arith.constant 0 : i32
    %scan3A_21 = arith.constant 511 : i32
    %scan3A_22 = arith.addi %scan3A_20, %scan3A_21 : i32
    %scan3A_23 = arith.constant 1 : i32
    %scan3A_24:6 = scf.for %scan3A_190 = %scan3A_20 to %scan3A_22 step %scan3A_23 iter_args(%scan3A_191 = %select_n3A, %scan3A_192 = %get3A_10, %scan3A_193 = %broadcast_in_dim3A_6, %scan3A_194 = %select_n3A_19, %scan3A_195 = %get3A_15, %scan3A_196 = %broadcast_in_dim3A_6) -> (vector<8x128xf32>, vector<8x128xf32>, vector<8x128xi32>, vector<8x128xf32>, vector<8x128xf32>, vector<8x128xi32>)  : i32 {
      %lt3A_197 = vector.broadcast %scan3A : f32 to vector<8x128xf32>
      %lt3A_198 = arith.cmpf olt, %scan3A_191, %lt3A_197 : vector<8x128xf32>
      %argmin3A_199 = tpu.reduce_index %scan3A_191 {axis = 1 : i32, kind = #tpu.reduction_kind<arg_min>} : vector<8x128xf32> -> vector<8xi32>
      %reshape3A_200 = vector.shape_cast %argmin3A_199 : vector<8xi32> to vector<8x1xi32>
      %reduce_min3A_201 = arith.constant dense<0x7F800000> : vector<8xf32>
      %reduce_min3A_202 = vector.multi_reduction <minimumf>, %scan3A_191, %reduce_min3A_201 [1] : vector<8x128xf32> to vector<8xf32>
      %reshape3A_203 = vector.shape_cast %reduce_min3A_202 : vector<8xf32> to vector<8x1xf32>
      %mul3A_204 = arith.constant 128 : i32
      %mul3A_205 = vector.broadcast %mul3A_204 : i32 to vector<8x1xi32>
      %mul3A_206 = arith.muli %iota3A_5, %mul3A_205 : vector<8x1xi32>
      %add3A_207 = arith.addi %mul3A_206, %reshape3A_200 : vector<8x1xi32>
      %slice3A_208 = vector.extract_strided_slice %reshape3A_203 {offsets = [4, 0], sizes = [4, 1], strides = [1, 1]} : vector<8x1xf32> to vector<4x1xf32>
      %slice3A_209 = vector.extract_strided_slice %reshape3A_203 {offsets = [0, 0], sizes = [4, 1], strides = [1, 1]} : vector<8x1xf32> to vector<4x1xf32>
      %concatenate3A_210 = tpu.concatenate %slice3A_208, %slice3A_209 in 0 : vector<4x1xf32>, vector<4x1xf32> -> vector<8x1xf32>
      %slice3A_211 = vector.extract_strided_slice %add3A_207 {offsets = [4, 0], sizes = [4, 1], strides = [1, 1]} : vector<8x1xi32> to vector<4x1xi32>
      %slice3A_212 = vector.extract_strided_slice %add3A_207 {offsets = [0, 0], sizes = [4, 1], strides = [1, 1]} : vector<8x1xi32> to vector<4x1xi32>
      %concatenate3A_213 = tpu.concatenate %slice3A_211, %slice3A_212 in 0 : vector<4x1xi32>, vector<4x1xi32> -> vector<8x1xi32>
      %lt3A_214 = arith.cmpf olt, %concatenate3A_210, %reshape3A_203 : vector<8x1xf32>
      %eq3A_215 = arith.cmpf oeq, %concatenate3A_210, %reshape3A_203 : vector<8x1xf32>
      %lt3A_216 = arith.cmpi slt, %concatenate3A_213, %add3A_207 : vector<8x1xi32>
      %and3A_217 = arith.andi %eq3A_215, %lt3A_216 : vector<8x1xi1>
      %or3A_218 = arith.ori %lt3A_214, %and3A_217 : vector<8x1xi1>
      %select_n3A_219 = arith.select %or3A_218, %concatenate3A_210, %reshape3A_203 : vector<8x1xi1>, vector<8x1xf32>
      %select_n3A_220 = arith.select %or3A_218, %concatenate3A_213, %add3A_207 : vector<8x1xi1>, vector<8x1xi32>
      %slice3A_221 = vector.extract_strided_slice %select_n3A_219 {offsets = [6, 0], sizes = [2, 1], strides = [1, 1]} : vector<8x1xf32> to vector<2x1xf32>
      %slice3A_222 = vector.extract_strided_slice %select_n3A_219 {offsets = [0, 0], sizes = [6, 1], strides = [1, 1]} : vector<8x1xf32> to vector<6x1xf32>
      %concatenate3A_223 = tpu.concatenate %slice3A_221, %slice3A_222 in 0 : vector<2x1xf32>, vector<6x1xf32> -> vector<8x1xf32>
      %slice3A_224 = vector.extract_strided_slice %select_n3A_220 {offsets = [6, 0], sizes = [2, 1], strides = [1, 1]} : vector<8x1xi32> to vector<2x1xi32>
      %slice3A_225 = vector.extract_strided_slice %select_n3A_220 {offsets = [0, 0], sizes = [6, 1], strides = [1, 1]} : vector<8x1xi32> to vector<6x1xi32>
      %concatenate3A_226 = tpu.concatenate %slice3A_224, %slice3A_225 in 0 : vector<2x1xi32>, vector<6x1xi32> -> vector<8x1xi32>
      %lt3A_227 = arith.cmpf olt, %concatenate3A_223, %select_n3A_219 : vector<8x1xf32>
      %eq3A_228 = arith.cmpf oeq, %concatenate3A_223, %select_n3A_219 : vector<8x1xf32>
      %lt3A_229 = arith.cmpi slt, %concatenate3A_226, %select_n3A_220 : vector<8x1xi32>
      %and3A_230 = arith.andi %eq3A_228, %lt3A_229 : vector<8x1xi1>
      %or3A_231 = arith.ori %lt3A_227, %and3A_230 : vector<8x1xi1>
      %select_n3A_232 = arith.select %or3A_231, %concatenate3A_223, %select_n3A_219 : vector<8x1xi1>, vector<8x1xf32>
      %select_n3A_233 = arith.select %or3A_231, %concatenate3A_226, %select_n3A_220 : vector<8x1xi1>, vector<8x1xi32>
      %slice3A_234 = vector.extract_strided_slice %select_n3A_232 {offsets = [7, 0], sizes = [1, 1], strides = [1, 1]} : vector<8x1xf32> to vector<1x1xf32>
      %slice3A_235 = vector.extract_strided_slice %select_n3A_232 {offsets = [0, 0], sizes = [7, 1], strides = [1, 1]} : vector<8x1xf32> to vector<7x1xf32>
      %concatenate3A_236 = tpu.concatenate %slice3A_234, %slice3A_235 in 0 : vector<1x1xf32>, vector<7x1xf32> -> vector<8x1xf32>
      %slice3A_237 = vector.extract_strided_slice %select_n3A_233 {offsets = [7, 0], sizes = [1, 1], strides = [1, 1]} : vector<8x1xi32> to vector<1x1xi32>
      %slice3A_238 = vector.extract_strided_slice %select_n3A_233 {offsets = [0, 0], sizes = [7, 1], strides = [1, 1]} : vector<8x1xi32> to vector<7x1xi32>
      %concatenate3A_239 = tpu.concatenate %slice3A_237, %slice3A_238 in 0 : vector<1x1xi32>, vector<7x1xi32> -> vector<8x1xi32>
      %lt3A_240 = arith.cmpf olt, %concatenate3A_236, %select_n3A_232 : vector<8x1xf32>
      %eq3A_241 = arith.cmpf oeq, %concatenate3A_236, %select_n3A_232 : vector<8x1xf32>
      %lt3A_242 = arith.cmpi slt, %concatenate3A_239, %select_n3A_233 : vector<8x1xi32>
      %and3A_243 = arith.andi %eq3A_241, %lt3A_242 : vector<8x1xi1>
      %or3A_244 = arith.ori %lt3A_240, %and3A_243 : vector<8x1xi1>
      %select_n3A_245 = arith.select %or3A_244, %concatenate3A_239, %select_n3A_233 : vector<8x1xi1>, vector<8x1xi32>
      %slice3A_246 = vector.extract_strided_slice %select_n3A_245 {offsets = [0, 0], sizes = [1, 1], strides = [1, 1]} : vector<8x1xi32> to vector<1x1xi32>
      %squeeze3A_247 = vector.extract %slice3A_246[0, 0] : i32 from vector<1x1xi32>
      %get3A_248 = arith.index_cast %squeeze3A_247 : i32 to index
      %get3A_249 = arith.constant 0 : index
      %get3A_250 = arith.constant 0 : index
      %get3A_251 = vector.load %arg0[%get3A_248, %get3A_249, %get3A_250] : memref<1024x8x128xf32, #tpu.memory_space<vmem>>, vector<1x8x128xf32>
      %get3A_252 = vector.shape_cast %get3A_251 : vector<1x8x128xf32> to vector<8x128xf32>
      %eq3A_253 = vector.broadcast %squeeze3A_247 : i32 to vector<8x128xi32>
      %eq3A_254 = arith.cmpi eq, %add3A, %eq3A_253 : vector<8x128xi32>
      %lt3A_255 = arith.cmpf olt, %get3A_252, %scan3A_191 : vector<8x128xf32>
      %and3A_256 = arith.andi %lt3A_255, %lt3A_198 : vector<8x128xi1>
      %select_n3A_257 = arith.select %and3A_256, %get3A_252, %scan3A_191 : vector<8x128xi1>, vector<8x128xf32>
      %broadcast_in_dim3A_258 = vector.broadcast %scan3A : f32 to vector<8x128xf32>
      %select_n3A_259 = arith.select %eq3A_254, %broadcast_in_dim3A_258, %select_n3A_257 : vector<8x128xi1>, vector<8x128xf32>
      %not3A_260 = arith.constant dense<true> : vector<8x128xi1>
      %not3A_261 = arith.xori %eq3A_254, %not3A_260 : vector<8x128xi1>
      %and3A_262 = arith.andi %and3A_256, %not3A_261 : vector<8x128xi1>
      %broadcast_in_dim3A_263 = vector.broadcast %squeeze3A_247 : i32 to vector<8x128xi32>
      %select_n3A_264 = arith.select %and3A_262, %broadcast_in_dim3A_263, %scan3A_193 : vector<8x128xi1>, vector<8x128xi32>
      %select_n3A_265 = arith.select %and3A_262, %get3A_252, %scan3A_192 : vector<8x128xi1>, vector<8x128xf32>
      %lt3A_266 = vector.broadcast %scan3A : f32 to vector<8x128xf32>
      %lt3A_267 = arith.cmpf olt, %scan3A_194, %lt3A_266 : vector<8x128xf32>
      %argmin3A_268 = tpu.reduce_index %scan3A_194 {axis = 1 : i32, kind = #tpu.reduction_kind<arg_min>} : vector<8x128xf32> -> vector<8xi32>
      %reshape3A_269 = vector.shape_cast %argmin3A_268 : vector<8xi32> to vector<8x1xi32>
      %reduce_min3A_270 = arith.constant dense<0x7F800000> : vector<8xf32>
      %reduce_min3A_271 = vector.multi_reduction <minimumf>, %scan3A_194, %reduce_min3A_270 [1] : vector<8x128xf32> to vector<8xf32>
      %reshape3A_272 = vector.shape_cast %reduce_min3A_271 : vector<8xf32> to vector<8x1xf32>
      %mul3A_273 = arith.constant 128 : i32
      %mul3A_274 = vector.broadcast %mul3A_273 : i32 to vector<8x1xi32>
      %mul3A_275 = arith.muli %iota3A_5, %mul3A_274 : vector<8x1xi32>
      %add3A_276 = arith.addi %mul3A_275, %reshape3A_269 : vector<8x1xi32>
      %slice3A_277 = vector.extract_strided_slice %reshape3A_272 {offsets = [4, 0], sizes = [4, 1], strides = [1, 1]} : vector<8x1xf32> to vector<4x1xf32>
      %slice3A_278 = vector.extract_strided_slice %reshape3A_272 {offsets = [0, 0], sizes = [4, 1], strides = [1, 1]} : vector<8x1xf32> to vector<4x1xf32>
      %concatenate3A_279 = tpu.concatenate %slice3A_277, %slice3A_278 in 0 : vector<4x1xf32>, vector<4x1xf32> -> vector<8x1xf32>
      %slice3A_280 = vector.extract_strided_slice %add3A_276 {offsets = [4, 0], sizes = [4, 1], strides = [1, 1]} : vector<8x1xi32> to vector<4x1xi32>
      %slice3A_281 = vector.extract_strided_slice %add3A_276 {offsets = [0, 0], sizes = [4, 1], strides = [1, 1]} : vector<8x1xi32> to vector<4x1xi32>
      %concatenate3A_282 = tpu.concatenate %slice3A_280, %slice3A_281 in 0 : vector<4x1xi32>, vector<4x1xi32> -> vector<8x1xi32>
      %lt3A_283 = arith.cmpf olt, %concatenate3A_279, %reshape3A_272 : vector<8x1xf32>
      %eq3A_284 = arith.cmpf oeq, %concatenate3A_279, %reshape3A_272 : vector<8x1xf32>
      %lt3A_285 = arith.cmpi slt, %concatenate3A_282, %add3A_276 : vector<8x1xi32>
      %and3A_286 = arith.andi %eq3A_284, %lt3A_285 : vector<8x1xi1>
      %or3A_287 = arith.ori %lt3A_283, %and3A_286 : vector<8x1xi1>
      %select_n3A_288 = arith.select %or3A_287, %concatenate3A_279, %reshape3A_272 : vector<8x1xi1>, vector<8x1xf32>
      %select_n3A_289 = arith.select %or3A_287, %concatenate3A_282, %add3A_276 : vector<8x1xi1>, vector<8x1xi32>
      %slice3A_290 = vector.extract_strided_slice %select_n3A_288 {offsets = [6, 0], sizes = [2, 1], strides = [1, 1]} : vector<8x1xf32> to vector<2x1xf32>
      %slice3A_291 = vector.extract_strided_slice %select_n3A_288 {offsets = [0, 0], sizes = [6, 1], strides = [1, 1]} : vector<8x1xf32> to vector<6x1xf32>
      %concatenate3A_292 = tpu.concatenate %slice3A_290, %slice3A_291 in 0 : vector<2x1xf32>, vector<6x1xf32> -> vector<8x1xf32>
      %slice3A_293 = vector.extract_strided_slice %select_n3A_289 {offsets = [6, 0], sizes = [2, 1], strides = [1, 1]} : vector<8x1xi32> to vector<2x1xi32>
      %slice3A_294 = vector.extract_strided_slice %select_n3A_289 {offsets = [0, 0], sizes = [6, 1], strides = [1, 1]} : vector<8x1xi32> to vector<6x1xi32>
      %concatenate3A_295 = tpu.concatenate %slice3A_293, %slice3A_294 in 0 : vector<2x1xi32>, vector<6x1xi32> -> vector<8x1xi32>
      %lt3A_296 = arith.cmpf olt, %concatenate3A_292, %select_n3A_288 : vector<8x1xf32>
      %eq3A_297 = arith.cmpf oeq, %concatenate3A_292, %select_n3A_288 : vector<8x1xf32>
      %lt3A_298 = arith.cmpi slt, %concatenate3A_295, %select_n3A_289 : vector<8x1xi32>
      %and3A_299 = arith.andi %eq3A_297, %lt3A_298 : vector<8x1xi1>
      %or3A_300 = arith.ori %lt3A_296, %and3A_299 : vector<8x1xi1>
      %select_n3A_301 = arith.select %or3A_300, %concatenate3A_292, %select_n3A_288 : vector<8x1xi1>, vector<8x1xf32>
      %select_n3A_302 = arith.select %or3A_300, %concatenate3A_295, %select_n3A_289 : vector<8x1xi1>, vector<8x1xi32>
      %slice3A_303 = vector.extract_strided_slice %select_n3A_301 {offsets = [7, 0], sizes = [1, 1], strides = [1, 1]} : vector<8x1xf32> to vector<1x1xf32>
      %slice3A_304 = vector.extract_strided_slice %select_n3A_301 {offsets = [0, 0], sizes = [7, 1], strides = [1, 1]} : vector<8x1xf32> to vector<7x1xf32>
      %concatenate3A_305 = tpu.concatenate %slice3A_303, %slice3A_304 in 0 : vector<1x1xf32>, vector<7x1xf32> -> vector<8x1xf32>
      %slice3A_306 = vector.extract_strided_slice %select_n3A_302 {offsets = [7, 0], sizes = [1, 1], strides = [1, 1]} : vector<8x1xi32> to vector<1x1xi32>
      %slice3A_307 = vector.extract_strided_slice %select_n3A_302 {offsets = [0, 0], sizes = [7, 1], strides = [1, 1]} : vector<8x1xi32> to vector<7x1xi32>
      %concatenate3A_308 = tpu.concatenate %slice3A_306, %slice3A_307 in 0 : vector<1x1xi32>, vector<7x1xi32> -> vector<8x1xi32>
      %lt3A_309 = arith.cmpf olt, %concatenate3A_305, %select_n3A_301 : vector<8x1xf32>
      %eq3A_310 = arith.cmpf oeq, %concatenate3A_305, %select_n3A_301 : vector<8x1xf32>
      %lt3A_311 = arith.cmpi slt, %concatenate3A_308, %select_n3A_302 : vector<8x1xi32>
      %and3A_312 = arith.andi %eq3A_310, %lt3A_311 : vector<8x1xi1>
      %or3A_313 = arith.ori %lt3A_309, %and3A_312 : vector<8x1xi1>
      %select_n3A_314 = arith.select %or3A_313, %concatenate3A_308, %select_n3A_302 : vector<8x1xi1>, vector<8x1xi32>
      %slice3A_315 = vector.extract_strided_slice %select_n3A_314 {offsets = [0, 0], sizes = [1, 1], strides = [1, 1]} : vector<8x1xi32> to vector<1x1xi32>
      %squeeze3A_316 = vector.extract %slice3A_315[0, 0] : i32 from vector<1x1xi32>
      %get3A_317 = arith.index_cast %squeeze3A_316 : i32 to index
      %get3A_318 = arith.constant 0 : index
      %get3A_319 = arith.constant 0 : index
      %get3A_320 = vector.load %arg1[%get3A_317, %get3A_318, %get3A_319] : memref<1024x8x128xf32, #tpu.memory_space<vmem>>, vector<1x8x128xf32>
      %get3A_321 = vector.shape_cast %get3A_320 : vector<1x8x128xf32> to vector<8x128xf32>
      %eq3A_322 = vector.broadcast %squeeze3A_316 : i32 to vector<8x128xi32>
      %eq3A_323 = arith.cmpi eq, %add3A, %eq3A_322 : vector<8x128xi32>
      %lt3A_324 = arith.cmpf olt, %get3A_321, %scan3A_194 : vector<8x128xf32>
      %and3A_325 = arith.andi %lt3A_324, %lt3A_267 : vector<8x128xi1>
      %select_n3A_326 = arith.select %and3A_325, %get3A_321, %scan3A_194 : vector<8x128xi1>, vector<8x128xf32>
      %broadcast_in_dim3A_327 = vector.broadcast %scan3A : f32 to vector<8x128xf32>
      %select_n3A_328 = arith.select %eq3A_323, %broadcast_in_dim3A_327, %select_n3A_326 : vector<8x128xi1>, vector<8x128xf32>
      %not3A_329 = arith.constant dense<true> : vector<8x128xi1>
      %not3A_330 = arith.xori %eq3A_323, %not3A_329 : vector<8x128xi1>
      %and3A_331 = arith.andi %and3A_325, %not3A_330 : vector<8x128xi1>
      %broadcast_in_dim3A_332 = vector.broadcast %squeeze3A_316 : i32 to vector<8x128xi32>
      %select_n3A_333 = arith.select %and3A_331, %broadcast_in_dim3A_332, %scan3A_196 : vector<8x128xi1>, vector<8x128xi32>
      %select_n3A_334 = arith.select %and3A_331, %get3A_321, %scan3A_195 : vector<8x128xi1>, vector<8x128xf32>
      %lt3A_335 = vector.broadcast %scan3A : f32 to vector<8x128xf32>
      %lt3A_336 = arith.cmpf olt, %select_n3A_259, %lt3A_335 : vector<8x128xf32>
      %argmin3A_337 = tpu.reduce_index %select_n3A_259 {axis = 1 : i32, kind = #tpu.reduction_kind<arg_min>} : vector<8x128xf32> -> vector<8xi32>
      %reshape3A_338 = vector.shape_cast %argmin3A_337 : vector<8xi32> to vector<8x1xi32>
      %reduce_min3A_339 = arith.constant dense<0x7F800000> : vector<8xf32>
      %reduce_min3A_340 = vector.multi_reduction <minimumf>, %select_n3A_259, %reduce_min3A_339 [1] : vector<8x128xf32> to vector<8xf32>
      %reshape3A_341 = vector.shape_cast %reduce_min3A_340 : vector<8xf32> to vector<8x1xf32>
      %mul3A_342 = arith.constant 128 : i32
      %mul3A_343 = vector.broadcast %mul3A_342 : i32 to vector<8x1xi32>
      %mul3A_344 = arith.muli %iota3A_5, %mul3A_343 : vector<8x1xi32>
      %add3A_345 = arith.addi %mul3A_344, %reshape3A_338 : vector<8x1xi32>
      %slice3A_346 = vector.extract_strided_slice %reshape3A_341 {offsets = [4, 0], sizes = [4, 1], strides = [1, 1]} : vector<8x1xf32> to vector<4x1xf32>
      %slice3A_347 = vector.extract_strided_slice %reshape3A_341 {offsets = [0, 0], sizes = [4, 1], strides = [1, 1]} : vector<8x1xf32> to vector<4x1xf32>
      %concatenate3A_348 = tpu.concatenate %slice3A_346, %slice3A_347 in 0 : vector<4x1xf32>, vector<4x1xf32> -> vector<8x1xf32>
      %slice3A_349 = vector.extract_strided_slice %add3A_345 {offsets = [4, 0], sizes = [4, 1], strides = [1, 1]} : vector<8x1xi32> to vector<4x1xi32>
      %slice3A_350 = vector.extract_strided_slice %add3A_345 {offsets = [0, 0], sizes = [4, 1], strides = [1, 1]} : vector<8x1xi32> to vector<4x1xi32>
      %concatenate3A_351 = tpu.concatenate %slice3A_349, %slice3A_350 in 0 : vector<4x1xi32>, vector<4x1xi32> -> vector<8x1xi32>
      %lt3A_352 = arith.cmpf olt, %concatenate3A_348, %reshape3A_341 : vector<8x1xf32>
      %eq3A_353 = arith.cmpf oeq, %concatenate3A_348, %reshape3A_341 : vector<8x1xf32>
      %lt3A_354 = arith.cmpi slt, %concatenate3A_351, %add3A_345 : vector<8x1xi32>
      %and3A_355 = arith.andi %eq3A_353, %lt3A_354 : vector<8x1xi1>
      %or3A_356 = arith.ori %lt3A_352, %and3A_355 : vector<8x1xi1>
      %select_n3A_357 = arith.select %or3A_356, %concatenate3A_348, %reshape3A_341 : vector<8x1xi1>, vector<8x1xf32>
      %select_n3A_358 = arith.select %or3A_356, %concatenate3A_351, %add3A_345 : vector<8x1xi1>, vector<8x1xi32>
      %slice3A_359 = vector.extract_strided_slice %select_n3A_357 {offsets = [6, 0], sizes = [2, 1], strides = [1, 1]} : vector<8x1xf32> to vector<2x1xf32>
      %slice3A_360 = vector.extract_strided_slice %select_n3A_357 {offsets = [0, 0], sizes = [6, 1], strides = [1, 1]} : vector<8x1xf32> to vector<6x1xf32>
      %concatenate3A_361 = tpu.concatenate %slice3A_359, %slice3A_360 in 0 : vector<2x1xf32>, vector<6x1xf32> -> vector<8x1xf32>
      %slice3A_362 = vector.extract_strided_slice %select_n3A_358 {offsets = [6, 0], sizes = [2, 1], strides = [1, 1]} : vector<8x1xi32> to vector<2x1xi32>
      %slice3A_363 = vector.extract_strided_slice %select_n3A_358 {offsets = [0, 0], sizes = [6, 1], strides = [1, 1]} : vector<8x1xi32> to vector<6x1xi32>
      %concatenate3A_364 = tpu.concatenate %slice3A_362, %slice3A_363 in 0 : vector<2x1xi32>, vector<6x1xi32> -> vector<8x1xi32>
      %lt3A_365 = arith.cmpf olt, %concatenate3A_361, %select_n3A_357 : vector<8x1xf32>
      %eq3A_366 = arith.cmpf oeq, %concatenate3A_361, %select_n3A_357 : vector<8x1xf32>
      %lt3A_367 = arith.cmpi slt, %concatenate3A_364, %select_n3A_358 : vector<8x1xi32>
      %and3A_368 = arith.andi %eq3A_366, %lt3A_367 : vector<8x1xi1>
      %or3A_369 = arith.ori %lt3A_365, %and3A_368 : vector<8x1xi1>
      %select_n3A_370 = arith.select %or3A_369, %concatenate3A_361, %select_n3A_357 : vector<8x1xi1>, vector<8x1xf32>
      %select_n3A_371 = arith.select %or3A_369, %concatenate3A_364, %select_n3A_358 : vector<8x1xi1>, vector<8x1xi32>
      %slice3A_372 = vector.extract_strided_slice %select_n3A_370 {offsets = [7, 0], sizes = [1, 1], strides = [1, 1]} : vector<8x1xf32> to vector<1x1xf32>
      %slice3A_373 = vector.extract_strided_slice %select_n3A_370 {offsets = [0, 0], sizes = [7, 1], strides = [1, 1]} : vector<8x1xf32> to vector<7x1xf32>
      %concatenate3A_374 = tpu.concatenate %slice3A_372, %slice3A_373 in 0 : vector<1x1xf32>, vector<7x1xf32> -> vector<8x1xf32>
      %slice3A_375 = vector.extract_strided_slice %select_n3A_371 {offsets = [7, 0], sizes = [1, 1], strides = [1, 1]} : vector<8x1xi32> to vector<1x1xi32>
      %slice3A_376 = vector.extract_strided_slice %select_n3A_371 {offsets = [0, 0], sizes = [7, 1], strides = [1, 1]} : vector<8x1xi32> to vector<7x1xi32>
      %concatenate3A_377 = tpu.concatenate %slice3A_375, %slice3A_376 in 0 : vector<1x1xi32>, vector<7x1xi32> -> vector<8x1xi32>
      %lt3A_378 = arith.cmpf olt, %concatenate3A_374, %select_n3A_370 : vector<8x1xf32>
      %eq3A_379 = arith.cmpf oeq, %concatenate3A_374, %select_n3A_370 : vector<8x1xf32>
      %lt3A_380 = arith.cmpi slt, %concatenate3A_377, %select_n3A_371 : vector<8x1xi32>
      %and3A_381 = arith.andi %eq3A_379, %lt3A_380 : vector<8x1xi1>
      %or3A_382 = arith.ori %lt3A_378, %and3A_381 : vector<8x1xi1>
      %select_n3A_383 = arith.select %or3A_382, %concatenate3A_377, %select_n3A_371 : vector<8x1xi1>, vector<8x1xi32>
      %slice3A_384 = vector.extract_strided_slice %select_n3A_383 {offsets = [0, 0], sizes = [1, 1], strides = [1, 1]} : vector<8x1xi32> to vector<1x1xi32>
      %squeeze3A_385 = vector.extract %slice3A_384[0, 0] : i32 from vector<1x1xi32>
      %get3A_386 = arith.index_cast %squeeze3A_385 : i32 to index
      %get3A_387 = arith.constant 0 : index
      %get3A_388 = arith.constant 0 : index
      %get3A_389 = vector.load %arg0[%get3A_386, %get3A_387, %get3A_388] : memref<1024x8x128xf32, #tpu.memory_space<vmem>>, vector<1x8x128xf32>
      %get3A_390 = vector.shape_cast %get3A_389 : vector<1x8x128xf32> to vector<8x128xf32>
      %eq3A_391 = vector.broadcast %squeeze3A_385 : i32 to vector<8x128xi32>
      %eq3A_392 = arith.cmpi eq, %add3A, %eq3A_391 : vector<8x128xi32>
      %lt3A_393 = arith.cmpf olt, %get3A_390, %select_n3A_259 : vector<8x128xf32>
      %and3A_394 = arith.andi %lt3A_393, %lt3A_336 : vector<8x128xi1>
      %select_n3A_395 = arith.select %and3A_394, %get3A_390, %select_n3A_259 : vector<8x128xi1>, vector<8x128xf32>
      %broadcast_in_dim3A_396 = vector.broadcast %scan3A : f32 to vector<8x128xf32>
      %select_n3A_397 = arith.select %eq3A_392, %broadcast_in_dim3A_396, %select_n3A_395 : vector<8x128xi1>, vector<8x128xf32>
      %not3A_398 = arith.constant dense<true> : vector<8x128xi1>
      %not3A_399 = arith.xori %eq3A_392, %not3A_398 : vector<8x128xi1>
      %and3A_400 = arith.andi %and3A_394, %not3A_399 : vector<8x128xi1>
      %broadcast_in_dim3A_401 = vector.broadcast %squeeze3A_385 : i32 to vector<8x128xi32>
      %select_n3A_402 = arith.select %and3A_400, %broadcast_in_dim3A_401, %select_n3A_264 : vector<8x128xi1>, vector<8x128xi32>
      %select_n3A_403 = arith.select %and3A_400, %get3A_390, %select_n3A_265 : vector<8x128xi1>, vector<8x128xf32>
      %lt3A_404 = vector.broadcast %scan3A : f32 to vector<8x128xf32>
      %lt3A_405 = arith.cmpf olt, %select_n3A_328, %lt3A_404 : vector<8x128xf32>
      %argmin3A_406 = tpu.reduce_index %select_n3A_328 {axis = 1 : i32, kind = #tpu.reduction_kind<arg_min>} : vector<8x128xf32> -> vector<8xi32>
      %reshape3A_407 = vector.shape_cast %argmin3A_406 : vector<8xi32> to vector<8x1xi32>
      %reduce_min3A_408 = arith.constant dense<0x7F800000> : vector<8xf32>
      %reduce_min3A_409 = vector.multi_reduction <minimumf>, %select_n3A_328, %reduce_min3A_408 [1] : vector<8x128xf32> to vector<8xf32>
      %reshape3A_410 = vector.shape_cast %reduce_min3A_409 : vector<8xf32> to vector<8x1xf32>
      %mul3A_411 = arith.constant 128 : i32
      %mul3A_412 = vector.broadcast %mul3A_411 : i32 to vector<8x1xi32>
      %mul3A_413 = arith.muli %iota3A_5, %mul3A_412 : vector<8x1xi32>
      %add3A_414 = arith.addi %mul3A_413, %reshape3A_407 : vector<8x1xi32>
      %slice3A_415 = vector.extract_strided_slice %reshape3A_410 {offsets = [4, 0], sizes = [4, 1], strides = [1, 1]} : vector<8x1xf32> to vector<4x1xf32>
      %slice3A_416 = vector.extract_strided_slice %reshape3A_410 {offsets = [0, 0], sizes = [4, 1], strides = [1, 1]} : vector<8x1xf32> to vector<4x1xf32>
      %concatenate3A_417 = tpu.concatenate %slice3A_415, %slice3A_416 in 0 : vector<4x1xf32>, vector<4x1xf32> -> vector<8x1xf32>
      %slice3A_418 = vector.extract_strided_slice %add3A_414 {offsets = [4, 0], sizes = [4, 1], strides = [1, 1]} : vector<8x1xi32> to vector<4x1xi32>
      %slice3A_419 = vector.extract_strided_slice %add3A_414 {offsets = [0, 0], sizes = [4, 1], strides = [1, 1]} : vector<8x1xi32> to vector<4x1xi32>
      %concatenate3A_420 = tpu.concatenate %slice3A_418, %slice3A_419 in 0 : vector<4x1xi32>, vector<4x1xi32> -> vector<8x1xi32>
      %lt3A_421 = arith.cmpf olt, %concatenate3A_417, %reshape3A_410 : vector<8x1xf32>
      %eq3A_422 = arith.cmpf oeq, %concatenate3A_417, %reshape3A_410 : vector<8x1xf32>
      %lt3A_423 = arith.cmpi slt, %concatenate3A_420, %add3A_414 : vector<8x1xi32>
      %and3A_424 = arith.andi %eq3A_422, %lt3A_423 : vector<8x1xi1>
      %or3A_425 = arith.ori %lt3A_421, %and3A_424 : vector<8x1xi1>
      %select_n3A_426 = arith.select %or3A_425, %concatenate3A_417, %reshape3A_410 : vector<8x1xi1>, vector<8x1xf32>
      %select_n3A_427 = arith.select %or3A_425, %concatenate3A_420, %add3A_414 : vector<8x1xi1>, vector<8x1xi32>
      %slice3A_428 = vector.extract_strided_slice %select_n3A_426 {offsets = [6, 0], sizes = [2, 1], strides = [1, 1]} : vector<8x1xf32> to vector<2x1xf32>
      %slice3A_429 = vector.extract_strided_slice %select_n3A_426 {offsets = [0, 0], sizes = [6, 1], strides = [1, 1]} : vector<8x1xf32> to vector<6x1xf32>
      %concatenate3A_430 = tpu.concatenate %slice3A_428, %slice3A_429 in 0 : vector<2x1xf32>, vector<6x1xf32> -> vector<8x1xf32>
      %slice3A_431 = vector.extract_strided_slice %select_n3A_427 {offsets = [6, 0], sizes = [2, 1], strides = [1, 1]} : vector<8x1xi32> to vector<2x1xi32>
      %slice3A_432 = vector.extract_strided_slice %select_n3A_427 {offsets = [0, 0], sizes = [6, 1], strides = [1, 1]} : vector<8x1xi32> to vector<6x1xi32>
      %concatenate3A_433 = tpu.concatenate %slice3A_431, %slice3A_432 in 0 : vector<2x1xi32>, vector<6x1xi32> -> vector<8x1xi32>
      %lt3A_434 = arith.cmpf olt, %concatenate3A_430, %select_n3A_426 : vector<8x1xf32>
      %eq3A_435 = arith.cmpf oeq, %concatenate3A_430, %select_n3A_426 : vector<8x1xf32>
      %lt3A_436 = arith.cmpi slt, %concatenate3A_433, %select_n3A_427 : vector<8x1xi32>
      %and3A_437 = arith.andi %eq3A_435, %lt3A_436 : vector<8x1xi1>
      %or3A_438 = arith.ori %lt3A_434, %and3A_437 : vector<8x1xi1>
      %select_n3A_439 = arith.select %or3A_438, %concatenate3A_430, %select_n3A_426 : vector<8x1xi1>, vector<8x1xf32>
      %select_n3A_440 = arith.select %or3A_438, %concatenate3A_433, %select_n3A_427 : vector<8x1xi1>, vector<8x1xi32>
      %slice3A_441 = vector.extract_strided_slice %select_n3A_439 {offsets = [7, 0], sizes = [1, 1], strides = [1, 1]} : vector<8x1xf32> to vector<1x1xf32>
      %slice3A_442 = vector.extract_strided_slice %select_n3A_439 {offsets = [0, 0], sizes = [7, 1], strides = [1, 1]} : vector<8x1xf32> to vector<7x1xf32>
      %concatenate3A_443 = tpu.concatenate %slice3A_441, %slice3A_442 in 0 : vector<1x1xf32>, vector<7x1xf32> -> vector<8x1xf32>
      %slice3A_444 = vector.extract_strided_slice %select_n3A_440 {offsets = [7, 0], sizes = [1, 1], strides = [1, 1]} : vector<8x1xi32> to vector<1x1xi32>
      %slice3A_445 = vector.extract_strided_slice %select_n3A_440 {offsets = [0, 0], sizes = [7, 1], strides = [1, 1]} : vector<8x1xi32> to vector<7x1xi32>
      %concatenate3A_446 = tpu.concatenate %slice3A_444, %slice3A_445 in 0 : vector<1x1xi32>, vector<7x1xi32> -> vector<8x1xi32>
      %lt3A_447 = arith.cmpf olt, %concatenate3A_443, %select_n3A_439 : vector<8x1xf32>
      %eq3A_448 = arith.cmpf oeq, %concatenate3A_443, %select_n3A_439 : vector<8x1xf32>
      %lt3A_449 = arith.cmpi slt, %concatenate3A_446, %select_n3A_440 : vector<8x1xi32>
      %and3A_450 = arith.andi %eq3A_448, %lt3A_449 : vector<8x1xi1>
      %or3A_451 = arith.ori %lt3A_447, %and3A_450 : vector<8x1xi1>
      %select_n3A_452 = arith.select %or3A_451, %concatenate3A_446, %select_n3A_440 : vector<8x1xi1>, vector<8x1xi32>
      %slice3A_453 = vector.extract_strided_slice %select_n3A_452 {offsets = [0, 0], sizes = [1, 1], strides = [1, 1]} : vector<8x1xi32> to vector<1x1xi32>
      %squeeze3A_454 = vector.extract %slice3A_453[0, 0] : i32 from vector<1x1xi32>
      %get3A_455 = arith.index_cast %squeeze3A_454 : i32 to index
      %get3A_456 = arith.constant 0 : index
      %get3A_457 = arith.constant 0 : index
      %get3A_458 = vector.load %arg1[%get3A_455, %get3A_456, %get3A_457] : memref<1024x8x128xf32, #tpu.memory_space<vmem>>, vector<1x8x128xf32>
      %get3A_459 = vector.shape_cast %get3A_458 : vector<1x8x128xf32> to vector<8x128xf32>
      %eq3A_460 = vector.broadcast %squeeze3A_454 : i32 to vector<8x128xi32>
      %eq3A_461 = arith.cmpi eq, %add3A, %eq3A_460 : vector<8x128xi32>
      %lt3A_462 = arith.cmpf olt, %get3A_459, %select_n3A_328 : vector<8x128xf32>
      %and3A_463 = arith.andi %lt3A_462, %lt3A_405 : vector<8x128xi1>
      %select_n3A_464 = arith.select %and3A_463, %get3A_459, %select_n3A_328 : vector<8x128xi1>, vector<8x128xf32>
      %broadcast_in_dim3A_465 = vector.broadcast %scan3A : f32 to vector<8x128xf32>
      %select_n3A_466 = arith.select %eq3A_461, %broadcast_in_dim3A_465, %select_n3A_464 : vector<8x128xi1>, vector<8x128xf32>
      %not3A_467 = arith.constant dense<true> : vector<8x128xi1>
      %not3A_468 = arith.xori %eq3A_461, %not3A_467 : vector<8x128xi1>
      %and3A_469 = arith.andi %and3A_463, %not3A_468 : vector<8x128xi1>
      %broadcast_in_dim3A_470 = vector.broadcast %squeeze3A_454 : i32 to vector<8x128xi32>
      %select_n3A_471 = arith.select %and3A_469, %broadcast_in_dim3A_470, %select_n3A_333 : vector<8x128xi1>, vector<8x128xi32>
      %select_n3A_472 = arith.select %and3A_469, %get3A_459, %select_n3A_334 : vector<8x128xi1>, vector<8x128xf32>
      scf.yield %select_n3A_397, %select_n3A_403, %select_n3A_402, %select_n3A_466, %select_n3A_472, %select_n3A_471 : vector<8x128xf32>, vector<8x128xf32>, vector<8x128xi32>, vector<8x128xf32>, vector<8x128xf32>, vector<8x128xi32>
    }
    %lt3A = arith.constant 0x7F800000 : f32
    %lt3A_25 = vector.broadcast %lt3A : f32 to vector<8x128xf32>
    %lt3A_26 = arith.cmpf olt, %scan3A_24#0, %lt3A_25 : vector<8x128xf32>
    %argmin3A = tpu.reduce_index %scan3A_24#0 {axis = 1 : i32, kind = #tpu.reduction_kind<arg_min>} : vector<8x128xf32> -> vector<8xi32>
    %reshape3A = vector.shape_cast %argmin3A : vector<8xi32> to vector<8x1xi32>
    %reduce_min3A = arith.constant dense<0x7F800000> : vector<8xf32>
    %reduce_min3A_27 = vector.multi_reduction <minimumf>, %scan3A_24#0, %reduce_min3A [1] : vector<8x128xf32> to vector<8xf32>
    %reshape3A_28 = vector.shape_cast %reduce_min3A_27 : vector<8xf32> to vector<8x1xf32>
    %mul3A_29 = arith.constant 128 : i32
    %mul3A_30 = vector.broadcast %mul3A_29 : i32 to vector<8x1xi32>
    %mul3A_31 = arith.muli %iota3A_5, %mul3A_30 : vector<8x1xi32>
    %add3A_32 = arith.addi %mul3A_31, %reshape3A : vector<8x1xi32>
    %slice3A = vector.extract_strided_slice %reshape3A_28 {offsets = [4, 0], sizes = [4, 1], strides = [1, 1]} : vector<8x1xf32> to vector<4x1xf32>
    %slice3A_33 = vector.extract_strided_slice %reshape3A_28 {offsets = [0, 0], sizes = [4, 1], strides = [1, 1]} : vector<8x1xf32> to vector<4x1xf32>
    %concatenate3A = tpu.concatenate %slice3A, %slice3A_33 in 0 : vector<4x1xf32>, vector<4x1xf32> -> vector<8x1xf32>
    %slice3A_34 = vector.extract_strided_slice %add3A_32 {offsets = [4, 0], sizes = [4, 1], strides = [1, 1]} : vector<8x1xi32> to vector<4x1xi32>
    %slice3A_35 = vector.extract_strided_slice %add3A_32 {offsets = [0, 0], sizes = [4, 1], strides = [1, 1]} : vector<8x1xi32> to vector<4x1xi32>
    %concatenate3A_36 = tpu.concatenate %slice3A_34, %slice3A_35 in 0 : vector<4x1xi32>, vector<4x1xi32> -> vector<8x1xi32>
    %lt3A_37 = arith.cmpf olt, %concatenate3A, %reshape3A_28 : vector<8x1xf32>
    %eq3A_38 = arith.cmpf oeq, %concatenate3A, %reshape3A_28 : vector<8x1xf32>
    %lt3A_39 = arith.cmpi slt, %concatenate3A_36, %add3A_32 : vector<8x1xi32>
    %and3A = arith.andi %eq3A_38, %lt3A_39 : vector<8x1xi1>
    %or3A = arith.ori %lt3A_37, %and3A : vector<8x1xi1>
    %select_n3A_40 = arith.select %or3A, %concatenate3A, %reshape3A_28 : vector<8x1xi1>, vector<8x1xf32>
    %select_n3A_41 = arith.select %or3A, %concatenate3A_36, %add3A_32 : vector<8x1xi1>, vector<8x1xi32>
    %slice3A_42 = vector.extract_strided_slice %select_n3A_40 {offsets = [6, 0], sizes = [2, 1], strides = [1, 1]} : vector<8x1xf32> to vector<2x1xf32>
    %slice3A_43 = vector.extract_strided_slice %select_n3A_40 {offsets = [0, 0], sizes = [6, 1], strides = [1, 1]} : vector<8x1xf32> to vector<6x1xf32>
    %concatenate3A_44 = tpu.concatenate %slice3A_42, %slice3A_43 in 0 : vector<2x1xf32>, vector<6x1xf32> -> vector<8x1xf32>
    %slice3A_45 = vector.extract_strided_slice %select_n3A_41 {offsets = [6, 0], sizes = [2, 1], strides = [1, 1]} : vector<8x1xi32> to vector<2x1xi32>
    %slice3A_46 = vector.extract_strided_slice %select_n3A_41 {offsets = [0, 0], sizes = [6, 1], strides = [1, 1]} : vector<8x1xi32> to vector<6x1xi32>
    %concatenate3A_47 = tpu.concatenate %slice3A_45, %slice3A_46 in 0 : vector<2x1xi32>, vector<6x1xi32> -> vector<8x1xi32>
    %lt3A_48 = arith.cmpf olt, %concatenate3A_44, %select_n3A_40 : vector<8x1xf32>
    %eq3A_49 = arith.cmpf oeq, %concatenate3A_44, %select_n3A_40 : vector<8x1xf32>
    %lt3A_50 = arith.cmpi slt, %concatenate3A_47, %select_n3A_41 : vector<8x1xi32>
    %and3A_51 = arith.andi %eq3A_49, %lt3A_50 : vector<8x1xi1>
    %or3A_52 = arith.ori %lt3A_48, %and3A_51 : vector<8x1xi1>
    %select_n3A_53 = arith.select %or3A_52, %concatenate3A_44, %select_n3A_40 : vector<8x1xi1>, vector<8x1xf32>
    %select_n3A_54 = arith.select %or3A_52, %concatenate3A_47, %select_n3A_41 : vector<8x1xi1>, vector<8x1xi32>
    %slice3A_55 = vector.extract_strided_slice %select_n3A_53 {offsets = [7, 0], sizes = [1, 1], strides = [1, 1]} : vector<8x1xf32> to vector<1x1xf32>
    %slice3A_56 = vector.extract_strided_slice %select_n3A_53 {offsets = [0, 0], sizes = [7, 1], strides = [1, 1]} : vector<8x1xf32> to vector<7x1xf32>
    %concatenate3A_57 = tpu.concatenate %slice3A_55, %slice3A_56 in 0 : vector<1x1xf32>, vector<7x1xf32> -> vector<8x1xf32>
    %slice3A_58 = vector.extract_strided_slice %select_n3A_54 {offsets = [7, 0], sizes = [1, 1], strides = [1, 1]} : vector<8x1xi32> to vector<1x1xi32>
    %slice3A_59 = vector.extract_strided_slice %select_n3A_54 {offsets = [0, 0], sizes = [7, 1], strides = [1, 1]} : vector<8x1xi32> to vector<7x1xi32>
    %concatenate3A_60 = tpu.concatenate %slice3A_58, %slice3A_59 in 0 : vector<1x1xi32>, vector<7x1xi32> -> vector<8x1xi32>
    %lt3A_61 = arith.cmpf olt, %concatenate3A_57, %select_n3A_53 : vector<8x1xf32>
    %eq3A_62 = arith.cmpf oeq, %concatenate3A_57, %select_n3A_53 : vector<8x1xf32>
    %lt3A_63 = arith.cmpi slt, %concatenate3A_60, %select_n3A_54 : vector<8x1xi32>
    %and3A_64 = arith.andi %eq3A_62, %lt3A_63 : vector<8x1xi1>
    %or3A_65 = arith.ori %lt3A_61, %and3A_64 : vector<8x1xi1>
    %select_n3A_66 = arith.select %or3A_65, %concatenate3A_60, %select_n3A_54 : vector<8x1xi1>, vector<8x1xi32>
    %slice3A_67 = vector.extract_strided_slice %select_n3A_66 {offsets = [0, 0], sizes = [1, 1], strides = [1, 1]} : vector<8x1xi32> to vector<1x1xi32>
    %squeeze3A = vector.extract %slice3A_67[0, 0] : i32 from vector<1x1xi32>
    %get3A_68 = arith.index_cast %squeeze3A : i32 to index
    %get3A_69 = arith.constant 0 : index
    %get3A_70 = arith.constant 0 : index
    %get3A_71 = vector.load %arg0[%get3A_68, %get3A_69, %get3A_70] : memref<1024x8x128xf32, #tpu.memory_space<vmem>>, vector<1x8x128xf32>
    %get3A_72 = vector.shape_cast %get3A_71 : vector<1x8x128xf32> to vector<8x128xf32>
    %eq3A_73 = vector.broadcast %squeeze3A : i32 to vector<8x128xi32>
    %eq3A_74 = arith.cmpi eq, %add3A, %eq3A_73 : vector<8x128xi32>
    %lt3A_75 = arith.cmpf olt, %get3A_72, %scan3A_24#0 : vector<8x128xf32>
    %and3A_76 = arith.andi %lt3A_75, %lt3A_26 : vector<8x128xi1>
    %not3A = arith.constant dense<true> : vector<8x128xi1>
    %not3A_77 = arith.xori %eq3A_74, %not3A : vector<8x128xi1>
    %and3A_78 = arith.andi %and3A_76, %not3A_77 : vector<8x128xi1>
    %broadcast_in_dim3A_79 = vector.broadcast %squeeze3A : i32 to vector<8x128xi32>
    %select_n3A_80 = arith.select %and3A_78, %broadcast_in_dim3A_79, %scan3A_24#2 : vector<8x128xi1>, vector<8x128xi32>
    %select_n3A_81 = arith.select %and3A_78, %get3A_72, %scan3A_24#1 : vector<8x128xi1>, vector<8x128xf32>
    %lt3A_82 = arith.constant 0x7F800000 : f32
    %lt3A_83 = vector.broadcast %lt3A_82 : f32 to vector<8x128xf32>
    %lt3A_84 = arith.cmpf olt, %scan3A_24#3, %lt3A_83 : vector<8x128xf32>
    %argmin3A_85 = tpu.reduce_index %scan3A_24#3 {axis = 1 : i32, kind = #tpu.reduction_kind<arg_min>} : vector<8x128xf32> -> vector<8xi32>
    %reshape3A_86 = vector.shape_cast %argmin3A_85 : vector<8xi32> to vector<8x1xi32>
    %reduce_min3A_87 = arith.constant dense<0x7F800000> : vector<8xf32>
    %reduce_min3A_88 = vector.multi_reduction <minimumf>, %scan3A_24#3, %reduce_min3A_87 [1] : vector<8x128xf32> to vector<8xf32>
    %reshape3A_89 = vector.shape_cast %reduce_min3A_88 : vector<8xf32> to vector<8x1xf32>
    %mul3A_90 = arith.constant 128 : i32
    %mul3A_91 = vector.broadcast %mul3A_90 : i32 to vector<8x1xi32>
    %mul3A_92 = arith.muli %iota3A_5, %mul3A_91 : vector<8x1xi32>
    %add3A_93 = arith.addi %mul3A_92, %reshape3A_86 : vector<8x1xi32>
    %slice3A_94 = vector.extract_strided_slice %reshape3A_89 {offsets = [4, 0], sizes = [4, 1], strides = [1, 1]} : vector<8x1xf32> to vector<4x1xf32>
    %slice3A_95 = vector.extract_strided_slice %reshape3A_89 {offsets = [0, 0], sizes = [4, 1], strides = [1, 1]} : vector<8x1xf32> to vector<4x1xf32>
    %concatenate3A_96 = tpu.concatenate %slice3A_94, %slice3A_95 in 0 : vector<4x1xf32>, vector<4x1xf32> -> vector<8x1xf32>
    %slice3A_97 = vector.extract_strided_slice %add3A_93 {offsets = [4, 0], sizes = [4, 1], strides = [1, 1]} : vector<8x1xi32> to vector<4x1xi32>
    %slice3A_98 = vector.extract_strided_slice %add3A_93 {offsets = [0, 0], sizes = [4, 1], strides = [1, 1]} : vector<8x1xi32> to vector<4x1xi32>
    %concatenate3A_99 = tpu.concatenate %slice3A_97, %slice3A_98 in 0 : vector<4x1xi32>, vector<4x1xi32> -> vector<8x1xi32>
    %lt3A_100 = arith.cmpf olt, %concatenate3A_96, %reshape3A_89 : vector<8x1xf32>
    %eq3A_101 = arith.cmpf oeq, %concatenate3A_96, %reshape3A_89 : vector<8x1xf32>
    %lt3A_102 = arith.cmpi slt, %concatenate3A_99, %add3A_93 : vector<8x1xi32>
    %and3A_103 = arith.andi %eq3A_101, %lt3A_102 : vector<8x1xi1>
    %or3A_104 = arith.ori %lt3A_100, %and3A_103 : vector<8x1xi1>
    %select_n3A_105 = arith.select %or3A_104, %concatenate3A_96, %reshape3A_89 : vector<8x1xi1>, vector<8x1xf32>
    %select_n3A_106 = arith.select %or3A_104, %concatenate3A_99, %add3A_93 : vector<8x1xi1>, vector<8x1xi32>
    %slice3A_107 = vector.extract_strided_slice %select_n3A_105 {offsets = [6, 0], sizes = [2, 1], strides = [1, 1]} : vector<8x1xf32> to vector<2x1xf32>
    %slice3A_108 = vector.extract_strided_slice %select_n3A_105 {offsets = [0, 0], sizes = [6, 1], strides = [1, 1]} : vector<8x1xf32> to vector<6x1xf32>
    %concatenate3A_109 = tpu.concatenate %slice3A_107, %slice3A_108 in 0 : vector<2x1xf32>, vector<6x1xf32> -> vector<8x1xf32>
    %slice3A_110 = vector.extract_strided_slice %select_n3A_106 {offsets = [6, 0], sizes = [2, 1], strides = [1, 1]} : vector<8x1xi32> to vector<2x1xi32>
    %slice3A_111 = vector.extract_strided_slice %select_n3A_106 {offsets = [0, 0], sizes = [6, 1], strides = [1, 1]} : vector<8x1xi32> to vector<6x1xi32>
    %concatenate3A_112 = tpu.concatenate %slice3A_110, %slice3A_111 in 0 : vector<2x1xi32>, vector<6x1xi32> -> vector<8x1xi32>
    %lt3A_113 = arith.cmpf olt, %concatenate3A_109, %select_n3A_105 : vector<8x1xf32>
    %eq3A_114 = arith.cmpf oeq, %concatenate3A_109, %select_n3A_105 : vector<8x1xf32>
    %lt3A_115 = arith.cmpi slt, %concatenate3A_112, %select_n3A_106 : vector<8x1xi32>
    %and3A_116 = arith.andi %eq3A_114, %lt3A_115 : vector<8x1xi1>
    %or3A_117 = arith.ori %lt3A_113, %and3A_116 : vector<8x1xi1>
    %select_n3A_118 = arith.select %or3A_117, %concatenate3A_109, %select_n3A_105 : vector<8x1xi1>, vector<8x1xf32>
    %select_n3A_119 = arith.select %or3A_117, %concatenate3A_112, %select_n3A_106 : vector<8x1xi1>, vector<8x1xi32>
    %slice3A_120 = vector.extract_strided_slice %select_n3A_118 {offsets = [7, 0], sizes = [1, 1], strides = [1, 1]} : vector<8x1xf32> to vector<1x1xf32>
    %slice3A_121 = vector.extract_strided_slice %select_n3A_118 {offsets = [0, 0], sizes = [7, 1], strides = [1, 1]} : vector<8x1xf32> to vector<7x1xf32>
    %concatenate3A_122 = tpu.concatenate %slice3A_120, %slice3A_121 in 0 : vector<1x1xf32>, vector<7x1xf32> -> vector<8x1xf32>
    %slice3A_123 = vector.extract_strided_slice %select_n3A_119 {offsets = [7, 0], sizes = [1, 1], strides = [1, 1]} : vector<8x1xi32> to vector<1x1xi32>
    %slice3A_124 = vector.extract_strided_slice %select_n3A_119 {offsets = [0, 0], sizes = [7, 1], strides = [1, 1]} : vector<8x1xi32> to vector<7x1xi32>
    %concatenate3A_125 = tpu.concatenate %slice3A_123, %slice3A_124 in 0 : vector<1x1xi32>, vector<7x1xi32> -> vector<8x1xi32>
    %lt3A_126 = arith.cmpf olt, %concatenate3A_122, %select_n3A_118 : vector<8x1xf32>
    %eq3A_127 = arith.cmpf oeq, %concatenate3A_122, %select_n3A_118 : vector<8x1xf32>
    %lt3A_128 = arith.cmpi slt, %concatenate3A_125, %select_n3A_119 : vector<8x1xi32>
    %and3A_129 = arith.andi %eq3A_127, %lt3A_128 : vector<8x1xi1>
    %or3A_130 = arith.ori %lt3A_126, %and3A_129 : vector<8x1xi1>
    %select_n3A_131 = arith.select %or3A_130, %concatenate3A_125, %select_n3A_119 : vector<8x1xi1>, vector<8x1xi32>
    %slice3A_132 = vector.extract_strided_slice %select_n3A_131 {offsets = [0, 0], sizes = [1, 1], strides = [1, 1]} : vector<8x1xi32> to vector<1x1xi32>
    %squeeze3A_133 = vector.extract %slice3A_132[0, 0] : i32 from vector<1x1xi32>
    %get3A_134 = arith.index_cast %squeeze3A_133 : i32 to index
    %get3A_135 = arith.constant 0 : index
    %get3A_136 = arith.constant 0 : index
    %get3A_137 = vector.load %arg1[%get3A_134, %get3A_135, %get3A_136] : memref<1024x8x128xf32, #tpu.memory_space<vmem>>, vector<1x8x128xf32>
    %get3A_138 = vector.shape_cast %get3A_137 : vector<1x8x128xf32> to vector<8x128xf32>
    %eq3A_139 = vector.broadcast %squeeze3A_133 : i32 to vector<8x128xi32>
    %eq3A_140 = arith.cmpi eq, %add3A, %eq3A_139 : vector<8x128xi32>
    %lt3A_141 = arith.cmpf olt, %get3A_138, %scan3A_24#3 : vector<8x128xf32>
    %and3A_142 = arith.andi %lt3A_141, %lt3A_84 : vector<8x128xi1>
    %not3A_143 = arith.constant dense<true> : vector<8x128xi1>
    %not3A_144 = arith.xori %eq3A_140, %not3A_143 : vector<8x128xi1>
    %and3A_145 = arith.andi %and3A_142, %not3A_144 : vector<8x128xi1>
    %broadcast_in_dim3A_146 = vector.broadcast %squeeze3A_133 : i32 to vector<8x128xi32>
    %select_n3A_147 = arith.select %and3A_145, %broadcast_in_dim3A_146, %scan3A_24#5 : vector<8x128xi1>, vector<8x128xi32>
    %select_n3A_148 = arith.select %and3A_145, %get3A_138, %scan3A_24#4 : vector<8x128xi1>, vector<8x128xf32>
    %not3A_149 = arith.constant dense<true> : vector<8x128xi1>
    %not3A_150 = arith.xori %eq3A_4, %not3A_149 : vector<8x128xi1>
    %eq3A_151 = arith.cmpi eq, %select_n3A_80, %select_n3A_147 : vector<8x128xi32>
    %and3A_152 = arith.andi %eq3A_151, %not3A_150 : vector<8x128xi1>
    %jit3A_153 = arith.constant 1.000000e+00 : f32
    %jit3A_154 = arith.constant 0.000000e+00 : f32
    %broadcast_in_dim3A_155 = vector.broadcast %jit3A_153 : f32 to vector<8x128xf32>
    %broadcast_in_dim3A_156 = vector.broadcast %jit3A_154 : f32 to vector<8x128xf32>
    %select_n3A_157 = arith.select %and3A_152, %broadcast_in_dim3A_155, %broadcast_in_dim3A_156 : vector<8x128xi1>, vector<8x128xf32>
    %reduce_sum3A = vector.shape_cast %select_n3A_157 : vector<8x128xf32> to vector<1x8x128xf32>
    %reduce_sum3A_158 = arith.constant dense<0.000000e+00> : vector<1xf32>
    %reduce_sum3A_159 = vector.multi_reduction <add>, %reduce_sum3A, %reduce_sum3A_158 [1, 2] : vector<1x8x128xf32> to vector<1xf32>
    %reduce_sum3A_160 = vector.shape_cast %reduce_sum3A_159 : vector<1xf32> to vector<1x1x1xf32>
    %reduce_sum3A_161 = vector.extract %reduce_sum3A_160[0, 0, 0] : f32 from vector<1x1x1xf32>
    %mul3A_162 = arith.constant 8 : i32
    %mul3A_163 = vector.broadcast %mul3A_162 : i32 to vector<8x128xi32>
    %mul3A_164 = arith.muli %select_n3A_80, %mul3A_163 : vector<8x128xi32>
    %shift_right_arithmetic3A = arith.constant 7 : i32
    %shift_right_arithmetic3A_165 = vector.broadcast %shift_right_arithmetic3A : i32 to vector<8x128xi32>
    %shift_right_arithmetic3A_166 = arith.shrsi %add3A, %shift_right_arithmetic3A_165 : vector<8x128xi32>
    %add3A_167 = arith.addi %mul3A_164, %shift_right_arithmetic3A_166 : vector<8x128xi32>
    %swap3A = arith.constant 0 : index
    %swap3A_168 = arith.constant 0 : index
    %swap3A_169 = vector.load %arg2[%swap3A, %swap3A_168] : memref<8x128xi32, #tpu.memory_space<vmem>>, vector<8x128xi32>
    tpu.vector_store %arg2[%swap3A, %swap3A_168], %add3A_167 {strides = array<i32>} : memref<8x128xi32, #tpu.memory_space<vmem>>, vector<8x128xi32>,
    %mul3A_170 = arith.constant 8 : i32
    %mul3A_171 = vector.broadcast %mul3A_170 : i32 to vector<8x128xi32>
    %mul3A_172 = arith.muli %select_n3A_147, %mul3A_171 : vector<8x128xi32>
    %shift_right_arithmetic3A_173 = arith.constant 7 : i32
    %shift_right_arithmetic3A_174 = vector.broadcast %shift_right_arithmetic3A_173 : i32 to vector<8x128xi32>
    %shift_right_arithmetic3A_175 = arith.shrsi %add3A, %shift_right_arithmetic3A_174 : vector<8x128xi32>
    %add3A_176 = arith.addi %mul3A_172, %shift_right_arithmetic3A_175 : vector<8x128xi32>
    %swap3A_177 = arith.constant 0 : index
    %swap3A_178 = arith.constant 0 : index
    %swap3A_179 = vector.load %arg3[%swap3A_177, %swap3A_178] : memref<8x128xi32, #tpu.memory_space<vmem>>, vector<8x128xi32>
    tpu.vector_store %arg3[%swap3A_177, %swap3A_178], %add3A_176 {strides = array<i32>} : memref<8x128xi32, #tpu.memory_space<vmem>>, vector<8x128xi32>,
    %swap3A_180 = arith.constant 0 : index
    %swap3A_181 = arith.constant 0 : index
    %swap3A_182 = vector.load %arg4[%swap3A_180, %swap3A_181] : memref<8x128xf32, #tpu.memory_space<vmem>>, vector<8x128xf32>
    tpu.vector_store %arg4[%swap3A_180, %swap3A_181], %select_n3A_81 {strides = array<i32>} : memref<8x128xf32, #tpu.memory_space<vmem>>, vector<8x128xf32>,
    %swap3A_183 = arith.constant 0 : index
    %swap3A_184 = arith.constant 0 : index
    %swap3A_185 = vector.load %arg5[%swap3A_183, %swap3A_184] : memref<8x128xf32, #tpu.memory_space<vmem>>, vector<8x128xf32>
    tpu.vector_store %arg5[%swap3A_183, %swap3A_184], %select_n3A_148 {strides = array<i32>} : memref<8x128xf32, #tpu.memory_space<vmem>>, vector<8x128xf32>,
    %reshape3A_186 = vector.broadcast %reduce_sum3A_161 : f32 to vector<1x1xf32>
    %swap3A_187 = arith.constant 0 : index
    %swap3A_188 = arith.constant 0 : index
    %swap3A_189 = vector.load %arg6[%swap3A_187, %swap3A_188] : memref<1x1xf32, #tpu.memory_space<vmem>>, vector<1x1xf32>
    tpu.vector_store %arg6[%swap3A_187, %swap3A_188], %reshape3A_186 {strides = array<i32>} : memref<1x1xf32, #tpu.memory_space<vmem>>, vector<1x1xf32>,
    return
  }
}

</mosaic_0001>

<sc_bundles>
// kernel: kernel.5.cloned.1.call-start
scs
__scs_entry_jumppad:
0x0: {  	(pc) =	sbr.rel $0x88, $3  }
0x1: {  	(tag) =	ssettag $0x0;
	lr =	simm.s32 $0x1  }
0x2: {  	[smem:$0x3F9F] =	sst lr;
	_ =	strace $0xD0000000  }
0x3: {  	_ = 	snop  }
0x4: {  	_ = 	snop  }
0x5: {  	_ = 	snop  }
0x6: {  	_ = 	snop  }
0x7: {  	_ = 	snop  }
__scs_overlays_trampoline_lowered:
0x8: {  	[smem:$0x3FAE] =	sst s0  }
0x9: {  	[smem:$0x3FAF] =	sst s1  }
0xa: {  	[smem:$0x3FB0] =	sst s2  }
0xb: {  	[smem:$0x3FB1] =	sst s3  }
0xc: {  	[smem:$0x3FB2] =	sst s4  }
0xd: {  	[smem:$0x3FB3] =	sst s5  }
0xe: {  	[smem:$0x3FB4] =	sst s6  }
0xf: {  	[smem:$0x3FB5] =	sst s7  }
0x10: {  	[smem:$0x3FB6] =	sst s8  }
0x11: {  	[smem:$0x3FB7] =	sst s9;
	s0 =	simm.s32 @!p0 $0x0  }
0x12: {  	s1 =	sld [smem:$0x3F9D];
	s0 =	simm.s32 @p0 $0x1  }
0x13: {  	[smem:$0x3FB8] =	sst s0;
	s0 =	simm.s32 @!p1 $0x0  }
0x14: {  	s2 =	sld [smem:$0x3F9C];
	s0 =	simm.s32 @p1 $0x1  }
0x15: {  	[smem:$0x3FB9] =	sst s0;
	s0 =	simm.s32 @!p2 $0x0  }
0x16: {  	s3 =	sld [smem:$0x3FDB];
	s0 =	simm.s32 @p2 $0x1  }
0x17: {  	s4 =	simm.s32 $0x1BF5;
	[smem:$0x3FBB] =	sst s0  }
0x18: {  	s0 =	sld [smem:$0x3F9E];
	_ =	swait.ge [sflag:s4], $0x0  }
0x19: {  	s7 =	sld [smem:$0x3F9F]  }
0x1a: {  	s8 =	sadd.s32 $0xFFFFE003, lr  }
0x1b: {  	s9 =	sadd.s32 $0xFFFFFEF7, lr;
	s5 =	simm.s32 $0xFFFFFFFF;
	p2 =	slt.u32 s8, $0xFFFFF086  }
0x1c: {  	p1 =	slt.u32 s9, $0xF7A;
	s5 =	simm.s32 @!p2 $0x0  }
0x1d: {  	s5 =	simm.s32 @p1 $0x1;
	p0 =	seq.s32 s7, s2  }
0x1e: {  	s7 =	smul.u32 @!p0 $0xF7A, s2;
	p2 =	seq.s32 @!p0 s5, $0x0  }
0x1f: {  	s9 =	smul.u32 $0xF7A, s1;
	s8 =	simm.s32 @!p0 $0x1BF5;
	p2 =	por !p2, p0  }
0x20: {  	[sflag:s8] =	ssyncset.s32 @!p0 $0xFFFFF086;
	s6 =	sadd.s32 @!p0 s3, s7;
	s7 =	simm.s32 @!p0 $0x108  }
0x21: {  	s3 =	sadd.s32 s3, s9;
	s6 =	sadd.s32 @!p0 $0x88, s6;
	s7 =	simm.s32 @p2 $0x1082  }
0x22: {  	[simem:s7], [sflag:s8] =	dma.local @!p0 [hbm:s6], $0xF7A  }
0x23: {  	s9 =	sor.u32 $0xD0000000, s2;
	s6 =	simm.s32 $0x108;
	_ =	swait.ge @!p0 [sflag:s8], $0x0  }
0x24: {  	s3 =	sadd.s32 $0x88, s3;
	s6 =	simm.s32 @!p1 $0x1082;
	[sflag:s4] =	ssyncset.s32 $0xFFFFF086  }
0x25: {  	[simem:s6], [sflag:s4] =	dma.local [hbm:s3], $0xF7A  }
0x26: {  	[smem:$0x3F9F] =	sst s1;
	(tag) =	ssettag s2;
	_ =	strace s9  }
0x27: {  	s1 =	sld [smem:$0x3FAF]  }
0x28: {  	s2 =	sld [smem:$0x3FB0]  }
0x29: {  	s4 =	sld [smem:$0x3FB2]  }
0x2a: {  	p0 =	seq.s32 s5, $0x0;
	s5 =	sld [smem:$0x3FB3]  }
0x2b: {  	s6 =	sld [smem:$0x3FB4]  }
0x2c: {  	s7 =	sld [smem:$0x3FB5]  }
0x2d: {  	s3 =	simm.s32 $0x108;
	s8 =	sld [smem:$0x3FB6]  }
0x2e: {  	s3 =	simm.s32 @!p0 $0x1082;
	s9 =	sld [smem:$0x3FB7]  }
0x2f: {  	lr =	sadd.s32 s0, s3;
	s0 =	sld [smem:$0x3FAE]  }
0x30: {  	s3 =	sld [smem:$0x3FB1]  }
0x31: {  	[smem:$0x3FBA] =	sst s10  }
0x32: {  	s10 =	sld [smem:$0x3FB8];
	_ =	sdelay $0x3  }
0x33: {  	p0 =	seq.s32 s10, $0x1;
	s10 =	sld [smem:$0x3FBA];
	_ =	sdelay $0x3  }
0x34: {  	[smem:$0x3FBA] =	sst s10  }
0x35: {  	s10 =	sld [smem:$0x3FB9];
	_ =	sdelay $0x3  }
0x36: {  	p1 =	seq.s32 s10, $0x1;
	s10 =	sld [smem:$0x3FBA];
	_ =	sdelay $0x3  }
0x37: {  	[smem:$0x3FBA] =	sst s10  }
0x38: {  	s10 =	sld [smem:$0x3FBB]  }
0x39: {  	_ = 	snop;
	(pc) =	sbr.ind lr, $3  }
0x3a: {  	_ = 	snop  }
0x3b: {  	_ = 	snop  }
0x3c: {  	p2 =	seq.s32 s10, $0x1;
	s10 =	sld [smem:$0x3FBA]  }
0x3d: {  	_ =	shalt  }
0x3e: {  	_ =	shalt  }
0x3f: {  	_ =	shalt  }
0x40: {  	_ =	shalt  }
0x41: {  	_ =	shalt  }
0x42: {  	_ =	shalt  }
0x43: {  	_ =	shalt  }
0x44: {  	_ =	shalt  }
0x45: {  	_ =	shalt  }
0x46: {  	_ =	shalt  }
0x47: {  	_ =	shalt  }
0x48: {  	_ =	shalt  }
0x49: {  	_ =	shalt  }
0x4a: {  	_ =	shalt  }
0x4b: {  	_ =	shalt  }
0x4c: {  	_ =	shalt  }
0x4d: {  	_ =	shalt  }
0x4e: {  	_ =	shalt  }
0x4f: {  	_ =	shalt  }
0x50: {  	_ =	shalt  }
0x51: {  	_ =	shalt  }
0x52: {  	_ =	shalt  }
0x53: {  	_ =	shalt  }
0x54: {  	_ =	shalt  }
0x55: {  	_ =	shalt  }
0x56: {  	_ =	shalt  }
0x57: {  	_ =	shalt  }
0x58: {  	_ =	shalt  }
0x59: {  	_ =	shalt  }
0x5a: {  	_ =	shalt  }
0x5b: {  	_ =	shalt  }
0x5c: {  	_ =	shalt  }
0x5d: {  	_ =	shalt  }
0x5e: {  	_ =	shalt  }
0x5f: {  	_ =	shalt  }
0x60: {  	_ =	shalt  }
0x61: {  	_ =	shalt  }
0x62: {  	_ =	shalt  }
0x63: {  	_ =	shalt  }
0x64: {  	_ =	shalt  }
0x65: {  	_ =	shalt  }
0x66: {  	_ =	shalt  }
0x67: {  	_ =	shalt  }
0x68: {  	_ =	shalt  }
0x69: {  	_ =	shalt  }
0x6a: {  	_ =	shalt  }
0x6b: {  	_ =	shalt  }
0x6c: {  	_ =	shalt  }
0x6d: {  	_ =	shalt  }
0x6e: {  	_ =	shalt  }
0x6f: {  	_ =	shalt  }
0x70: {  	_ =	shalt  }
0x71: {  	_ =	shalt  }
0x72: {  	_ =	shalt  }
0x73: {  	_ =	shalt  }
0x74: {  	_ =	shalt  }
0x75: {  	_ =	shalt  }
0x76: {  	_ =	shalt  }
0x77: {  	_ =	shalt  }
0x78: {  	_ =	shalt  }
0x79: {  	_ =	shalt  }
0x7a: {  	_ =	shalt  }
0x7b: {  	_ =	shalt  }
0x7c: {  	_ =	shalt  }
0x7d: {  	_ =	shalt  }
0x7e: {  	_ =	shalt  }
0x7f: {  	_ =	shalt  }
0x80: {  	_ =	shalt  }
0x81: {  	_ =	shalt  }
0x82: {  	_ =	shalt  }
0x83: {  	_ =	shalt  }
0x84: {  	_ =	shalt  }
0x85: {  	_ =	shalt  }
0x86: {  	_ =	shalt  }
0x87: {  	_ =	shalt  }
.Lfunc_end0:
.L_simem_size_0:
called_computation_lowered:
.L_overlay_start_0:
0x88: {  	s2 =	sld [smem:$0x3FD9]  }
0x89: {  	s3 =	sld [smem:$0x3FFE];
	_ =	sdelay $0x1  }
0x8a: {  	s1 =	srdreg.scid  }
0x8b: {  	s0 =	sand.u32 $0x1, s1  }
0x8c: {  	s16 =	sshll.u32 s0, $0xA;
	s2 =	sadd.s32 s3, s2  }
0x8d: {  	s2 =	sadd.s32 s2, s16  }
0x8e: {  	[smem:$0x3FC6] =	sst s2  }
0x8f: {  	_ = 	snop  }
0x90: {  	(tm) =	ssettm $0x1  }
0x91: {  	s17 =	sld [smem:$0x3FFB];
	_ =	sdelay $0x3  }
0x92: {  	_ =	strace s17  }
0x93: {  	s2 =	sld [smem:$0x3FFC];
	_ =	sdelay $0x3  }
0x94: {  	_ =	strace s2  }
0x95: {  	s2 =	sld [smem:$0x3FFD];
	_ =	sdelay $0x3  }
0x96: {  	_ =	strace s2  }
0x97: {  	_ =	strace $0x8FFFFFFF  }
0x98: {  	s18 =	sld [smem:$0x3FDB];
	_ =	sdelay $0x1  }
0x99: {  	s19 =	simm.s32 $_scs_section_size  }
0x9a: {  	s4 =	simm.s32 $_size__tile_overlayer_lowered;
	s5 =	simm.s32 $_tile_overlayer_lowered  }
0x9b: {  	s22 =	simm.s32 $0x1BFF;
	s21 =	sshll.u32 s5, $0x1;
	s2 =	sadd.s32 s19, s18  }
0x9c: {  	s6 =	simm.s32 $0x0;
	s20 =	sshll.u32 s4, $0x1;
	s4 =	sadd.s32 s21, s2  }
0x9d: {  	[timem:s6], [sflag:s22] =	dma.local [hbm:s4], s20  }
0x9e: {  	_ =	swait.ge [sflag:s22], s20  }
0x9f: {  	s3 =	ssub.s32 $0x0, s20;
	[sflag:s22] =	ssyncset.done $0x0  }
0xa0: {  	[sflag:s22] =	ssyncadd.s32 s3;
	_ =	sdelay $0x1  }
0xa1: {  	s23 =	simm.s32 $0x1B8B  }
0xa2: {  	_ =	swait.ge [sflag:s23], $0x1  }
0xa3: {  	[sflag:s23] =	ssyncset.done $0x0  }
0xa4: {  	s25 =	simm.s32 $0x1B8E;
	s24 =	sld [smem:$0x3FFE];
	[sflag:s23] =	ssyncadd.s32 $0xFFFFFFFF  }
0xa5: {  	s26 =	simm.s32 $execute0_lowered;
	[smem:$0x3FD2] =	sst s25  }
0xa6: {  	s4 =	sshll.u32 s26, $0x1;
	_ =	strace $0x80000046;
	[dreg:$0x1] =	wrdreg $0xFFFFFFFF  }
0xa7: {  	s28 =	simm.s32 $_size_execute0_lowered;
	s2 =	sadd.s32 s2, s4;
	[dreg:$0x0] =	wrdreg $0x0  }
0xa8: {  	s4 =	sshll.u32 s28, $0x1;
	[dreg:$0x2] =	wrdreg s2  }
0xa9: {  	[dreg:$0x3] =	wrdreg s4  }
0xaa: {  	[dreg:$0x4] =	wrdreg $0xC0  }
0xab: {  	_ =	task [dreg:s6], $0x5FFFF  }
0xac: {  	[dreg:$0x1] =	wrdreg $0xFFFFFFFF  }
0xad: {  	[dreg:$0x0] =	wrdreg $0x60  }
0xae: {  	[dreg:$0x2] =	wrdreg s24  }
0xaf: {  	[dreg:$0x3] =	wrdreg $0x9  }
0xb0: {  	_ =	task.clear_ibuf [dreg:s6], $0x4FFFF;
	_ =	strace $0x90000046  }
0xb1: {  	s29 =	simm.s32 $0x9;
	_ =	strace $0x80000048  }
0xb2: {  	_ =	swait.ge [sflag:s29], $0x1  }
0xb3: {  	[sflag:s29] =	ssyncadd.s32 $0xFFFFFFFF  }
0xb4: {  	_ =	strace $0x90000048  }
0xb5: {  	_ =	sfence  }
0xb6: {  	s30 =	sld [smem:$0x0];
	_ =	sdelay $0x2  }
0xb7: {  	s31 =	sshll.u32 s1, $0xD;
	s1 =	sshrl.u32 s1, $0x2  }
0xb8: {  	s3 =	sand.u32 $0x4000, s31;
	s1 =	sadd.s32 s1, s30  }
0xb9: {  	s0 =	sor.u32 s3, s0;
	s1 =	sshll.u32 s1, $0x11  }
0xba: {  	s0 =	sor.u32 s1, s0  }
0xbb: {  	s0 =	sadd.s32 $0x8F2B, s0  }
0xbc: {  	[sflag:s0] =	ssyncadd.remote.s32 $0x1  }
0xbd: {  	_ =	sfence.sel $0xFFFF  }
0xbe: {  	[dreg:$0x0] =	wrdreg $0xFFFFFFFF;
	(pc) =	sbr.abs _section_cstart, $3  }
0xbf: {  	[dreg:$0x1] =	wrdreg $0xFFFFFFFF  }
0xc0: {  	_ =	task.clear_ibuf [dreg:s6], $0x2FFFF;
	_ =	strace $0x9FFFFFFF  }
0xc1: {  	(tm) =	ssettm $0x7FFFFFFF  }
tec
execute0_lowered:
.L_overlay_start_1:
0x0: {  	(tag) =	ssettag $0x1  }
0x1: {  	s1 =	srdreg.scid  }
0x2: {  	s0 =	stileid.u32;
	s14 =	sand.u32 $0x1, s1  }
0x3: {  	s31 =	sshll.u32 s0, $0x6;
	s2 =	sshll.u32 s14, $0x5  }
0x4: {  	s13 =	rddreg [dreg:$0x0];
	s15 =	sor.u32 s2, s31  }
0x5: {  	s1 =	rddreg [dreg:$0x1];
	s2 =	simm.s32 $0x0;
	s3 =	sshrl.u32 s15, $0x3  }
0x6: {  	[smem:$0x7FF] =	sst s2;
	s5 =	sadd.s32 s3, s13  }
0x7: {  	_ =	strace $0x80000047;
	s3 =	simm.s32 $0x3;
	s4 =	sadd.s32 $0x41A00, s5  }
0x8: {  	[tilespmem:s2], [sflag:$0x3] =	stream.linear.gather [hbm4b:s4+s2], $0x20, $0x38;
	[tilespmem:$0x2100] =	vst v63  }
0x9: {  	_ =	swait.ge [sflag:s3], $0x20  }
0xa: {  	[sflag:s3] =	ssyncset.done $0x0  }
0xb: {  	s6 =	simm.s32 $0x80;
	s5 =	sadd.s32 $0x41800, s5;
	[sflag:s3] =	ssyncadd.s32 $0xFFFFFFE0  }
0xc: {  	[tilespmem:s6], [sflag:$0x3] =	stream.linear.gather [hbm4b:s5+s2], $0x20, $0x38;
	[tilespmem:$0x2100] =	vst v63  }
0xd: {  	_ =	swait.ge [sflag:s3], $0x20  }
0xe: {  	s8 =	simm.s32 $0x20;
	[sflag:s3] =	ssyncset.done $0x0  }
0xf: {  	s9 =	simm.s32 $0x100;
	s7 =	sadd.s32 $0x1800, s13;
	[sflag:s3] =	ssyncadd.s32 $0xFFFFFFE0  }
0x10: {  	[tilespmem:s9], [sflag:$0x1] =	stream.indirect.gather [hbm4b:s7+s8], $0x80, s2, s8, $0xb8;
	[tilespmem:$0x2100] =	vst v63  }
0x11: {  	s11 =	simm.s32 $0x1100;
	s12 =	simm.s32 $0x1;
	s10 =	sadd.s32 $0x21800, s13  }
0x12: {  	[tilespmem:s11], [sflag:$0x2] =	stream.indirect.gather [hbm4b:s10+s8], $0x80, s6, s8, $0xb8;
	[tilespmem:$0x2100] =	vst v63  }
0x13: {  	s15 =	sshll.u32 s15, $0x4;
	_ =	swait.ge [sflag:s12], $0x1000  }
0x14: {  	s15 =	sadd.s32 s15, s13;
	[sflag:s12] =	ssyncset.done $0x0  }
0x15: {  	s16 =	ssub.s32 $0x2, s14;
	s13 =	sadd.s32 $0x41C00, s15;
	[sflag:s12] =	ssyncadd.s32 $0xFFFFF000  }
0x16: {  	[hbm4b:s13+s2] =	stream.linear.scatter [tilespmem:s9], [sflag:$0x3], $0x1000, $0x38;
	[tilespmem:$0x2100] =	vst v63  }
0x17: {  	s17 =	sshrl.u32 s16, $0x1;
	_ =	swait.ge [sflag:s3], $0x1000  }
0x18: {  	s16 =	ssub.s32 s16, s17;
	[sflag:s3] =	ssyncset.done $0x0  }
0x19: {  	s14 =	simm.s32 $0x2;
	s16 =	smax.u32 s16, $0x1;
	[sflag:s3] =	ssyncadd.s32 $0xFFFFF000  }
0x1a: {  	p0 =	sne.s32 s16, $0x1;
	_ =	swait.ge [sflag:s14], $0x1000  }
.Ltmp0:
0x1b: {  	[sflag:s14] =	ssyncset.done $0x0;
	(pc) =	sbr.rel @!p0 .LBB2_2-.Ltmp0, $4  }
0x1c: {  	s15 =	sadd.s32 $0x45C00, s15;
	[sflag:s14] =	ssyncadd.s32 $0xFFFFF000  }
0x1d: {  	[hbm4b:s15+s2] =	stream.linear.scatter [tilespmem:s11], [sflag:$0x3], $0x1000, $0x38;
	[tilespmem:$0x2100] =	vst v63  }
0x1e: {  	_ =	swait.ge [sflag:s3], $0x1000  }
0x1f: {  	s16 =	sadd.s32 $0xFFFFFFFF, s16;
	[sflag:s3] =	ssyncset.done $0x0  }
.LBB2_1:
0x20: {  	p0 =	sne.s32 s16, $0x1;
	s16 =	sadd.s32 $0xFFFFFFFF, s16;
	[sflag:s3] =	ssyncadd.s32 $0xFFFFF000  }
0x21: {  	[tilespmem:s2], [sflag:$0x3] =	stream.linear.gather [hbm4b:s4+s2], $0x20, $0x38;
	[tilespmem:$0x2100] =	vst v63  }
0x22: {  	_ =	swait.ge [sflag:s3], $0x20  }
0x23: {  	[sflag:s3] =	ssyncset.done $0x0  }
0x24: {  	[sflag:s3] =	ssyncadd.s32 $0xFFFFFFE0  }
0x25: {  	[tilespmem:s6], [sflag:$0x3] =	stream.linear.gather [hbm4b:s5+s2], $0x20, $0x38;
	[tilespmem:$0x2100] =	vst v63  }
0x26: {  	_ =	swait.ge [sflag:s3], $0x20  }
0x27: {  	[sflag:s3] =	ssyncset.done $0x0  }
0x28: {  	[sflag:s3] =	ssyncadd.s32 $0xFFFFFFE0  }
0x29: {  	[tilespmem:s9], [sflag:$0x1] =	stream.indirect.gather [hbm4b:s7+s8], $0x80, s2, s8, $0xb8;
	[tilespmem:$0x2100] =	vst v63  }
0x2a: {  	_ = 	snop  }
0x2b: {  	[tilespmem:s11], [sflag:$0x2] =	stream.indirect.gather [hbm4b:s10+s8], $0x80, s6, s8, $0xb8;
	[tilespmem:$0x2100] =	vst v63  }
0x2c: {  	_ =	swait.ge [sflag:s12], $0x1000  }
0x2d: {  	[sflag:s12] =	ssyncset.done $0x0  }
0x2e: {  	[sflag:s12] =	ssyncadd.s32 $0xFFFFF000  }
0x2f: {  	[hbm4b:s13+s2] =	stream.linear.scatter [tilespmem:s9], [sflag:$0x3], $0x1000, $0x38;
	[tilespmem:$0x2100] =	vst v63  }
0x30: {  	_ =	swait.ge [sflag:s3], $0x1000  }
0x31: {  	[sflag:s3] =	ssyncset.done $0x0  }
0x32: {  	[sflag:s3] =	ssyncadd.s32 $0xFFFFF000  }
0x33: {  	_ =	swait.ge [sflag:s14], $0x1000  }
.Ltmp1:
0x34: {  	[sflag:s14] =	ssyncset.done $0x0;
	(pc) =	sbr.rel @p0 .LBB2_1-.Ltmp1, $4  }
0x35: {  	[sflag:s14] =	ssyncadd.s32 $0xFFFFF000  }
0x36: {  	[hbm4b:s15+s2] =	stream.linear.scatter [tilespmem:s11], [sflag:$0x3], $0x1000, $0x38;
	[tilespmem:$0x2100] =	vst v63  }
0x37: {  	_ =	swait.ge [sflag:s3], $0x1000  }
0x38: {  	[sflag:s3] =	ssyncset.done $0x0  }
.LBB2_2:
0x39: {  	[sflag:s3] =	ssyncadd.s32 $0xFFFFF000  }
0x3a: {  	_ =	sfence.sel $0x180000  }
0x3b: {  	[bflag:$0x0] =	sbarrier.arrive $0xFFFF  }
0x3c: {  	p0 =	sne.s32 s0, $0x0;
	_ =	strace $0x90000047  }
0x3d: {  	s0 =	sadd.s32 @!p0 $0x100000, s1;
	[bflag:$0x2] =	sbarrier.arrive $0xFFFF  }
0x3e: {  	[sflag:s0] =	ssyncadd.tile.s32 @!p0 $0x1;
	_ =	shalt  }
.Lfunc_end2:
_tile_overlayer_lowered:
.L_overlay_start_2:
0x3f: {  	(tag) =	ssettag $0x2  }
0x40: {  	s0 =	rddreg [dreg:$0x0];
	s2 =	stileid.u32  }
0x41: {  	s1 =	rddreg [dreg:$0x1];
	p0 =	sne.s32 s2, $0x0  }
0x42: {  	s3 =	rddreg [dreg:$0x2];
	[bflag:$0x3] =	sbarrier.arrive $0xFFFF;
	s2 =	simm.s32 @!p0 $0x1C03  }
0x43: {  	[timem:s3], [sflag:s2] =	dma.local @!p0 [hbm:s0], s1  }
0x44: {  	s0 =	simm.s32 @!p0 $0x3  }
0x45: {  	_ =	swait.ge @!p0 [sflag:s0], s1  }
0x46: {  	s1 =	ssub.s32 @!p0 $0x0, s1;
	[sflag:s0] =	ssyncset.done @!p0 $0x0  }
0x47: {  	[sflag:s0] =	ssyncadd.s32 @!p0 s1  }
0x48: {  	[bflag:$0x3] =	sbarrier.arrive $0xFFFF  }
0x49: {  	_ =	shalt  }

</sc_bundles>
